<compile_context>
chip_gen: v7x
topology: tpu7x:2x2x1
jax: 0.10.2.dev20260603
libtpu: 0.0.44.dev20260713+nightly
codegen_flags: <defaults>
</compile_context>

<pallas_src>
import functools

import jax
import jax.numpy as jnp
from jax.experimental import pallas as pl
from jax.experimental.pallas import tpu as pltpu
from jax.experimental.pallas import tpu_sc as plsc

_BN = 256

_PREC = jax.lax.Precision.DEFAULT


def _b2_body(cbt_ref, b2_ref):
    cbt = cbt_ref[...]
    b2_ref[...] = jnp.sum(cbt * cbt, axis=0, keepdims=True)


def _codeword_norms(cbt):
    d, k = cbt.shape
    return pl.pallas_call(
        _b2_body,
        out_shape=jax.ShapeDtypeStruct((1, k), jnp.float32),
    )(cbt)


def _assign_body(x_ref, cbt_ref, b2_ref, key_ref, enc_ref):
    x = x_ref[...]
    a2 = jnp.sum(x * x, axis=1, keepdims=True)
    s = jax.lax.dot_general(
        x.astype(jnp.bfloat16), cbt_ref[...], (((1,), (0,)), ((), ())),
        preferred_element_type=jnp.float32, precision=_PREC,
    )
    d2 = (a2 - 2.0 * s) + b2_ref[...]
    m = jnp.min(d2, axis=1, keepdims=True)
    thr = jnp.where(m > 0, m * (1.0 + 0.9e-7), 0.0)
    keys = jnp.min(jnp.where(d2 <= thr, key_ref[...], 2.0), axis=1, keepdims=True)
    idx = jax.lax.bitcast_convert_type(keys, jnp.int32) - jnp.int32(0x3F800000)
    enc_ref[...] = idx.reshape(1, idx.shape[0])


def _assign(x, cbt_bf, b2, keys):
    n, d = x.shape
    k = cbt_bf.shape[1]
    return pl.pallas_call(
        _assign_body,
        grid=(n // _BN,),
        in_specs=[
            pl.BlockSpec((_BN, d), lambda i: (i, 0)),
            pl.BlockSpec((d, k), lambda i: (0, 0)),
            pl.BlockSpec((1, k), lambda i: (0, 0)),
            pl.BlockSpec((1, k), lambda i: (0, 0)),
        ],
        out_specs=pl.BlockSpec((1, _BN), lambda i: (0, i)),
        out_shape=jax.ShapeDtypeStruct((1, n), jnp.int32),
    )(x, cbt_bf, b2, keys)


def _sc_gather(codebook, idx2d):
    n = idx2d.shape[1]
    d = codebook.shape[1]
    mesh = plsc.VectorSubcoreMesh(core_axis_name="c", subcore_axis_name="s")
    units = mesh.num_cores * mesh.num_subcores
    per = n // units

    tile = 64
    nbuf = 4
    ntiles = per // tile

    @functools.partial(
        pl.kernel,
        out_type=jax.ShapeDtypeStruct((n, d), codebook.dtype),
        mesh=mesh,
        scratch_types=[
            pltpu.VMEM((per,), jnp.int32),
            pltpu.VMEM((nbuf, tile, d), jnp.float32),
            pltpu.SemaphoreType.DMA,
            pltpu.SemaphoreType.DMA((nbuf,)),
            pltpu.SemaphoreType.DMA((nbuf,)),
        ],
    )
    def _gather_kernel(cb_hbm, i_hbm, o_hbm, iv, buf, isem, gsems, osems):
        c = jax.lax.axis_index("c")
        s = jax.lax.axis_index("s")
        base = (c * mesh.num_subcores + s) * per
        pltpu.async_copy(i_hbm.at[0, pl.ds(base, per)], iv, isem).wait()
        g_cps, o_cps = {}, {}
        for t in range(ntiles):
            b = t % nbuf
            if t >= nbuf:
                o_cps[t - nbuf].wait()
            g_cps[t] = pltpu.async_copy(
                cb_hbm.at[iv.at[pl.ds(t * tile, tile)]], buf.at[b], gsems.at[b]
            )
            if t >= 1:
                tp = t - 1
                g_cps[tp].wait()
                o_cps[tp] = pltpu.async_copy(
                    buf.at[tp % nbuf],
                    o_hbm.at[pl.ds(base + tp * tile, tile)],
                    osems.at[tp % nbuf],
                )
        tl = ntiles - 1
        g_cps[tl].wait()
        o_cps[tl] = pltpu.async_copy(
            buf.at[tl % nbuf], o_hbm.at[pl.ds(base + tl * tile, tile)],
            osems.at[tl % nbuf],
        )
        for t in range(max(0, ntiles - nbuf), ntiles):
            o_cps[t].wait()

    return _gather_kernel(codebook, idx2d)


_CHUNKS = 1


def kernel(x, codebook):
    n = x.shape[0]
    cbt = codebook.T
    k = codebook.shape[0]
    b2 = _codeword_norms(cbt)
    cbt_bf = cbt.astype(jnp.bfloat16)
    keys = jax.lax.bitcast_convert_type(
        jnp.int32(0x3F800000) + jnp.arange(k, dtype=jnp.int32), jnp.float32
    ).reshape(1, k)
    encs = [_assign(xc, cbt_bf, b2, keys) for xc in jnp.split(x, _CHUNKS)]
    qs = [_sc_gather(codebook, enc) for enc in encs]
    encoded = jnp.concatenate(encs, axis=1).reshape(n)
    quantized = jnp.concatenate(qs)
    return (encoded, quantized)

# --- scband reference (transcript-rebuilt; emitter-appended) ---
"""Pipeline reference for scband-vqtokenizer-34995393527977 (READ-ONLY COPY).

The authoritative reference and input builder live on the scoring server;
editing this copy changes nothing except your own understanding.
"""

import jax, jax.numpy as jnp
import numpy as np

N = 32768
D = 256
K = 8192

def setup_inputs(seed: int = 0) -> dict:
    key = jax.random.key(seed)
    k1, k2 = jax.random.split(key)
    x = jax.random.normal(k1, (N, D), dtype=jnp.float32)
    # learned codebook (produced by k-means in the original initialize()); here materialized as a parameter
    codebook = jax.random.normal(k2, (K, D), dtype=jnp.float32)
    return {"x": x, "codebook": codebook}

def _cdist(a, b):
    # Euclidean distance matrix, matmul-based (compute-bound), faithful to torch.cdist
    a2 = jnp.sum(a * a, axis=1, keepdims=True)          # [N,1]
    b2 = jnp.sum(b * b, axis=1)[None, :]                # [1,K]
    d2 = a2 - 2.0 * (a @ b.T) + b2                      # [N,K]
    return jnp.sqrt(jnp.maximum(d2, 0.0))

def reference(x, codebook):
    # VQTokenizer.encode: nearest-codeword assignment + gather of quantized vectors
    raw_to_means_dist = _cdist(x, codebook)             # [N,K]
    encoded = jnp.argmin(raw_to_means_dist, axis=1)     # [N] int
    quantized = jnp.take(codebook, encoded, axis=0)     # [N,D] gather
    return (encoded, quantized)

if __name__ == "__main__":
    import jax
    _d = setup_inputs()
    print(jax.jit(kernel)(*tuple(_d.values())))

</pallas_src>

<mosaic_0001>
#map = affine_map<(d0, d1) -> (0, 0)>
module attributes {stable_mosaic.version = 14 : i64} {
  func.func @_gather_kernel(%arg0: i32, %arg1: i32, %arg2: memref<8192x256xf32, #tpu.memory_space<hbm>>, %arg3: memref<1x32768xi32, #tpu.memory_space<hbm>>, %arg4: memref<32768x256xf32, #tpu.memory_space<hbm>>, %arg5: memref<1024xi32, #tpu.memory_space<vmem>>, %arg6: memref<4x64x256xf32, #tpu.memory_space<vmem>>, %arg7: memref<!tpu.dma_semaphore, #tpu.memory_space<semaphore_mem>>, %arg8: memref<4x!tpu.dma_semaphore, #tpu.memory_space<semaphore_mem>>, %arg9: memref<4x!tpu.dma_semaphore, #tpu.memory_space<semaphore_mem>>) attributes {dimension_semantics = [#tpu.dimension_semantics<core_parallel>, #tpu.dimension_semantics<subcore_parallel>], iteration_bounds = array<i64: 2, 16>, scalar_prefetch = 0 : i64, scratch_operands = 5 : i64, tpu.core_type = #tpu.core_type<sc_vector_subcore>, window_params = [{transform_indices = #map}, {transform_indices = #map}, {transform_indices = #map}]} {
    %mul3A = arith.constant 16 : i32
    %mul3A_0 = arith.muli %arg0, %mul3A : i32
    %add3A = arith.addi %mul3A_0, %arg1 : i32
    %mul3A_1 = arith.constant 1024 : i32
    %mul3A_2 = arith.muli %add3A, %mul3A_1 : i32
    %dma_start3A = arith.constant 0 : i32
    %dma_start3A_3 = tpu.memref_slice %arg3[%dma_start3A, %mul3A_2] : memref<1x32768xi32, #tpu.memory_space<hbm>> -> memref<1x1024xi32, #tpu.memory_space<hbm>>
    %dma_start3A_4 = tpu.memref_squeeze %dma_start3A_3 : memref<1x1024xi32, #tpu.memory_space<hbm>> -> memref<1024xi32, #tpu.memory_space<hbm>>
    %dma_start3A_5 = tpu.memref_slice %arg3[%dma_start3A, %mul3A_2] : memref<1x32768xi32, #tpu.memory_space<hbm>> -> memref<1x1024xi32, #tpu.memory_space<hbm>>
    %dma_start3A_6 = tpu.memref_squeeze %dma_start3A_5 : memref<1x1024xi32, #tpu.memory_space<hbm>> -> memref<1024xi32, #tpu.memory_space<hbm>>
    tpu.enqueue_dma source(%dma_start3A_6 : memref<1024xi32, #tpu.memory_space<hbm>>) target(%arg5 : memref<1024xi32, #tpu.memory_space<vmem>>) target_semaphore(%arg7 : memref<!tpu.dma_semaphore, #tpu.memory_space<semaphore_mem>>)
    %dma_wait3A = arith.constant 0 : i32
    %dma_wait3A_7 = tpu.memref_slice %arg3[%dma_wait3A, %mul3A_2] : memref<1x32768xi32, #tpu.memory_space<hbm>> -> memref<1x1024xi32, #tpu.memory_space<hbm>>
    %dma_wait3A_8 = tpu.memref_squeeze %dma_wait3A_7 : memref<1x1024xi32, #tpu.memory_space<hbm>> -> memref<1024xi32, #tpu.memory_space<hbm>>
    %dma_wait3A_9 = tpu.memref_slice %arg3[%dma_wait3A, %mul3A_2] : memref<1x32768xi32, #tpu.memory_space<hbm>> -> memref<1x1024xi32, #tpu.memory_space<hbm>>
    %dma_wait3A_10 = tpu.memref_squeeze %dma_wait3A_9 : memref<1x1024xi32, #tpu.memory_space<hbm>> -> memref<1024xi32, #tpu.memory_space<hbm>>
    tpu.wait_dma2 semaphore(%arg7 : memref<!tpu.dma_semaphore, #tpu.memory_space<semaphore_mem>>) src(%dma_wait3A_10 : memref<1024xi32, #tpu.memory_space<hbm>>) dst(%arg5 : memref<1024xi32, #tpu.memory_space<vmem>>)
    %dma_start3A_11 = arith.constant 0 : i32
    %dma_start3A_12 = arith.constant 0 : i32
    %dma_start3A_13 = arith.constant 0 : i32
    %dma_start3A_14 = arith.constant 0 : i32
    %dma_start3A_15 = tpu.memref_slice %arg6[%dma_start3A_11, %dma_start3A_13, %dma_start3A_14] : memref<4x64x256xf32, #tpu.memory_space<vmem>> -> memref<1x64x256xf32, #tpu.memory_space<vmem>>
    %dma_start3A_16 = tpu.memref_squeeze %dma_start3A_15 : memref<1x64x256xf32, #tpu.memory_space<vmem>> -> memref<64x256xf32, #tpu.memory_space<vmem>>
    %dma_start3A_17 = arith.constant 0 : i32
    %dma_start3A_18 = tpu.memref_slice %arg5[%dma_start3A_17] : memref<1024xi32, #tpu.memory_space<vmem>> -> memref<64xi32, #tpu.memory_space<vmem>>
    %dma_start3A_19 = arith.constant 0 : i32
    %dma_start3A_20 = arith.constant 0 : i32
    %dma_start3A_21 = tpu.memref_slice %arg2[%dma_start3A_19, %dma_start3A_20] : memref<8192x256xf32, #tpu.memory_space<hbm>> -> memref<8192x256xf32, #tpu.memory_space<hbm>>
    %dma_start3A_22 = tpu.memref_slice %arg8[%dma_start3A_12] : memref<4x!tpu.dma_semaphore, #tpu.memory_space<semaphore_mem>> -> memref<1x!tpu.dma_semaphore, #tpu.memory_space<semaphore_mem>>
    %dma_start3A_23 = tpu.memref_squeeze %dma_start3A_22 : memref<1x!tpu.dma_semaphore, #tpu.memory_space<semaphore_mem>> -> memref<!tpu.dma_semaphore, #tpu.memory_space<semaphore_mem>>
    tpu.enqueue_indirect_dma source(%dma_start3A_21 : memref<8192x256xf32, #tpu.memory_space<hbm>>) target(%dma_start3A_16 : memref<64x256xf32, #tpu.memory_space<vmem>>) offsets(%dma_start3A_18 : memref<64xi32, #tpu.memory_space<vmem>>) semaphore(%dma_start3A_23 : memref<!tpu.dma_semaphore, #tpu.memory_space<semaphore_mem>>)
    %dma_start3A_24 = arith.constant 1 : i32
    %dma_start3A_25 = arith.constant 1 : i32
    %dma_start3A_26 = arith.constant 0 : i32
    %dma_start3A_27 = arith.constant 0 : i32
    %dma_start3A_28 = tpu.memref_slice %arg6[%dma_start3A_24, %dma_start3A_26, %dma_start3A_27] : memref<4x64x256xf32, #tpu.memory_space<vmem>> -> memref<1x64x256xf32, #tpu.memory_space<vmem>>
    %dma_start3A_29 = tpu.memref_squeeze %dma_start3A_28 : memref<1x64x256xf32, #tpu.memory_space<vmem>> -> memref<64x256xf32, #tpu.memory_space<vmem>>
    %dma_start3A_30 = arith.constant 64 : i32
    %dma_start3A_31 = tpu.memref_slice %arg5[%dma_start3A_30] : memref<1024xi32, #tpu.memory_space<vmem>> -> memref<64xi32, #tpu.memory_space<vmem>>
    %dma_start3A_32 = arith.constant 0 : i32
    %dma_start3A_33 = arith.constant 0 : i32
    %dma_start3A_34 = tpu.memref_slice %arg2[%dma_start3A_32, %dma_start3A_33] : memref<8192x256xf32, #tpu.memory_space<hbm>> -> memref<8192x256xf32, #tpu.memory_space<hbm>>
    %dma_start3A_35 = tpu.memref_slice %arg8[%dma_start3A_25] : memref<4x!tpu.dma_semaphore, #tpu.memory_space<semaphore_mem>> -> memref<1x!tpu.dma_semaphore, #tpu.memory_space<semaphore_mem>>
    %dma_start3A_36 = tpu.memref_squeeze %dma_start3A_35 : memref<1x!tpu.dma_semaphore, #tpu.memory_space<semaphore_mem>> -> memref<!tpu.dma_semaphore, #tpu.memory_space<semaphore_mem>>
    tpu.enqueue_indirect_dma source(%dma_start3A_34 : memref<8192x256xf32, #tpu.memory_space<hbm>>) target(%dma_start3A_29 : memref<64x256xf32, #tpu.memory_space<vmem>>) offsets(%dma_start3A_31 : memref<64xi32, #tpu.memory_space<vmem>>) semaphore(%dma_start3A_36 : memref<!tpu.dma_semaphore, #tpu.memory_space<semaphore_mem>>)
    %dma_wait3A_37 = arith.constant 0 : i32
    %dma_wait3A_38 = arith.constant 0 : i32
    %dma_wait3A_39 = arith.constant 0 : i32
    %dma_wait3A_40 = arith.constant 0 : i32
    %dma_wait3A_41 = tpu.memref_slice %arg6[%dma_wait3A_37, %dma_wait3A_39, %dma_wait3A_40] : memref<4x64x256xf32, #tpu.memory_space<vmem>> -> memref<1x64x256xf32, #tpu.memory_space<vmem>>
    %dma_wait3A_42 = tpu.memref_squeeze %dma_wait3A_41 : memref<1x64x256xf32, #tpu.memory_space<vmem>> -> memref<64x256xf32, #tpu.memory_space<vmem>>
    %dma_wait3A_43 = arith.constant 0 : i32
    %dma_wait3A_44 = tpu.memref_slice %arg5[%dma_wait3A_43] : memref<1024xi32, #tpu.memory_space<vmem>> -> memref<64xi32, #tpu.memory_space<vmem>>
    %dma_wait3A_45 = arith.constant 0 : i32
    %dma_wait3A_46 = arith.constant 0 : i32
    %dma_wait3A_47 = tpu.memref_slice %arg2[%dma_wait3A_45, %dma_wait3A_46] : memref<8192x256xf32, #tpu.memory_space<hbm>> -> memref<8192x256xf32, #tpu.memory_space<hbm>>
    %dma_wait3A_48 = tpu.memref_slice %arg8[%dma_wait3A_38] : memref<4x!tpu.dma_semaphore, #tpu.memory_space<semaphore_mem>> -> memref<1x!tpu.dma_semaphore, #tpu.memory_space<semaphore_mem>>
    %dma_wait3A_49 = tpu.memref_squeeze %dma_wait3A_48 : memref<1x!tpu.dma_semaphore, #tpu.memory_space<semaphore_mem>> -> memref<!tpu.dma_semaphore, #tpu.memory_space<semaphore_mem>>
    tpu.wait_indirect_dma semaphore(%dma_wait3A_49 : memref<!tpu.dma_semaphore, #tpu.memory_space<semaphore_mem>>) src(%dma_wait3A_47 : memref<8192x256xf32, #tpu.memory_space<hbm>>) dst(%dma_wait3A_42 : memref<64x256xf32, #tpu.memory_space<vmem>>)
    %add3A_50 = arith.constant 0 : i32
    %add3A_51 = arith.addi %mul3A_2, %add3A_50 : i32
    %dma_start3A_52 = arith.constant 0 : i32
    %dma_start3A_53 = arith.constant 0 : i32
    %dma_start3A_54 = arith.constant 0 : i32
    %dma_start3A_55 = arith.constant 0 : i32
    %dma_start3A_56 = tpu.memref_slice %arg6[%dma_start3A_52, %dma_start3A_54, %dma_start3A_55] : memref<4x64x256xf32, #tpu.memory_space<vmem>> -> memref<1x64x256xf32, #tpu.memory_space<vmem>>
    %dma_start3A_57 = tpu.memref_squeeze %dma_start3A_56 : memref<1x64x256xf32, #tpu.memory_space<vmem>> -> memref<64x256xf32, #tpu.memory_space<vmem>>
    %dma_start3A_58 = arith.constant 0 : i32
    %dma_start3A_59 = tpu.memref_slice %arg4[%add3A_51, %dma_start3A_58] : memref<32768x256xf32, #tpu.memory_space<hbm>> -> memref<64x256xf32, #tpu.memory_space<hbm>>
    %dma_start3A_60 = tpu.memref_slice %arg9[%dma_start3A_53] : memref<4x!tpu.dma_semaphore, #tpu.memory_space<semaphore_mem>> -> memref<1x!tpu.dma_semaphore, #tpu.memory_space<semaphore_mem>>
    %dma_start3A_61 = tpu.memref_squeeze %dma_start3A_60 : memref<1x!tpu.dma_semaphore, #tpu.memory_space<semaphore_mem>> -> memref<!tpu.dma_semaphore, #tpu.memory_space<semaphore_mem>>
    %dma_start3A_62 = arith.constant 0 : i32
    %dma_start3A_63 = tpu.memref_slice %arg4[%add3A_51, %dma_start3A_62] : memref<32768x256xf32, #tpu.memory_space<hbm>> -> memref<64x256xf32, #tpu.memory_space<hbm>>
    %dma_start3A_64 = arith.constant 0 : i32
    %dma_start3A_65 = arith.constant 0 : i32
    %dma_start3A_66 = tpu.memref_slice %arg6[%dma_start3A_52, %dma_start3A_64, %dma_start3A_65] : memref<4x64x256xf32, #tpu.memory_space<vmem>> -> memref<1x64x256xf32, #tpu.memory_space<vmem>>
    %dma_start3A_67 = tpu.memref_squeeze %dma_start3A_66 : memref<1x64x256xf32, #tpu.memory_space<vmem>> -> memref<64x256xf32, #tpu.memory_space<vmem>>
    tpu.enqueue_dma source(%dma_start3A_67 : memref<64x256xf32, #tpu.memory_space<vmem>>) target(%dma_start3A_63 : memref<64x256xf32, #tpu.memory_space<hbm>>) target_semaphore(%dma_start3A_61 : memref<!tpu.dma_semaphore, #tpu.memory_space<semaphore_mem>>)
    %dma_start3A_68 = arith.constant 2 : i32
    %dma_start3A_69 = arith.constant 2 : i32
    %dma_start3A_70 = arith.constant 0 : i32
    %dma_start3A_71 = arith.constant 0 : i32
    %dma_start3A_72 = tpu.memref_slice %arg6[%dma_start3A_68, %dma_start3A_70, %dma_start3A_71] : memref<4x64x256xf32, #tpu.memory_space<vmem>> -> memref<1x64x256xf32, #tpu.memory_space<vmem>>
    %dma_start3A_73 = tpu.memref_squeeze %dma_start3A_72 : memref<1x64x256xf32, #tpu.memory_space<vmem>> -> memref<64x256xf32, #tpu.memory_space<vmem>>
    %dma_start3A_74 = arith.constant 128 : i32
    %dma_start3A_75 = tpu.memref_slice %arg5[%dma_start3A_74] : memref<1024xi32, #tpu.memory_space<vmem>> -> memref<64xi32, #tpu.memory_space<vmem>>
    %dma_start3A_76 = arith.constant 0 : i32
    %dma_start3A_77 = arith.constant 0 : i32
    %dma_start3A_78 = tpu.memref_slice %arg2[%dma_start3A_76, %dma_start3A_77] : memref<8192x256xf32, #tpu.memory_space<hbm>> -> memref<8192x256xf32, #tpu.memory_space<hbm>>
    %dma_start3A_79 = tpu.memref_slice %arg8[%dma_start3A_69] : memref<4x!tpu.dma_semaphore, #tpu.memory_space<semaphore_mem>> -> memref<1x!tpu.dma_semaphore, #tpu.memory_space<semaphore_mem>>
    %dma_start3A_80 = tpu.memref_squeeze %dma_start3A_79 : memref<1x!tpu.dma_semaphore, #tpu.memory_space<semaphore_mem>> -> memref<!tpu.dma_semaphore, #tpu.memory_space<semaphore_mem>>
    tpu.enqueue_indirect_dma source(%dma_start3A_78 : memref<8192x256xf32, #tpu.memory_space<hbm>>) target(%dma_start3A_73 : memref<64x256xf32, #tpu.memory_space<vmem>>) offsets(%dma_start3A_75 : memref<64xi32, #tpu.memory_space<vmem>>) semaphore(%dma_start3A_80 : memref<!tpu.dma_semaphore, #tpu.memory_space<semaphore_mem>>)
    %dma_wait3A_81 = arith.constant 1 : i32
    %dma_wait3A_82 = arith.constant 1 : i32
    %dma_wait3A_83 = arith.constant 0 : i32
    %dma_wait3A_84 = arith.constant 0 : i32
    %dma_wait3A_85 = tpu.memref_slice %arg6[%dma_wait3A_81, %dma_wait3A_83, %dma_wait3A_84] : memref<4x64x256xf32, #tpu.memory_space<vmem>> -> memref<1x64x256xf32, #tpu.memory_space<vmem>>
    %dma_wait3A_86 = tpu.memref_squeeze %dma_wait3A_85 : memref<1x64x256xf32, #tpu.memory_space<vmem>> -> memref<64x256xf32, #tpu.memory_space<vmem>>
    %dma_wait3A_87 = arith.constant 64 : i32
    %dma_wait3A_88 = tpu.memref_slice %arg5[%dma_wait3A_87] : memref<1024xi32, #tpu.memory_space<vmem>> -> memref<64xi32, #tpu.memory_space<vmem>>
    %dma_wait3A_89 = arith.constant 0 : i32
    %dma_wait3A_90 = arith.constant 0 : i32
    %dma_wait3A_91 = tpu.memref_slice %arg2[%dma_wait3A_89, %dma_wait3A_90] : memref<8192x256xf32, #tpu.memory_space<hbm>> -> memref<8192x256xf32, #tpu.memory_space<hbm>>
    %dma_wait3A_92 = tpu.memref_slice %arg8[%dma_wait3A_82] : memref<4x!tpu.dma_semaphore, #tpu.memory_space<semaphore_mem>> -> memref<1x!tpu.dma_semaphore, #tpu.memory_space<semaphore_mem>>
    %dma_wait3A_93 = tpu.memref_squeeze %dma_wait3A_92 : memref<1x!tpu.dma_semaphore, #tpu.memory_space<semaphore_mem>> -> memref<!tpu.dma_semaphore, #tpu.memory_space<semaphore_mem>>
    tpu.wait_indirect_dma semaphore(%dma_wait3A_93 : memref<!tpu.dma_semaphore, #tpu.memory_space<semaphore_mem>>) src(%dma_wait3A_91 : memref<8192x256xf32, #tpu.memory_space<hbm>>) dst(%dma_wait3A_86 : memref<64x256xf32, #tpu.memory_space<vmem>>)
    %add3A_94 = arith.constant 64 : i32
    %add3A_95 = arith.addi %mul3A_2, %add3A_94 : i32
    %dma_start3A_96 = arith.constant 1 : i32
    %dma_start3A_97 = arith.constant 1 : i32
    %dma_start3A_98 = arith.constant 0 : i32
    %dma_start3A_99 = arith.constant 0 : i32
    %dma_start3A_100 = tpu.memref_slice %arg6[%dma_start3A_96, %dma_start3A_98, %dma_start3A_99] : memref<4x64x256xf32, #tpu.memory_space<vmem>> -> memref<1x64x256xf32, #tpu.memory_space<vmem>>
    %dma_start3A_101 = tpu.memref_squeeze %dma_start3A_100 : memref<1x64x256xf32, #tpu.memory_space<vmem>> -> memref<64x256xf32, #tpu.memory_space<vmem>>
    %dma_start3A_102 = arith.constant 0 : i32
    %dma_start3A_103 = tpu.memref_slice %arg4[%add3A_95, %dma_start3A_102] : memref<32768x256xf32, #tpu.memory_space<hbm>> -> memref<64x256xf32, #tpu.memory_space<hbm>>
    %dma_start3A_104 = tpu.memref_slice %arg9[%dma_start3A_97] : memref<4x!tpu.dma_semaphore, #tpu.memory_space<semaphore_mem>> -> memref<1x!tpu.dma_semaphore, #tpu.memory_space<semaphore_mem>>
    %dma_start3A_105 = tpu.memref_squeeze %dma_start3A_104 : memref<1x!tpu.dma_semaphore, #tpu.memory_space<semaphore_mem>> -> memref<!tpu.dma_semaphore, #tpu.memory_space<semaphore_mem>>
    %dma_start3A_106 = arith.constant 0 : i32
    %dma_start3A_107 = tpu.memref_slice %arg4[%add3A_95, %dma_start3A_106] : memref<32768x256xf32, #tpu.memory_space<hbm>> -> memref<64x256xf32, #tpu.memory_space<hbm>>
    %dma_start3A_108 = arith.constant 0 : i32
    %dma_start3A_109 = arith.constant 0 : i32
    %dma_start3A_110 = tpu.memref_slice %arg6[%dma_start3A_96, %dma_start3A_108, %dma_start3A_109] : memref<4x64x256xf32, #tpu.memory_space<vmem>> -> memref<1x64x256xf32, #tpu.memory_space<vmem>>
    %dma_start3A_111 = tpu.memref_squeeze %dma_start3A_110 : memref<1x64x256xf32, #tpu.memory_space<vmem>> -> memref<64x256xf32, #tpu.memory_space<vmem>>
    tpu.enqueue_dma source(%dma_start3A_111 : memref<64x256xf32, #tpu.memory_space<vmem>>) target(%dma_start3A_107 : memref<64x256xf32, #tpu.memory_space<hbm>>) target_semaphore(%dma_start3A_105 : memref<!tpu.dma_semaphore, #tpu.memory_space<semaphore_mem>>)
    %dma_start3A_112 = arith.constant 3 : i32
    %dma_start3A_113 = arith.constant 3 : i32
    %dma_start3A_114 = arith.constant 0 : i32
    %dma_start3A_115 = arith.constant 0 : i32
    %dma_start3A_116 = tpu.memref_slice %arg6[%dma_start3A_112, %dma_start3A_114, %dma_start3A_115] : memref<4x64x256xf32, #tpu.memory_space<vmem>> -> memref<1x64x256xf32, #tpu.memory_space<vmem>>
    %dma_start3A_117 = tpu.memref_squeeze %dma_start3A_116 : memref<1x64x256xf32, #tpu.memory_space<vmem>> -> memref<64x256xf32, #tpu.memory_space<vmem>>
    %dma_start3A_118 = arith.constant 192 : i32
    %dma_start3A_119 = tpu.memref_slice %arg5[%dma_start3A_118] : memref<1024xi32, #tpu.memory_space<vmem>> -> memref<64xi32, #tpu.memory_space<vmem>>
    %dma_start3A_120 = arith.constant 0 : i32
    %dma_start3A_121 = arith.constant 0 : i32
    %dma_start3A_122 = tpu.memref_slice %arg2[%dma_start3A_120, %dma_start3A_121] : memref<8192x256xf32, #tpu.memory_space<hbm>> -> memref<8192x256xf32, #tpu.memory_space<hbm>>
    %dma_start3A_123 = tpu.memref_slice %arg8[%dma_start3A_113] : memref<4x!tpu.dma_semaphore, #tpu.memory_space<semaphore_mem>> -> memref<1x!tpu.dma_semaphore, #tpu.memory_space<semaphore_mem>>
    %dma_start3A_124 = tpu.memref_squeeze %dma_start3A_123 : memref<1x!tpu.dma_semaphore, #tpu.memory_space<semaphore_mem>> -> memref<!tpu.dma_semaphore, #tpu.memory_space<semaphore_mem>>
    tpu.enqueue_indirect_dma source(%dma_start3A_122 : memref<8192x256xf32, #tpu.memory_space<hbm>>) target(%dma_start3A_117 : memref<64x256xf32, #tpu.memory_space<vmem>>) offsets(%dma_start3A_119 : memref<64xi32, #tpu.memory_space<vmem>>) semaphore(%dma_start3A_124 : memref<!tpu.dma_semaphore, #tpu.memory_space<semaphore_mem>>)
    %dma_wait3A_125 = arith.constant 2 : i32
    %dma_wait3A_126 = arith.constant 2 : i32
    %dma_wait3A_127 = arith.constant 0 : i32
    %dma_wait3A_128 = arith.constant 0 : i32
    %dma_wait3A_129 = tpu.memref_slice %arg6[%dma_wait3A_125, %dma_wait3A_127, %dma_wait3A_128] : memref<4x64x256xf32, #tpu.memory_space<vmem>> -> memref<1x64x256xf32, #tpu.memory_space<vmem>>
    %dma_wait3A_130 = tpu.memref_squeeze %dma_wait3A_129 : memref<1x64x256xf32, #tpu.memory_space<vmem>> -> memref<64x256xf32, #tpu.memory_space<vmem>>
    %dma_wait3A_131 = arith.constant 128 : i32
    %dma_wait3A_132 = tpu.memref_slice %arg5[%dma_wait3A_131] : memref<1024xi32, #tpu.memory_space<vmem>> -> memref<64xi32, #tpu.memory_space<vmem>>
    %dma_wait3A_133 = arith.constant 0 : i32
    %dma_wait3A_134 = arith.constant 0 : i32
    %dma_wait3A_135 = tpu.memref_slice %arg2[%dma_wait3A_133, %dma_wait3A_134] : memref<8192x256xf32, #tpu.memory_space<hbm>> -> memref<8192x256xf32, #tpu.memory_space<hbm>>
    %dma_wait3A_136 = tpu.memref_slice %arg8[%dma_wait3A_126] : memref<4x!tpu.dma_semaphore, #tpu.memory_space<semaphore_mem>> -> memref<1x!tpu.dma_semaphore, #tpu.memory_space<semaphore_mem>>
    %dma_wait3A_137 = tpu.memref_squeeze %dma_wait3A_136 : memref<1x!tpu.dma_semaphore, #tpu.memory_space<semaphore_mem>> -> memref<!tpu.dma_semaphore, #tpu.memory_space<semaphore_mem>>
    tpu.wait_indirect_dma semaphore(%dma_wait3A_137 : memref<!tpu.dma_semaphore, #tpu.memory_space<semaphore_mem>>) src(%dma_wait3A_135 : memref<8192x256xf32, #tpu.memory_space<hbm>>) dst(%dma_wait3A_130 : memref<64x256xf32, #tpu.memory_space<vmem>>)
    %add3A_138 = arith.constant 128 : i32
    %add3A_139 = arith.addi %mul3A_2, %add3A_138 : i32
    %dma_start3A_140 = arith.constant 2 : i32
    %dma_start3A_141 = arith.constant 2 : i32
    %dma_start3A_142 = arith.constant 0 : i32
    %dma_start3A_143 = arith.constant 0 : i32
    %dma_start3A_144 = tpu.memref_slice %arg6[%dma_start3A_140, %dma_start3A_142, %dma_start3A_143] : memref<4x64x256xf32, #tpu.memory_space<vmem>> -> memref<1x64x256xf32, #tpu.memory_space<vmem>>
    %dma_start3A_145 = tpu.memref_squeeze %dma_start3A_144 : memref<1x64x256xf32, #tpu.memory_space<vmem>> -> memref<64x256xf32, #tpu.memory_space<vmem>>
    %dma_start3A_146 = arith.constant 0 : i32
    %dma_start3A_147 = tpu.memref_slice %arg4[%add3A_139, %dma_start3A_146] : memref<32768x256xf32, #tpu.memory_space<hbm>> -> memref<64x256xf32, #tpu.memory_space<hbm>>
    %dma_start3A_148 = tpu.memref_slice %arg9[%dma_start3A_141] : memref<4x!tpu.dma_semaphore, #tpu.memory_space<semaphore_mem>> -> memref<1x!tpu.dma_semaphore, #tpu.memory_space<semaphore_mem>>
    %dma_start3A_149 = tpu.memref_squeeze %dma_start3A_148 : memref<1x!tpu.dma_semaphore, #tpu.memory_space<semaphore_mem>> -> memref<!tpu.dma_semaphore, #tpu.memory_space<semaphore_mem>>
    %dma_start3A_150 = arith.constant 0 : i32
    %dma_start3A_151 = tpu.memref_slice %arg4[%add3A_139, %dma_start3A_150] : memref<32768x256xf32, #tpu.memory_space<hbm>> -> memref<64x256xf32, #tpu.memory_space<hbm>>
    %dma_start3A_152 = arith.constant 0 : i32
    %dma_start3A_153 = arith.constant 0 : i32
    %dma_start3A_154 = tpu.memref_slice %arg6[%dma_start3A_140, %dma_start3A_152, %dma_start3A_153] : memref<4x64x256xf32, #tpu.memory_space<vmem>> -> memref<1x64x256xf32, #tpu.memory_space<vmem>>
    %dma_start3A_155 = tpu.memref_squeeze %dma_start3A_154 : memref<1x64x256xf32, #tpu.memory_space<vmem>> -> memref<64x256xf32, #tpu.memory_space<vmem>>
    tpu.enqueue_dma source(%dma_start3A_155 : memref<64x256xf32, #tpu.memory_space<vmem>>) target(%dma_start3A_151 : memref<64x256xf32, #tpu.memory_space<hbm>>) target_semaphore(%dma_start3A_149 : memref<!tpu.dma_semaphore, #tpu.memory_space<semaphore_mem>>)
    %dma_wait3A_156 = arith.constant 0 : i32
    %dma_wait3A_157 = arith.constant 0 : i32
    %dma_wait3A_158 = arith.constant 0 : i32
    %dma_wait3A_159 = arith.constant 0 : i32
    %dma_wait3A_160 = tpu.memref_slice %arg6[%dma_wait3A_156, %dma_wait3A_158, %dma_wait3A_159] : memref<4x64x256xf32, #tpu.memory_space<vmem>> -> memref<1x64x256xf32, #tpu.memory_space<vmem>>
    %dma_wait3A_161 = tpu.memref_squeeze %dma_wait3A_160 : memref<1x64x256xf32, #tpu.memory_space<vmem>> -> memref<64x256xf32, #tpu.memory_space<vmem>>
    %dma_wait3A_162 = arith.constant 0 : i32
    %dma_wait3A_163 = tpu.memref_slice %arg4[%add3A_51, %dma_wait3A_162] : memref<32768x256xf32, #tpu.memory_space<hbm>> -> memref<64x256xf32, #tpu.memory_space<hbm>>
    %dma_wait3A_164 = tpu.memref_slice %arg9[%dma_wait3A_157] : memref<4x!tpu.dma_semaphore, #tpu.memory_space<semaphore_mem>> -> memref<1x!tpu.dma_semaphore, #tpu.memory_space<semaphore_mem>>
    %dma_wait3A_165 = tpu.memref_squeeze %dma_wait3A_164 : memref<1x!tpu.dma_semaphore, #tpu.memory_space<semaphore_mem>> -> memref<!tpu.dma_semaphore, #tpu.memory_space<semaphore_mem>>
    %dma_wait3A_166 = arith.constant 0 : i32
    %dma_wait3A_167 = tpu.memref_slice %arg4[%add3A_51, %dma_wait3A_166] : memref<32768x256xf32, #tpu.memory_space<hbm>> -> memref<64x256xf32, #tpu.memory_space<hbm>>
    %dma_wait3A_168 = arith.constant 0 : i32
    %dma_wait3A_169 = arith.constant 0 : i32
    %dma_wait3A_170 = tpu.memref_slice %arg6[%dma_wait3A_156, %dma_wait3A_168, %dma_wait3A_169] : memref<4x64x256xf32, #tpu.memory_space<vmem>> -> memref<1x64x256xf32, #tpu.memory_space<vmem>>
    %dma_wait3A_171 = tpu.memref_squeeze %dma_wait3A_170 : memref<1x64x256xf32, #tpu.memory_space<vmem>> -> memref<64x256xf32, #tpu.memory_space<vmem>>
    tpu.wait_dma2 semaphore(%dma_wait3A_165 : memref<!tpu.dma_semaphore, #tpu.memory_space<semaphore_mem>>) src(%dma_wait3A_171 : memref<64x256xf32, #tpu.memory_space<vmem>>) dst(%dma_wait3A_167 : memref<64x256xf32, #tpu.memory_space<hbm>>)
    %dma_start3A_172 = arith.constant 0 : i32
    %dma_start3A_173 = arith.constant 0 : i32
    %dma_start3A_174 = arith.constant 0 : i32
    %dma_start3A_175 = arith.constant 0 : i32
    %dma_start3A_176 = tpu.memref_slice %arg6[%dma_start3A_172, %dma_start3A_174, %dma_start3A_175] : memref<4x64x256xf32, #tpu.memory_space<vmem>> -> memref<1x64x256xf32, #tpu.memory_space<vmem>>
    %dma_start3A_177 = tpu.memref_squeeze %dma_start3A_176 : memref<1x64x256xf32, #tpu.memory_space<vmem>> -> memref<64x256xf32, #tpu.memory_space<vmem>>
    %dma_start3A_178 = arith.constant 256 : i32
    %dma_start3A_179 = tpu.memref_slice %arg5[%dma_start3A_178] : memref<1024xi32, #tpu.memory_space<vmem>> -> memref<64xi32, #tpu.memory_space<vmem>>
    %dma_start3A_180 = arith.constant 0 : i32
    %dma_start3A_181 = arith.constant 0 : i32
    %dma_start3A_182 = tpu.memref_slice %arg2[%dma_start3A_180, %dma_start3A_181] : memref<8192x256xf32, #tpu.memory_space<hbm>> -> memref<8192x256xf32, #tpu.memory_space<hbm>>
    %dma_start3A_183 = tpu.memref_slice %arg8[%dma_start3A_173] : memref<4x!tpu.dma_semaphore, #tpu.memory_space<semaphore_mem>> -> memref<1x!tpu.dma_semaphore, #tpu.memory_space<semaphore_mem>>
    %dma_start3A_184 = tpu.memref_squeeze %dma_start3A_183 : memref<1x!tpu.dma_semaphore, #tpu.memory_space<semaphore_mem>> -> memref<!tpu.dma_semaphore, #tpu.memory_space<semaphore_mem>>
    tpu.enqueue_indirect_dma source(%dma_start3A_182 : memref<8192x256xf32, #tpu.memory_space<hbm>>) target(%dma_start3A_177 : memref<64x256xf32, #tpu.memory_space<vmem>>) offsets(%dma_start3A_179 : memref<64xi32, #tpu.memory_space<vmem>>) semaphore(%dma_start3A_184 : memref<!tpu.dma_semaphore, #tpu.memory_space<semaphore_mem>>)
    %dma_wait3A_185 = arith.constant 3 : i32
    %dma_wait3A_186 = arith.constant 3 : i32
    %dma_wait3A_187 = arith.constant 0 : i32
    %dma_wait3A_188 = arith.constant 0 : i32
    %dma_wait3A_189 = tpu.memref_slice %arg6[%dma_wait3A_185, %dma_wait3A_187, %dma_wait3A_188] : memref<4x64x256xf32, #tpu.memory_space<vmem>> -> memref<1x64x256xf32, #tpu.memory_space<vmem>>
    %dma_wait3A_190 = tpu.memref_squeeze %dma_wait3A_189 : memref<1x64x256xf32, #tpu.memory_space<vmem>> -> memref<64x256xf32, #tpu.memory_space<vmem>>
    %dma_wait3A_191 = arith.constant 192 : i32
    %dma_wait3A_192 = tpu.memref_slice %arg5[%dma_wait3A_191] : memref<1024xi32, #tpu.memory_space<vmem>> -> memref<64xi32, #tpu.memory_space<vmem>>
    %dma_wait3A_193 = arith.constant 0 : i32
    %dma_wait3A_194 = arith.constant 0 : i32
    %dma_wait3A_195 = tpu.memref_slice %arg2[%dma_wait3A_193, %dma_wait3A_194] : memref<8192x256xf32, #tpu.memory_space<hbm>> -> memref<8192x256xf32, #tpu.memory_space<hbm>>
    %dma_wait3A_196 = tpu.memref_slice %arg8[%dma_wait3A_186] : memref<4x!tpu.dma_semaphore, #tpu.memory_space<semaphore_mem>> -> memref<1x!tpu.dma_semaphore, #tpu.memory_space<semaphore_mem>>
    %dma_wait3A_197 = tpu.memref_squeeze %dma_wait3A_196 : memref<1x!tpu.dma_semaphore, #tpu.memory_space<semaphore_mem>> -> memref<!tpu.dma_semaphore, #tpu.memory_space<semaphore_mem>>
    tpu.wait_indirect_dma semaphore(%dma_wait3A_197 : memref<!tpu.dma_semaphore, #tpu.memory_space<semaphore_mem>>) src(%dma_wait3A_195 : memref<8192x256xf32, #tpu.memory_space<hbm>>) dst(%dma_wait3A_190 : memref<64x256xf32, #tpu.memory_space<vmem>>)
    %add3A_198 = arith.constant 192 : i32
    %add3A_199 = arith.addi %mul3A_2, %add3A_198 : i32
    %dma_start3A_200 = arith.constant 3 : i32
    %dma_start3A_201 = arith.constant 3 : i32
    %dma_start3A_202 = arith.constant 0 : i32
    %dma_start3A_203 = arith.constant 0 : i32
    %dma_start3A_204 = tpu.memref_slice %arg6[%dma_start3A_200, %dma_start3A_202, %dma_start3A_203] : memref<4x64x256xf32, #tpu.memory_space<vmem>> -> memref<1x64x256xf32, #tpu.memory_space<vmem>>
    %dma_start3A_205 = tpu.memref_squeeze %dma_start3A_204 : memref<1x64x256xf32, #tpu.memory_space<vmem>> -> memref<64x256xf32, #tpu.memory_space<vmem>>
    %dma_start3A_206 = arith.constant 0 : i32
    %dma_start3A_207 = tpu.memref_slice %arg4[%add3A_199, %dma_start3A_206] : memref<32768x256xf32, #tpu.memory_space<hbm>> -> memref<64x256xf32, #tpu.memory_space<hbm>>
    %dma_start3A_208 = tpu.memref_slice %arg9[%dma_start3A_201] : memref<4x!tpu.dma_semaphore, #tpu.memory_space<semaphore_mem>> -> memref<1x!tpu.dma_semaphore, #tpu.memory_space<semaphore_mem>>
    %dma_start3A_209 = tpu.memref_squeeze %dma_start3A_208 : memref<1x!tpu.dma_semaphore, #tpu.memory_space<semaphore_mem>> -> memref<!tpu.dma_semaphore, #tpu.memory_space<semaphore_mem>>
    %dma_start3A_210 = arith.constant 0 : i32
    %dma_start3A_211 = tpu.memref_slice %arg4[%add3A_199, %dma_start3A_210] : memref<32768x256xf32, #tpu.memory_space<hbm>> -> memref<64x256xf32, #tpu.memory_space<hbm>>
    %dma_start3A_212 = arith.constant 0 : i32
    %dma_start3A_213 = arith.constant 0 : i32
    %dma_start3A_214 = tpu.memref_slice %arg6[%dma_start3A_200, %dma_start3A_212, %dma_start3A_213] : memref<4x64x256xf32, #tpu.memory_space<vmem>> -> memref<1x64x256xf32, #tpu.memory_space<vmem>>
    %dma_start3A_215 = tpu.memref_squeeze %dma_start3A_214 : memref<1x64x256xf32, #tpu.memory_space<vmem>> -> memref<64x256xf32, #tpu.memory_space<vmem>>
    tpu.enqueue_dma source(%dma_start3A_215 : memref<64x256xf32, #tpu.memory_space<vmem>>) target(%dma_start3A_211 : memref<64x256xf32, #tpu.memory_space<hbm>>) target_semaphore(%dma_start3A_209 : memref<!tpu.dma_semaphore, #tpu.memory_space<semaphore_mem>>)
    %dma_wait3A_216 = arith.constant 1 : i32
    %dma_wait3A_217 = arith.constant 1 : i32
    %dma_wait3A_218 = arith.constant 0 : i32
    %dma_wait3A_219 = arith.constant 0 : i32
    %dma_wait3A_220 = tpu.memref_slice %arg6[%dma_wait3A_216, %dma_wait3A_218, %dma_wait3A_219] : memref<4x64x256xf32, #tpu.memory_space<vmem>> -> memref<1x64x256xf32, #tpu.memory_space<vmem>>
    %dma_wait3A_221 = tpu.memref_squeeze %dma_wait3A_220 : memref<1x64x256xf32, #tpu.memory_space<vmem>> -> memref<64x256xf32, #tpu.memory_space<vmem>>
    %dma_wait3A_222 = arith.constant 0 : i32
    %dma_wait3A_223 = tpu.memref_slice %arg4[%add3A_95, %dma_wait3A_222] : memref<32768x256xf32, #tpu.memory_space<hbm>> -> memref<64x256xf32, #tpu.memory_space<hbm>>
    %dma_wait3A_224 = tpu.memref_slice %arg9[%dma_wait3A_217] : memref<4x!tpu.dma_semaphore, #tpu.memory_space<semaphore_mem>> -> memref<1x!tpu.dma_semaphore, #tpu.memory_space<semaphore_mem>>
    %dma_wait3A_225 = tpu.memref_squeeze %dma_wait3A_224 : memref<1x!tpu.dma_semaphore, #tpu.memory_space<semaphore_mem>> -> memref<!tpu.dma_semaphore, #tpu.memory_space<semaphore_mem>>
    %dma_wait3A_226 = arith.constant 0 : i32
    %dma_wait3A_227 = tpu.memref_slice %arg4[%add3A_95, %dma_wait3A_226] : memref<32768x256xf32, #tpu.memory_space<hbm>> -> memref<64x256xf32, #tpu.memory_space<hbm>>
    %dma_wait3A_228 = arith.constant 0 : i32
    %dma_wait3A_229 = arith.constant 0 : i32
    %dma_wait3A_230 = tpu.memref_slice %arg6[%dma_wait3A_216, %dma_wait3A_228, %dma_wait3A_229] : memref<4x64x256xf32, #tpu.memory_space<vmem>> -> memref<1x64x256xf32, #tpu.memory_space<vmem>>
    %dma_wait3A_231 = tpu.memref_squeeze %dma_wait3A_230 : memref<1x64x256xf32, #tpu.memory_space<vmem>> -> memref<64x256xf32, #tpu.memory_space<vmem>>
    tpu.wait_dma2 semaphore(%dma_wait3A_225 : memref<!tpu.dma_semaphore, #tpu.memory_space<semaphore_mem>>) src(%dma_wait3A_231 : memref<64x256xf32, #tpu.memory_space<vmem>>) dst(%dma_wait3A_227 : memref<64x256xf32, #tpu.memory_space<hbm>>)
    %dma_start3A_232 = arith.constant 1 : i32
    %dma_start3A_233 = arith.constant 1 : i32
    %dma_start3A_234 = arith.constant 0 : i32
    %dma_start3A_235 = arith.constant 0 : i32
    %dma_start3A_236 = tpu.memref_slice %arg6[%dma_start3A_232, %dma_start3A_234, %dma_start3A_235] : memref<4x64x256xf32, #tpu.memory_space<vmem>> -> memref<1x64x256xf32, #tpu.memory_space<vmem>>
    %dma_start3A_237 = tpu.memref_squeeze %dma_start3A_236 : memref<1x64x256xf32, #tpu.memory_space<vmem>> -> memref<64x256xf32, #tpu.memory_space<vmem>>
    %dma_start3A_238 = arith.constant 320 : i32
    %dma_start3A_239 = tpu.memref_slice %arg5[%dma_start3A_238] : memref<1024xi32, #tpu.memory_space<vmem>> -> memref<64xi32, #tpu.memory_space<vmem>>
    %dma_start3A_240 = arith.constant 0 : i32
    %dma_start3A_241 = arith.constant 0 : i32
    %dma_start3A_242 = tpu.memref_slice %arg2[%dma_start3A_240, %dma_start3A_241] : memref<8192x256xf32, #tpu.memory_space<hbm>> -> memref<8192x256xf32, #tpu.memory_space<hbm>>
    %dma_start3A_243 = tpu.memref_slice %arg8[%dma_start3A_233] : memref<4x!tpu.dma_semaphore, #tpu.memory_space<semaphore_mem>> -> memref<1x!tpu.dma_semaphore, #tpu.memory_space<semaphore_mem>>
    %dma_start3A_244 = tpu.memref_squeeze %dma_start3A_243 : memref<1x!tpu.dma_semaphore, #tpu.memory_space<semaphore_mem>> -> memref<!tpu.dma_semaphore, #tpu.memory_space<semaphore_mem>>
    tpu.enqueue_indirect_dma source(%dma_start3A_242 : memref<8192x256xf32, #tpu.memory_space<hbm>>) target(%dma_start3A_237 : memref<64x256xf32, #tpu.memory_space<vmem>>) offsets(%dma_start3A_239 : memref<64xi32, #tpu.memory_space<vmem>>) semaphore(%dma_start3A_244 : memref<!tpu.dma_semaphore, #tpu.memory_space<semaphore_mem>>)
    %dma_wait3A_245 = arith.constant 0 : i32
    %dma_wait3A_246 = arith.constant 0 : i32
    %dma_wait3A_247 = arith.constant 0 : i32
    %dma_wait3A_248 = arith.constant 0 : i32
    %dma_wait3A_249 = tpu.memref_slice %arg6[%dma_wait3A_245, %dma_wait3A_247, %dma_wait3A_248] : memref<4x64x256xf32, #tpu.memory_space<vmem>> -> memref<1x64x256xf32, #tpu.memory_space<vmem>>
    %dma_wait3A_250 = tpu.memref_squeeze %dma_wait3A_249 : memref<1x64x256xf32, #tpu.memory_space<vmem>> -> memref<64x256xf32, #tpu.memory_space<vmem>>
    %dma_wait3A_251 = arith.constant 256 : i32
    %dma_wait3A_252 = tpu.memref_slice %arg5[%dma_wait3A_251] : memref<1024xi32, #tpu.memory_space<vmem>> -> memref<64xi32, #tpu.memory_space<vmem>>
    %dma_wait3A_253 = arith.constant 0 : i32
    %dma_wait3A_254 = arith.constant 0 : i32
    %dma_wait3A_255 = tpu.memref_slice %arg2[%dma_wait3A_253, %dma_wait3A_254] : memref<8192x256xf32, #tpu.memory_space<hbm>> -> memref<8192x256xf32, #tpu.memory_space<hbm>>
    %dma_wait3A_256 = tpu.memref_slice %arg8[%dma_wait3A_246] : memref<4x!tpu.dma_semaphore, #tpu.memory_space<semaphore_mem>> -> memref<1x!tpu.dma_semaphore, #tpu.memory_space<semaphore_mem>>
    %dma_wait3A_257 = tpu.memref_squeeze %dma_wait3A_256 : memref<1x!tpu.dma_semaphore, #tpu.memory_space<semaphore_mem>> -> memref<!tpu.dma_semaphore, #tpu.memory_space<semaphore_mem>>
    tpu.wait_indirect_dma semaphore(%dma_wait3A_257 : memref<!tpu.dma_semaphore, #tpu.memory_space<semaphore_mem>>) src(%dma_wait3A_255 : memref<8192x256xf32, #tpu.memory_space<hbm>>) dst(%dma_wait3A_250 : memref<64x256xf32, #tpu.memory_space<vmem>>)
    %add3A_258 = arith.constant 256 : i32
    %add3A_259 = arith.addi %mul3A_2, %add3A_258 : i32
    %dma_start3A_260 = arith.constant 0 : i32
    %dma_start3A_261 = arith.constant 0 : i32
    %dma_start3A_262 = arith.constant 0 : i32
    %dma_start3A_263 = arith.constant 0 : i32
    %dma_start3A_264 = tpu.memref_slice %arg6[%dma_start3A_260, %dma_start3A_262, %dma_start3A_263] : memref<4x64x256xf32, #tpu.memory_space<vmem>> -> memref<1x64x256xf32, #tpu.memory_space<vmem>>
    %dma_start3A_265 = tpu.memref_squeeze %dma_start3A_264 : memref<1x64x256xf32, #tpu.memory_space<vmem>> -> memref<64x256xf32, #tpu.memory_space<vmem>>
    %dma_start3A_266 = arith.constant 0 : i32
    %dma_start3A_267 = tpu.memref_slice %arg4[%add3A_259, %dma_start3A_266] : memref<32768x256xf32, #tpu.memory_space<hbm>> -> memref<64x256xf32, #tpu.memory_space<hbm>>
    %dma_start3A_268 = tpu.memref_slice %arg9[%dma_start3A_261] : memref<4x!tpu.dma_semaphore, #tpu.memory_space<semaphore_mem>> -> memref<1x!tpu.dma_semaphore, #tpu.memory_space<semaphore_mem>>
    %dma_start3A_269 = tpu.memref_squeeze %dma_start3A_268 : memref<1x!tpu.dma_semaphore, #tpu.memory_space<semaphore_mem>> -> memref<!tpu.dma_semaphore, #tpu.memory_space<semaphore_mem>>
    %dma_start3A_270 = arith.constant 0 : i32
    %dma_start3A_271 = tpu.memref_slice %arg4[%add3A_259, %dma_start3A_270] : memref<32768x256xf32, #tpu.memory_space<hbm>> -> memref<64x256xf32, #tpu.memory_space<hbm>>
    %dma_start3A_272 = arith.constant 0 : i32
    %dma_start3A_273 = arith.constant 0 : i32
    %dma_start3A_274 = tpu.memref_slice %arg6[%dma_start3A_260, %dma_start3A_272, %dma_start3A_273] : memref<4x64x256xf32, #tpu.memory_space<vmem>> -> memref<1x64x256xf32, #tpu.memory_space<vmem>>
    %dma_start3A_275 = tpu.memref_squeeze %dma_start3A_274 : memref<1x64x256xf32, #tpu.memory_space<vmem>> -> memref<64x256xf32, #tpu.memory_space<vmem>>
    tpu.enqueue_dma source(%dma_start3A_275 : memref<64x256xf32, #tpu.memory_space<vmem>>) target(%dma_start3A_271 : memref<64x256xf32, #tpu.memory_space<hbm>>) target_semaphore(%dma_start3A_269 : memref<!tpu.dma_semaphore, #tpu.memory_space<semaphore_mem>>)
    %dma_wait3A_276 = arith.constant 2 : i32
    %dma_wait3A_277 = arith.constant 2 : i32
    %dma_wait3A_278 = arith.constant 0 : i32
    %dma_wait3A_279 = arith.constant 0 : i32
    %dma_wait3A_280 = tpu.memref_slice %arg6[%dma_wait3A_276, %dma_wait3A_278, %dma_wait3A_279] : memref<4x64x256xf32, #tpu.memory_space<vmem>> -> memref<1x64x256xf32, #tpu.memory_space<vmem>>
    %dma_wait3A_281 = tpu.memref_squeeze %dma_wait3A_280 : memref<1x64x256xf32, #tpu.memory_space<vmem>> -> memref<64x256xf32, #tpu.memory_space<vmem>>
    %dma_wait3A_282 = arith.constant 0 : i32
    %dma_wait3A_283 = tpu.memref_slice %arg4[%add3A_139, %dma_wait3A_282] : memref<32768x256xf32, #tpu.memory_space<hbm>> -> memref<64x256xf32, #tpu.memory_space<hbm>>
    %dma_wait3A_284 = tpu.memref_slice %arg9[%dma_wait3A_277] : memref<4x!tpu.dma_semaphore, #tpu.memory_space<semaphore_mem>> -> memref<1x!tpu.dma_semaphore, #tpu.memory_space<semaphore_mem>>
    %dma_wait3A_285 = tpu.memref_squeeze %dma_wait3A_284 : memref<1x!tpu.dma_semaphore, #tpu.memory_space<semaphore_mem>> -> memref<!tpu.dma_semaphore, #tpu.memory_space<semaphore_mem>>
    %dma_wait3A_286 = arith.constant 0 : i32
    %dma_wait3A_287 = tpu.memref_slice %arg4[%add3A_139, %dma_wait3A_286] : memref<32768x256xf32, #tpu.memory_space<hbm>> -> memref<64x256xf32, #tpu.memory_space<hbm>>
    %dma_wait3A_288 = arith.constant 0 : i32
    %dma_wait3A_289 = arith.constant 0 : i32
    %dma_wait3A_290 = tpu.memref_slice %arg6[%dma_wait3A_276, %dma_wait3A_288, %dma_wait3A_289] : memref<4x64x256xf32, #tpu.memory_space<vmem>> -> memref<1x64x256xf32, #tpu.memory_space<vmem>>
    %dma_wait3A_291 = tpu.memref_squeeze %dma_wait3A_290 : memref<1x64x256xf32, #tpu.memory_space<vmem>> -> memref<64x256xf32, #tpu.memory_space<vmem>>
    tpu.wait_dma2 semaphore(%dma_wait3A_285 : memref<!tpu.dma_semaphore, #tpu.memory_space<semaphore_mem>>) src(%dma_wait3A_291 : memref<64x256xf32, #tpu.memory_space<vmem>>) dst(%dma_wait3A_287 : memref<64x256xf32, #tpu.memory_space<hbm>>)
    %dma_start3A_292 = arith.constant 2 : i32
    %dma_start3A_293 = arith.constant 2 : i32
    %dma_start3A_294 = arith.constant 0 : i32
    %dma_start3A_295 = arith.constant 0 : i32
    %dma_start3A_296 = tpu.memref_slice %arg6[%dma_start3A_292, %dma_start3A_294, %dma_start3A_295] : memref<4x64x256xf32, #tpu.memory_space<vmem>> -> memref<1x64x256xf32, #tpu.memory_space<vmem>>
    %dma_start3A_297 = tpu.memref_squeeze %dma_start3A_296 : memref<1x64x256xf32, #tpu.memory_space<vmem>> -> memref<64x256xf32, #tpu.memory_space<vmem>>
    %dma_start3A_298 = arith.constant 384 : i32
    %dma_start3A_299 = tpu.memref_slice %arg5[%dma_start3A_298] : memref<1024xi32, #tpu.memory_space<vmem>> -> memref<64xi32, #tpu.memory_space<vmem>>
    %dma_start3A_300 = arith.constant 0 : i32
    %dma_start3A_301 = arith.constant 0 : i32
    %dma_start3A_302 = tpu.memref_slice %arg2[%dma_start3A_300, %dma_start3A_301] : memref<8192x256xf32, #tpu.memory_space<hbm>> -> memref<8192x256xf32, #tpu.memory_space<hbm>>
    %dma_start3A_303 = tpu.memref_slice %arg8[%dma_start3A_293] : memref<4x!tpu.dma_semaphore, #tpu.memory_space<semaphore_mem>> -> memref<1x!tpu.dma_semaphore, #tpu.memory_space<semaphore_mem>>
    %dma_start3A_304 = tpu.memref_squeeze %dma_start3A_303 : memref<1x!tpu.dma_semaphore, #tpu.memory_space<semaphore_mem>> -> memref<!tpu.dma_semaphore, #tpu.memory_space<semaphore_mem>>
    tpu.enqueue_indirect_dma source(%dma_start3A_302 : memref<8192x256xf32, #tpu.memory_space<hbm>>) target(%dma_start3A_297 : memref<64x256xf32, #tpu.memory_space<vmem>>) offsets(%dma_start3A_299 : memref<64xi32, #tpu.memory_space<vmem>>) semaphore(%dma_start3A_304 : memref<!tpu.dma_semaphore, #tpu.memory_space<semaphore_mem>>)
    %dma_wait3A_305 = arith.constant 1 : i32
    %dma_wait3A_306 = arith.constant 1 : i32
    %dma_wait3A_307 = arith.constant 0 : i32
    %dma_wait3A_308 = arith.constant 0 : i32
    %dma_wait3A_309 = tpu.memref_slice %arg6[%dma_wait3A_305, %dma_wait3A_307, %dma_wait3A_308] : memref<4x64x256xf32, #tpu.memory_space<vmem>> -> memref<1x64x256xf32, #tpu.memory_space<vmem>>
    %dma_wait3A_310 = tpu.memref_squeeze %dma_wait3A_309 : memref<1x64x256xf32, #tpu.memory_space<vmem>> -> memref<64x256xf32, #tpu.memory_space<vmem>>
    %dma_wait3A_311 = arith.constant 320 : i32
    %dma_wait3A_312 = tpu.memref_slice %arg5[%dma_wait3A_311] : memref<1024xi32, #tpu.memory_space<vmem>> -> memref<64xi32, #tpu.memory_space<vmem>>
    %dma_wait3A_313 = arith.constant 0 : i32
    %dma_wait3A_314 = arith.constant 0 : i32
    %dma_wait3A_315 = tpu.memref_slice %arg2[%dma_wait3A_313, %dma_wait3A_314] : memref<8192x256xf32, #tpu.memory_space<hbm>> -> memref<8192x256xf32, #tpu.memory_space<hbm>>
    %dma_wait3A_316 = tpu.memref_slice %arg8[%dma_wait3A_306] : memref<4x!tpu.dma_semaphore, #tpu.memory_space<semaphore_mem>> -> memref<1x!tpu.dma_semaphore, #tpu.memory_space<semaphore_mem>>
    %dma_wait3A_317 = tpu.memref_squeeze %dma_wait3A_316 : memref<1x!tpu.dma_semaphore, #tpu.memory_space<semaphore_mem>> -> memref<!tpu.dma_semaphore, #tpu.memory_space<semaphore_mem>>
    tpu.wait_indirect_dma semaphore(%dma_wait3A_317 : memref<!tpu.dma_semaphore, #tpu.memory_space<semaphore_mem>>) src(%dma_wait3A_315 : memref<8192x256xf32, #tpu.memory_space<hbm>>) dst(%dma_wait3A_310 : memref<64x256xf32, #tpu.memory_space<vmem>>)
    %add3A_318 = arith.constant 320 : i32
    %add3A_319 = arith.addi %mul3A_2, %add3A_318 : i32
    %dma_start3A_320 = arith.constant 1 : i32
    %dma_start3A_321 = arith.constant 1 : i32
    %dma_start3A_322 = arith.constant 0 : i32
    %dma_start3A_323 = arith.constant 0 : i32
    %dma_start3A_324 = tpu.memref_slice %arg6[%dma_start3A_320, %dma_start3A_322, %dma_start3A_323] : memref<4x64x256xf32, #tpu.memory_space<vmem>> -> memref<1x64x256xf32, #tpu.memory_space<vmem>>
    %dma_start3A_325 = tpu.memref_squeeze %dma_start3A_324 : memref<1x64x256xf32, #tpu.memory_space<vmem>> -> memref<64x256xf32, #tpu.memory_space<vmem>>
    %dma_start3A_326 = arith.constant 0 : i32
    %dma_start3A_327 = tpu.memref_slice %arg4[%add3A_319, %dma_start3A_326] : memref<32768x256xf32, #tpu.memory_space<hbm>> -> memref<64x256xf32, #tpu.memory_space<hbm>>
    %dma_start3A_328 = tpu.memref_slice %arg9[%dma_start3A_321] : memref<4x!tpu.dma_semaphore, #tpu.memory_space<semaphore_mem>> -> memref<1x!tpu.dma_semaphore, #tpu.memory_space<semaphore_mem>>
    %dma_start3A_329 = tpu.memref_squeeze %dma_start3A_328 : memref<1x!tpu.dma_semaphore, #tpu.memory_space<semaphore_mem>> -> memref<!tpu.dma_semaphore, #tpu.memory_space<semaphore_mem>>
    %dma_start3A_330 = arith.constant 0 : i32
    %dma_start3A_331 = tpu.memref_slice %arg4[%add3A_319, %dma_start3A_330] : memref<32768x256xf32, #tpu.memory_space<hbm>> -> memref<64x256xf32, #tpu.memory_space<hbm>>
    %dma_start3A_332 = arith.constant 0 : i32
    %dma_start3A_333 = arith.constant 0 : i32
    %dma_start3A_334 = tpu.memref_slice %arg6[%dma_start3A_320, %dma_start3A_332, %dma_start3A_333] : memref<4x64x256xf32, #tpu.memory_space<vmem>> -> memref<1x64x256xf32, #tpu.memory_space<vmem>>
    %dma_start3A_335 = tpu.memref_squeeze %dma_start3A_334 : memref<1x64x256xf32, #tpu.memory_space<vmem>> -> memref<64x256xf32, #tpu.memory_space<vmem>>
    tpu.enqueue_dma source(%dma_start3A_335 : memref<64x256xf32, #tpu.memory_space<vmem>>) target(%dma_start3A_331 : memref<64x256xf32, #tpu.memory_space<hbm>>) target_semaphore(%dma_start3A_329 : memref<!tpu.dma_semaphore, #tpu.memory_space<semaphore_mem>>)
    %dma_wait3A_336 = arith.constant 3 : i32
    %dma_wait3A_337 = arith.constant 3 : i32
    %dma_wait3A_338 = arith.constant 0 : i32
    %dma_wait3A_339 = arith.constant 0 : i32
    %dma_wait3A_340 = tpu.memref_slice %arg6[%dma_wait3A_336, %dma_wait3A_338, %dma_wait3A_339] : memref<4x64x256xf32, #tpu.memory_space<vmem>> -> memref<1x64x256xf32, #tpu.memory_space<vmem>>
    %dma_wait3A_341 = tpu.memref_squeeze %dma_wait3A_340 : memref<1x64x256xf32, #tpu.memory_space<vmem>> -> memref<64x256xf32, #tpu.memory_space<vmem>>
    %dma_wait3A_342 = arith.constant 0 : i32
    %dma_wait3A_343 = tpu.memref_slice %arg4[%add3A_199, %dma_wait3A_342] : memref<32768x256xf32, #tpu.memory_space<hbm>> -> memref<64x256xf32, #tpu.memory_space<hbm>>
    %dma_wait3A_344 = tpu.memref_slice %arg9[%dma_wait3A_337] : memref<4x!tpu.dma_semaphore, #tpu.memory_space<semaphore_mem>> -> memref<1x!tpu.dma_semaphore, #tpu.memory_space<semaphore_mem>>
    %dma_wait3A_345 = tpu.memref_squeeze %dma_wait3A_344 : memref<1x!tpu.dma_semaphore, #tpu.memory_space<semaphore_mem>> -> memref<!tpu.dma_semaphore, #tpu.memory_space<semaphore_mem>>
    %dma_wait3A_346 = arith.constant 0 : i32
    %dma_wait3A_347 = tpu.memref_slice %arg4[%add3A_199, %dma_wait3A_346] : memref<32768x256xf32, #tpu.memory_space<hbm>> -> memref<64x256xf32, #tpu.memory_space<hbm>>
    %dma_wait3A_348 = arith.constant 0 : i32
    %dma_wait3A_349 = arith.constant 0 : i32
    %dma_wait3A_350 = tpu.memref_slice %arg6[%dma_wait3A_336, %dma_wait3A_348, %dma_wait3A_349] : memref<4x64x256xf32, #tpu.memory_space<vmem>> -> memref<1x64x256xf32, #tpu.memory_space<vmem>>
    %dma_wait3A_351 = tpu.memref_squeeze %dma_wait3A_350 : memref<1x64x256xf32, #tpu.memory_space<vmem>> -> memref<64x256xf32, #tpu.memory_space<vmem>>
    tpu.wait_dma2 semaphore(%dma_wait3A_345 : memref<!tpu.dma_semaphore, #tpu.memory_space<semaphore_mem>>) src(%dma_wait3A_351 : memref<64x256xf32, #tpu.memory_space<vmem>>) dst(%dma_wait3A_347 : memref<64x256xf32, #tpu.memory_space<hbm>>)
    %dma_start3A_352 = arith.constant 3 : i32
    %dma_start3A_353 = arith.constant 3 : i32
    %dma_start3A_354 = arith.constant 0 : i32
    %dma_start3A_355 = arith.constant 0 : i32
    %dma_start3A_356 = tpu.memref_slice %arg6[%dma_start3A_352, %dma_start3A_354, %dma_start3A_355] : memref<4x64x256xf32, #tpu.memory_space<vmem>> -> memref<1x64x256xf32, #tpu.memory_space<vmem>>
    %dma_start3A_357 = tpu.memref_squeeze %dma_start3A_356 : memref<1x64x256xf32, #tpu.memory_space<vmem>> -> memref<64x256xf32, #tpu.memory_space<vmem>>
    %dma_start3A_358 = arith.constant 448 : i32
    %dma_start3A_359 = tpu.memref_slice %arg5[%dma_start3A_358] : memref<1024xi32, #tpu.memory_space<vmem>> -> memref<64xi32, #tpu.memory_space<vmem>>
    %dma_start3A_360 = arith.constant 0 : i32
    %dma_start3A_361 = arith.constant 0 : i32
    %dma_start3A_362 = tpu.memref_slice %arg2[%dma_start3A_360, %dma_start3A_361] : memref<8192x256xf32, #tpu.memory_space<hbm>> -> memref<8192x256xf32, #tpu.memory_space<hbm>>
    %dma_start3A_363 = tpu.memref_slice %arg8[%dma_start3A_353] : memref<4x!tpu.dma_semaphore, #tpu.memory_space<semaphore_mem>> -> memref<1x!tpu.dma_semaphore, #tpu.memory_space<semaphore_mem>>
    %dma_start3A_364 = tpu.memref_squeeze %dma_start3A_363 : memref<1x!tpu.dma_semaphore, #tpu.memory_space<semaphore_mem>> -> memref<!tpu.dma_semaphore, #tpu.memory_space<semaphore_mem>>
    tpu.enqueue_indirect_dma source(%dma_start3A_362 : memref<8192x256xf32, #tpu.memory_space<hbm>>) target(%dma_start3A_357 : memref<64x256xf32, #tpu.memory_space<vmem>>) offsets(%dma_start3A_359 : memref<64xi32, #tpu.memory_space<vmem>>) semaphore(%dma_start3A_364 : memref<!tpu.dma_semaphore, #tpu.memory_space<semaphore_mem>>)
    %dma_wait3A_365 = arith.constant 2 : i32
    %dma_wait3A_366 = arith.constant 2 : i32
    %dma_wait3A_367 = arith.constant 0 : i32
    %dma_wait3A_368 = arith.constant 0 : i32
    %dma_wait3A_369 = tpu.memref_slice %arg6[%dma_wait3A_365, %dma_wait3A_367, %dma_wait3A_368] : memref<4x64x256xf32, #tpu.memory_space<vmem>> -> memref<1x64x256xf32, #tpu.memory_space<vmem>>
    %dma_wait3A_370 = tpu.memref_squeeze %dma_wait3A_369 : memref<1x64x256xf32, #tpu.memory_space<vmem>> -> memref<64x256xf32, #tpu.memory_space<vmem>>
    %dma_wait3A_371 = arith.constant 384 : i32
    %dma_wait3A_372 = tpu.memref_slice %arg5[%dma_wait3A_371] : memref<1024xi32, #tpu.memory_space<vmem>> -> memref<64xi32, #tpu.memory_space<vmem>>
    %dma_wait3A_373 = arith.constant 0 : i32
    %dma_wait3A_374 = arith.constant 0 : i32
    %dma_wait3A_375 = tpu.memref_slice %arg2[%dma_wait3A_373, %dma_wait3A_374] : memref<8192x256xf32, #tpu.memory_space<hbm>> -> memref<8192x256xf32, #tpu.memory_space<hbm>>
    %dma_wait3A_376 = tpu.memref_slice %arg8[%dma_wait3A_366] : memref<4x!tpu.dma_semaphore, #tpu.memory_space<semaphore_mem>> -> memref<1x!tpu.dma_semaphore, #tpu.memory_space<semaphore_mem>>
    %dma_wait3A_377 = tpu.memref_squeeze %dma_wait3A_376 : memref<1x!tpu.dma_semaphore, #tpu.memory_space<semaphore_mem>> -> memref<!tpu.dma_semaphore, #tpu.memory_space<semaphore_mem>>
    tpu.wait_indirect_dma semaphore(%dma_wait3A_377 : memref<!tpu.dma_semaphore, #tpu.memory_space<semaphore_mem>>) src(%dma_wait3A_375 : memref<8192x256xf32, #tpu.memory_space<hbm>>) dst(%dma_wait3A_370 : memref<64x256xf32, #tpu.memory_space<vmem>>)
    %add3A_378 = arith.constant 384 : i32
    %add3A_379 = arith.addi %mul3A_2, %add3A_378 : i32
    %dma_start3A_380 = arith.constant 2 : i32
    %dma_start3A_381 = arith.constant 2 : i32
    %dma_start3A_382 = arith.constant 0 : i32
    %dma_start3A_383 = arith.constant 0 : i32
    %dma_start3A_384 = tpu.memref_slice %arg6[%dma_start3A_380, %dma_start3A_382, %dma_start3A_383] : memref<4x64x256xf32, #tpu.memory_space<vmem>> -> memref<1x64x256xf32, #tpu.memory_space<vmem>>
    %dma_start3A_385 = tpu.memref_squeeze %dma_start3A_384 : memref<1x64x256xf32, #tpu.memory_space<vmem>> -> memref<64x256xf32, #tpu.memory_space<vmem>>
    %dma_start3A_386 = arith.constant 0 : i32
    %dma_start3A_387 = tpu.memref_slice %arg4[%add3A_379, %dma_start3A_386] : memref<32768x256xf32, #tpu.memory_space<hbm>> -> memref<64x256xf32, #tpu.memory_space<hbm>>
    %dma_start3A_388 = tpu.memref_slice %arg9[%dma_start3A_381] : memref<4x!tpu.dma_semaphore, #tpu.memory_space<semaphore_mem>> -> memref<1x!tpu.dma_semaphore, #tpu.memory_space<semaphore_mem>>
    %dma_start3A_389 = tpu.memref_squeeze %dma_start3A_388 : memref<1x!tpu.dma_semaphore, #tpu.memory_space<semaphore_mem>> -> memref<!tpu.dma_semaphore, #tpu.memory_space<semaphore_mem>>
    %dma_start3A_390 = arith.constant 0 : i32
    %dma_start3A_391 = tpu.memref_slice %arg4[%add3A_379, %dma_start3A_390] : memref<32768x256xf32, #tpu.memory_space<hbm>> -> memref<64x256xf32, #tpu.memory_space<hbm>>
    %dma_start3A_392 = arith.constant 0 : i32
    %dma_start3A_393 = arith.constant 0 : i32
    %dma_start3A_394 = tpu.memref_slice %arg6[%dma_start3A_380, %dma_start3A_392, %dma_start3A_393] : memref<4x64x256xf32, #tpu.memory_space<vmem>> -> memref<1x64x256xf32, #tpu.memory_space<vmem>>
    %dma_start3A_395 = tpu.memref_squeeze %dma_start3A_394 : memref<1x64x256xf32, #tpu.memory_space<vmem>> -> memref<64x256xf32, #tpu.memory_space<vmem>>
    tpu.enqueue_dma source(%dma_start3A_395 : memref<64x256xf32, #tpu.memory_space<vmem>>) target(%dma_start3A_391 : memref<64x256xf32, #tpu.memory_space<hbm>>) target_semaphore(%dma_start3A_389 : memref<!tpu.dma_semaphore, #tpu.memory_space<semaphore_mem>>)
    %dma_wait3A_396 = arith.constant 0 : i32
    %dma_wait3A_397 = arith.constant 0 : i32
    %dma_wait3A_398 = arith.constant 0 : i32
    %dma_wait3A_399 = arith.constant 0 : i32
    %dma_wait3A_400 = tpu.memref_slice %arg6[%dma_wait3A_396, %dma_wait3A_398, %dma_wait3A_399] : memref<4x64x256xf32, #tpu.memory_space<vmem>> -> memref<1x64x256xf32, #tpu.memory_space<vmem>>
    %dma_wait3A_401 = tpu.memref_squeeze %dma_wait3A_400 : memref<1x64x256xf32, #tpu.memory_space<vmem>> -> memref<64x256xf32, #tpu.memory_space<vmem>>
    %dma_wait3A_402 = arith.constant 0 : i32
    %dma_wait3A_403 = tpu.memref_slice %arg4[%add3A_259, %dma_wait3A_402] : memref<32768x256xf32, #tpu.memory_space<hbm>> -> memref<64x256xf32, #tpu.memory_space<hbm>>
    %dma_wait3A_404 = tpu.memref_slice %arg9[%dma_wait3A_397] : memref<4x!tpu.dma_semaphore, #tpu.memory_space<semaphore_mem>> -> memref<1x!tpu.dma_semaphore, #tpu.memory_space<semaphore_mem>>
    %dma_wait3A_405 = tpu.memref_squeeze %dma_wait3A_404 : memref<1x!tpu.dma_semaphore, #tpu.memory_space<semaphore_mem>> -> memref<!tpu.dma_semaphore, #tpu.memory_space<semaphore_mem>>
    %dma_wait3A_406 = arith.constant 0 : i32
    %dma_wait3A_407 = tpu.memref_slice %arg4[%add3A_259, %dma_wait3A_406] : memref<32768x256xf32, #tpu.memory_space<hbm>> -> memref<64x256xf32, #tpu.memory_space<hbm>>
    %dma_wait3A_408 = arith.constant 0 : i32
    %dma_wait3A_409 = arith.constant 0 : i32
    %dma_wait3A_410 = tpu.memref_slice %arg6[%dma_wait3A_396, %dma_wait3A_408, %dma_wait3A_409] : memref<4x64x256xf32, #tpu.memory_space<vmem>> -> memref<1x64x256xf32, #tpu.memory_space<vmem>>
    %dma_wait3A_411 = tpu.memref_squeeze %dma_wait3A_410 : memref<1x64x256xf32, #tpu.memory_space<vmem>> -> memref<64x256xf32, #tpu.memory_space<vmem>>
    tpu.wait_dma2 semaphore(%dma_wait3A_405 : memref<!tpu.dma_semaphore, #tpu.memory_space<semaphore_mem>>) src(%dma_wait3A_411 : memref<64x256xf32, #tpu.memory_space<vmem>>) dst(%dma_wait3A_407 : memref<64x256xf32, #tpu.memory_space<hbm>>)
    %dma_start3A_412 = arith.constant 0 : i32
    %dma_start3A_413 = arith.constant 0 : i32
    %dma_start3A_414 = arith.constant 0 : i32
    %dma_start3A_415 = arith.constant 0 : i32
    %dma_start3A_416 = tpu.memref_slice %arg6[%dma_start3A_412, %dma_start3A_414, %dma_start3A_415] : memref<4x64x256xf32, #tpu.memory_space<vmem>> -> memref<1x64x256xf32, #tpu.memory_space<vmem>>
    %dma_start3A_417 = tpu.memref_squeeze %dma_start3A_416 : memref<1x64x256xf32, #tpu.memory_space<vmem>> -> memref<64x256xf32, #tpu.memory_space<vmem>>
    %dma_start3A_418 = arith.constant 512 : i32
    %dma_start3A_419 = tpu.memref_slice %arg5[%dma_start3A_418] : memref<1024xi32, #tpu.memory_space<vmem>> -> memref<64xi32, #tpu.memory_space<vmem>>
    %dma_start3A_420 = arith.constant 0 : i32
    %dma_start3A_421 = arith.constant 0 : i32
    %dma_start3A_422 = tpu.memref_slice %arg2[%dma_start3A_420, %dma_start3A_421] : memref<8192x256xf32, #tpu.memory_space<hbm>> -> memref<8192x256xf32, #tpu.memory_space<hbm>>
    %dma_start3A_423 = tpu.memref_slice %arg8[%dma_start3A_413] : memref<4x!tpu.dma_semaphore, #tpu.memory_space<semaphore_mem>> -> memref<1x!tpu.dma_semaphore, #tpu.memory_space<semaphore_mem>>
    %dma_start3A_424 = tpu.memref_squeeze %dma_start3A_423 : memref<1x!tpu.dma_semaphore, #tpu.memory_space<semaphore_mem>> -> memref<!tpu.dma_semaphore, #tpu.memory_space<semaphore_mem>>
    tpu.enqueue_indirect_dma source(%dma_start3A_422 : memref<8192x256xf32, #tpu.memory_space<hbm>>) target(%dma_start3A_417 : memref<64x256xf32, #tpu.memory_space<vmem>>) offsets(%dma_start3A_419 : memref<64xi32, #tpu.memory_space<vmem>>) semaphore(%dma_start3A_424 : memref<!tpu.dma_semaphore, #tpu.memory_space<semaphore_mem>>)
    %dma_wait3A_425 = arith.constant 3 : i32
    %dma_wait3A_426 = arith.constant 3 : i32
    %dma_wait3A_427 = arith.constant 0 : i32
    %dma_wait3A_428 = arith.constant 0 : i32
    %dma_wait3A_429 = tpu.memref_slice %arg6[%dma_wait3A_425, %dma_wait3A_427, %dma_wait3A_428] : memref<4x64x256xf32, #tpu.memory_space<vmem>> -> memref<1x64x256xf32, #tpu.memory_space<vmem>>
    %dma_wait3A_430 = tpu.memref_squeeze %dma_wait3A_429 : memref<1x64x256xf32, #tpu.memory_space<vmem>> -> memref<64x256xf32, #tpu.memory_space<vmem>>
    %dma_wait3A_431 = arith.constant 448 : i32
    %dma_wait3A_432 = tpu.memref_slice %arg5[%dma_wait3A_431] : memref<1024xi32, #tpu.memory_space<vmem>> -> memref<64xi32, #tpu.memory_space<vmem>>
    %dma_wait3A_433 = arith.constant 0 : i32
    %dma_wait3A_434 = arith.constant 0 : i32
    %dma_wait3A_435 = tpu.memref_slice %arg2[%dma_wait3A_433, %dma_wait3A_434] : memref<8192x256xf32, #tpu.memory_space<hbm>> -> memref<8192x256xf32, #tpu.memory_space<hbm>>
    %dma_wait3A_436 = tpu.memref_slice %arg8[%dma_wait3A_426] : memref<4x!tpu.dma_semaphore, #tpu.memory_space<semaphore_mem>> -> memref<1x!tpu.dma_semaphore, #tpu.memory_space<semaphore_mem>>
    %dma_wait3A_437 = tpu.memref_squeeze %dma_wait3A_436 : memref<1x!tpu.dma_semaphore, #tpu.memory_space<semaphore_mem>> -> memref<!tpu.dma_semaphore, #tpu.memory_space<semaphore_mem>>
    tpu.wait_indirect_dma semaphore(%dma_wait3A_437 : memref<!tpu.dma_semaphore, #tpu.memory_space<semaphore_mem>>) src(%dma_wait3A_435 : memref<8192x256xf32, #tpu.memory_space<hbm>>) dst(%dma_wait3A_430 : memref<64x256xf32, #tpu.memory_space<vmem>>)
    %add3A_438 = arith.constant 448 : i32
    %add3A_439 = arith.addi %mul3A_2, %add3A_438 : i32
    %dma_start3A_440 = arith.constant 3 : i32
    %dma_start3A_441 = arith.constant 3 : i32
    %dma_start3A_442 = arith.constant 0 : i32
    %dma_start3A_443 = arith.constant 0 : i32
    %dma_start3A_444 = tpu.memref_slice %arg6[%dma_start3A_440, %dma_start3A_442, %dma_start3A_443] : memref<4x64x256xf32, #tpu.memory_space<vmem>> -> memref<1x64x256xf32, #tpu.memory_space<vmem>>
    %dma_start3A_445 = tpu.memref_squeeze %dma_start3A_444 : memref<1x64x256xf32, #tpu.memory_space<vmem>> -> memref<64x256xf32, #tpu.memory_space<vmem>>
    %dma_start3A_446 = arith.constant 0 : i32
    %dma_start3A_447 = tpu.memref_slice %arg4[%add3A_439, %dma_start3A_446] : memref<32768x256xf32, #tpu.memory_space<hbm>> -> memref<64x256xf32, #tpu.memory_space<hbm>>
    %dma_start3A_448 = tpu.memref_slice %arg9[%dma_start3A_441] : memref<4x!tpu.dma_semaphore, #tpu.memory_space<semaphore_mem>> -> memref<1x!tpu.dma_semaphore, #tpu.memory_space<semaphore_mem>>
    %dma_start3A_449 = tpu.memref_squeeze %dma_start3A_448 : memref<1x!tpu.dma_semaphore, #tpu.memory_space<semaphore_mem>> -> memref<!tpu.dma_semaphore, #tpu.memory_space<semaphore_mem>>
    %dma_start3A_450 = arith.constant 0 : i32
    %dma_start3A_451 = tpu.memref_slice %arg4[%add3A_439, %dma_start3A_450] : memref<32768x256xf32, #tpu.memory_space<hbm>> -> memref<64x256xf32, #tpu.memory_space<hbm>>
    %dma_start3A_452 = arith.constant 0 : i32
    %dma_start3A_453 = arith.constant 0 : i32
    %dma_start3A_454 = tpu.memref_slice %arg6[%dma_start3A_440, %dma_start3A_452, %dma_start3A_453] : memref<4x64x256xf32, #tpu.memory_space<vmem>> -> memref<1x64x256xf32, #tpu.memory_space<vmem>>
    %dma_start3A_455 = tpu.memref_squeeze %dma_start3A_454 : memref<1x64x256xf32, #tpu.memory_space<vmem>> -> memref<64x256xf32, #tpu.memory_space<vmem>>
    tpu.enqueue_dma source(%dma_start3A_455 : memref<64x256xf32, #tpu.memory_space<vmem>>) target(%dma_start3A_451 : memref<64x256xf32, #tpu.memory_space<hbm>>) target_semaphore(%dma_start3A_449 : memref<!tpu.dma_semaphore, #tpu.memory_space<semaphore_mem>>)
    %dma_wait3A_456 = arith.constant 1 : i32
    %dma_wait3A_457 = arith.constant 1 : i32
    %dma_wait3A_458 = arith.constant 0 : i32
    %dma_wait3A_459 = arith.constant 0 : i32
    %dma_wait3A_460 = tpu.memref_slice %arg6[%dma_wait3A_456, %dma_wait3A_458, %dma_wait3A_459] : memref<4x64x256xf32, #tpu.memory_space<vmem>> -> memref<1x64x256xf32, #tpu.memory_space<vmem>>
    %dma_wait3A_461 = tpu.memref_squeeze %dma_wait3A_460 : memref<1x64x256xf32, #tpu.memory_space<vmem>> -> memref<64x256xf32, #tpu.memory_space<vmem>>
    %dma_wait3A_462 = arith.constant 0 : i32
    %dma_wait3A_463 = tpu.memref_slice %arg4[%add3A_319, %dma_wait3A_462] : memref<32768x256xf32, #tpu.memory_space<hbm>> -> memref<64x256xf32, #tpu.memory_space<hbm>>
    %dma_wait3A_464 = tpu.memref_slice %arg9[%dma_wait3A_457] : memref<4x!tpu.dma_semaphore, #tpu.memory_space<semaphore_mem>> -> memref<1x!tpu.dma_semaphore, #tpu.memory_space<semaphore_mem>>
    %dma_wait3A_465 = tpu.memref_squeeze %dma_wait3A_464 : memref<1x!tpu.dma_semaphore, #tpu.memory_space<semaphore_mem>> -> memref<!tpu.dma_semaphore, #tpu.memory_space<semaphore_mem>>
    %dma_wait3A_466 = arith.constant 0 : i32
    %dma_wait3A_467 = tpu.memref_slice %arg4[%add3A_319, %dma_wait3A_466] : memref<32768x256xf32, #tpu.memory_space<hbm>> -> memref<64x256xf32, #tpu.memory_space<hbm>>
    %dma_wait3A_468 = arith.constant 0 : i32
    %dma_wait3A_469 = arith.constant 0 : i32
    %dma_wait3A_470 = tpu.memref_slice %arg6[%dma_wait3A_456, %dma_wait3A_468, %dma_wait3A_469] : memref<4x64x256xf32, #tpu.memory_space<vmem>> -> memref<1x64x256xf32, #tpu.memory_space<vmem>>
    %dma_wait3A_471 = tpu.memref_squeeze %dma_wait3A_470 : memref<1x64x256xf32, #tpu.memory_space<vmem>> -> memref<64x256xf32, #tpu.memory_space<vmem>>
    tpu.wait_dma2 semaphore(%dma_wait3A_465 : memref<!tpu.dma_semaphore, #tpu.memory_space<semaphore_mem>>) src(%dma_wait3A_471 : memref<64x256xf32, #tpu.memory_space<vmem>>) dst(%dma_wait3A_467 : memref<64x256xf32, #tpu.memory_space<hbm>>)
    %dma_start3A_472 = arith.constant 1 : i32
    %dma_start3A_473 = arith.constant 1 : i32
    %dma_start3A_474 = arith.constant 0 : i32
    %dma_start3A_475 = arith.constant 0 : i32
    %dma_start3A_476 = tpu.memref_slice %arg6[%dma_start3A_472, %dma_start3A_474, %dma_start3A_475] : memref<4x64x256xf32, #tpu.memory_space<vmem>> -> memref<1x64x256xf32, #tpu.memory_space<vmem>>
    %dma_start3A_477 = tpu.memref_squeeze %dma_start3A_476 : memref<1x64x256xf32, #tpu.memory_space<vmem>> -> memref<64x256xf32, #tpu.memory_space<vmem>>
    %dma_start3A_478 = arith.constant 576 : i32
    %dma_start3A_479 = tpu.memref_slice %arg5[%dma_start3A_478] : memref<1024xi32, #tpu.memory_space<vmem>> -> memref<64xi32, #tpu.memory_space<vmem>>
    %dma_start3A_480 = arith.constant 0 : i32
    %dma_start3A_481 = arith.constant 0 : i32
    %dma_start3A_482 = tpu.memref_slice %arg2[%dma_start3A_480, %dma_start3A_481] : memref<8192x256xf32, #tpu.memory_space<hbm>> -> memref<8192x256xf32, #tpu.memory_space<hbm>>
    %dma_start3A_483 = tpu.memref_slice %arg8[%dma_start3A_473] : memref<4x!tpu.dma_semaphore, #tpu.memory_space<semaphore_mem>> -> memref<1x!tpu.dma_semaphore, #tpu.memory_space<semaphore_mem>>
    %dma_start3A_484 = tpu.memref_squeeze %dma_start3A_483 : memref<1x!tpu.dma_semaphore, #tpu.memory_space<semaphore_mem>> -> memref<!tpu.dma_semaphore, #tpu.memory_space<semaphore_mem>>
    tpu.enqueue_indirect_dma source(%dma_start3A_482 : memref<8192x256xf32, #tpu.memory_space<hbm>>) target(%dma_start3A_477 : memref<64x256xf32, #tpu.memory_space<vmem>>) offsets(%dma_start3A_479 : memref<64xi32, #tpu.memory_space<vmem>>) semaphore(%dma_start3A_484 : memref<!tpu.dma_semaphore, #tpu.memory_space<semaphore_mem>>)
    %dma_wait3A_485 = arith.constant 0 : i32
    %dma_wait3A_486 = arith.constant 0 : i32
    %dma_wait3A_487 = arith.constant 0 : i32
    %dma_wait3A_488 = arith.constant 0 : i32
    %dma_wait3A_489 = tpu.memref_slice %arg6[%dma_wait3A_485, %dma_wait3A_487, %dma_wait3A_488] : memref<4x64x256xf32, #tpu.memory_space<vmem>> -> memref<1x64x256xf32, #tpu.memory_space<vmem>>
    %dma_wait3A_490 = tpu.memref_squeeze %dma_wait3A_489 : memref<1x64x256xf32, #tpu.memory_space<vmem>> -> memref<64x256xf32, #tpu.memory_space<vmem>>
    %dma_wait3A_491 = arith.constant 512 : i32
    %dma_wait3A_492 = tpu.memref_slice %arg5[%dma_wait3A_491] : memref<1024xi32, #tpu.memory_space<vmem>> -> memref<64xi32, #tpu.memory_space<vmem>>
    %dma_wait3A_493 = arith.constant 0 : i32
    %dma_wait3A_494 = arith.constant 0 : i32
    %dma_wait3A_495 = tpu.memref_slice %arg2[%dma_wait3A_493, %dma_wait3A_494] : memref<8192x256xf32, #tpu.memory_space<hbm>> -> memref<8192x256xf32, #tpu.memory_space<hbm>>
    %dma_wait3A_496 = tpu.memref_slice %arg8[%dma_wait3A_486] : memref<4x!tpu.dma_semaphore, #tpu.memory_space<semaphore_mem>> -> memref<1x!tpu.dma_semaphore, #tpu.memory_space<semaphore_mem>>
    %dma_wait3A_497 = tpu.memref_squeeze %dma_wait3A_496 : memref<1x!tpu.dma_semaphore, #tpu.memory_space<semaphore_mem>> -> memref<!tpu.dma_semaphore, #tpu.memory_space<semaphore_mem>>
    tpu.wait_indirect_dma semaphore(%dma_wait3A_497 : memref<!tpu.dma_semaphore, #tpu.memory_space<semaphore_mem>>) src(%dma_wait3A_495 : memref<8192x256xf32, #tpu.memory_space<hbm>>) dst(%dma_wait3A_490 : memref<64x256xf32, #tpu.memory_space<vmem>>)
    %add3A_498 = arith.constant 512 : i32
    %add3A_499 = arith.addi %mul3A_2, %add3A_498 : i32
    %dma_start3A_500 = arith.constant 0 : i32
    %dma_start3A_501 = arith.constant 0 : i32
    %dma_start3A_502 = arith.constant 0 : i32
    %dma_start3A_503 = arith.constant 0 : i32
    %dma_start3A_504 = tpu.memref_slice %arg6[%dma_start3A_500, %dma_start3A_502, %dma_start3A_503] : memref<4x64x256xf32, #tpu.memory_space<vmem>> -> memref<1x64x256xf32, #tpu.memory_space<vmem>>
    %dma_start3A_505 = tpu.memref_squeeze %dma_start3A_504 : memref<1x64x256xf32, #tpu.memory_space<vmem>> -> memref<64x256xf32, #tpu.memory_space<vmem>>
    %dma_start3A_506 = arith.constant 0 : i32
    %dma_start3A_507 = tpu.memref_slice %arg4[%add3A_499, %dma_start3A_506] : memref<32768x256xf32, #tpu.memory_space<hbm>> -> memref<64x256xf32, #tpu.memory_space<hbm>>
    %dma_start3A_508 = tpu.memref_slice %arg9[%dma_start3A_501] : memref<4x!tpu.dma_semaphore, #tpu.memory_space<semaphore_mem>> -> memref<1x!tpu.dma_semaphore, #tpu.memory_space<semaphore_mem>>
    %dma_start3A_509 = tpu.memref_squeeze %dma_start3A_508 : memref<1x!tpu.dma_semaphore, #tpu.memory_space<semaphore_mem>> -> memref<!tpu.dma_semaphore, #tpu.memory_space<semaphore_mem>>
    %dma_start3A_510 = arith.constant 0 : i32
    %dma_start3A_511 = tpu.memref_slice %arg4[%add3A_499, %dma_start3A_510] : memref<32768x256xf32, #tpu.memory_space<hbm>> -> memref<64x256xf32, #tpu.memory_space<hbm>>
    %dma_start3A_512 = arith.constant 0 : i32
    %dma_start3A_513 = arith.constant 0 : i32
    %dma_start3A_514 = tpu.memref_slice %arg6[%dma_start3A_500, %dma_start3A_512, %dma_start3A_513] : memref<4x64x256xf32, #tpu.memory_space<vmem>> -> memref<1x64x256xf32, #tpu.memory_space<vmem>>
    %dma_start3A_515 = tpu.memref_squeeze %dma_start3A_514 : memref<1x64x256xf32, #tpu.memory_space<vmem>> -> memref<64x256xf32, #tpu.memory_space<vmem>>
    tpu.enqueue_dma source(%dma_start3A_515 : memref<64x256xf32, #tpu.memory_space<vmem>>) target(%dma_start3A_511 : memref<64x256xf32, #tpu.memory_space<hbm>>) target_semaphore(%dma_start3A_509 : memref<!tpu.dma_semaphore, #tpu.memory_space<semaphore_mem>>)
    %dma_wait3A_516 = arith.constant 2 : i32
    %dma_wait3A_517 = arith.constant 2 : i32
    %dma_wait3A_518 = arith.constant 0 : i32
    %dma_wait3A_519 = arith.constant 0 : i32
    %dma_wait3A_520 = tpu.memref_slice %arg6[%dma_wait3A_516, %dma_wait3A_518, %dma_wait3A_519] : memref<4x64x256xf32, #tpu.memory_space<vmem>> -> memref<1x64x256xf32, #tpu.memory_space<vmem>>
    %dma_wait3A_521 = tpu.memref_squeeze %dma_wait3A_520 : memref<1x64x256xf32, #tpu.memory_space<vmem>> -> memref<64x256xf32, #tpu.memory_space<vmem>>
    %dma_wait3A_522 = arith.constant 0 : i32
    %dma_wait3A_523 = tpu.memref_slice %arg4[%add3A_379, %dma_wait3A_522] : memref<32768x256xf32, #tpu.memory_space<hbm>> -> memref<64x256xf32, #tpu.memory_space<hbm>>
    %dma_wait3A_524 = tpu.memref_slice %arg9[%dma_wait3A_517] : memref<4x!tpu.dma_semaphore, #tpu.memory_space<semaphore_mem>> -> memref<1x!tpu.dma_semaphore, #tpu.memory_space<semaphore_mem>>
    %dma_wait3A_525 = tpu.memref_squeeze %dma_wait3A_524 : memref<1x!tpu.dma_semaphore, #tpu.memory_space<semaphore_mem>> -> memref<!tpu.dma_semaphore, #tpu.memory_space<semaphore_mem>>
    %dma_wait3A_526 = arith.constant 0 : i32
    %dma_wait3A_527 = tpu.memref_slice %arg4[%add3A_379, %dma_wait3A_526] : memref<32768x256xf32, #tpu.memory_space<hbm>> -> memref<64x256xf32, #tpu.memory_space<hbm>>
    %dma_wait3A_528 = arith.constant 0 : i32
    %dma_wait3A_529 = arith.constant 0 : i32
    %dma_wait3A_530 = tpu.memref_slice %arg6[%dma_wait3A_516, %dma_wait3A_528, %dma_wait3A_529] : memref<4x64x256xf32, #tpu.memory_space<vmem>> -> memref<1x64x256xf32, #tpu.memory_space<vmem>>
    %dma_wait3A_531 = tpu.memref_squeeze %dma_wait3A_530 : memref<1x64x256xf32, #tpu.memory_space<vmem>> -> memref<64x256xf32, #tpu.memory_space<vmem>>
    tpu.wait_dma2 semaphore(%dma_wait3A_525 : memref<!tpu.dma_semaphore, #tpu.memory_space<semaphore_mem>>) src(%dma_wait3A_531 : memref<64x256xf32, #tpu.memory_space<vmem>>) dst(%dma_wait3A_527 : memref<64x256xf32, #tpu.memory_space<hbm>>)
    %dma_start3A_532 = arith.constant 2 : i32
    %dma_start3A_533 = arith.constant 2 : i32
    %dma_start3A_534 = arith.constant 0 : i32
    %dma_start3A_535 = arith.constant 0 : i32
    %dma_start3A_536 = tpu.memref_slice %arg6[%dma_start3A_532, %dma_start3A_534, %dma_start3A_535] : memref<4x64x256xf32, #tpu.memory_space<vmem>> -> memref<1x64x256xf32, #tpu.memory_space<vmem>>
    %dma_start3A_537 = tpu.memref_squeeze %dma_start3A_536 : memref<1x64x256xf32, #tpu.memory_space<vmem>> -> memref<64x256xf32, #tpu.memory_space<vmem>>
    %dma_start3A_538 = arith.constant 640 : i32
    %dma_start3A_539 = tpu.memref_slice %arg5[%dma_start3A_538] : memref<1024xi32, #tpu.memory_space<vmem>> -> memref<64xi32, #tpu.memory_space<vmem>>
    %dma_start3A_540 = arith.constant 0 : i32
    %dma_start3A_541 = arith.constant 0 : i32
    %dma_start3A_542 = tpu.memref_slice %arg2[%dma_start3A_540, %dma_start3A_541] : memref<8192x256xf32, #tpu.memory_space<hbm>> -> memref<8192x256xf32, #tpu.memory_space<hbm>>
    %dma_start3A_543 = tpu.memref_slice %arg8[%dma_start3A_533] : memref<4x!tpu.dma_semaphore, #tpu.memory_space<semaphore_mem>> -> memref<1x!tpu.dma_semaphore, #tpu.memory_space<semaphore_mem>>
    %dma_start3A_544 = tpu.memref_squeeze %dma_start3A_543 : memref<1x!tpu.dma_semaphore, #tpu.memory_space<semaphore_mem>> -> memref<!tpu.dma_semaphore, #tpu.memory_space<semaphore_mem>>
    tpu.enqueue_indirect_dma source(%dma_start3A_542 : memref<8192x256xf32, #tpu.memory_space<hbm>>) target(%dma_start3A_537 : memref<64x256xf32, #tpu.memory_space<vmem>>) offsets(%dma_start3A_539 : memref<64xi32, #tpu.memory_space<vmem>>) semaphore(%dma_start3A_544 : memref<!tpu.dma_semaphore, #tpu.memory_space<semaphore_mem>>)
    %dma_wait3A_545 = arith.constant 1 : i32
    %dma_wait3A_546 = arith.constant 1 : i32
    %dma_wait3A_547 = arith.constant 0 : i32
    %dma_wait3A_548 = arith.constant 0 : i32
    %dma_wait3A_549 = tpu.memref_slice %arg6[%dma_wait3A_545, %dma_wait3A_547, %dma_wait3A_548] : memref<4x64x256xf32, #tpu.memory_space<vmem>> -> memref<1x64x256xf32, #tpu.memory_space<vmem>>
    %dma_wait3A_550 = tpu.memref_squeeze %dma_wait3A_549 : memref<1x64x256xf32, #tpu.memory_space<vmem>> -> memref<64x256xf32, #tpu.memory_space<vmem>>
    %dma_wait3A_551 = arith.constant 576 : i32
    %dma_wait3A_552 = tpu.memref_slice %arg5[%dma_wait3A_551] : memref<1024xi32, #tpu.memory_space<vmem>> -> memref<64xi32, #tpu.memory_space<vmem>>
    %dma_wait3A_553 = arith.constant 0 : i32
    %dma_wait3A_554 = arith.constant 0 : i32
    %dma_wait3A_555 = tpu.memref_slice %arg2[%dma_wait3A_553, %dma_wait3A_554] : memref<8192x256xf32, #tpu.memory_space<hbm>> -> memref<8192x256xf32, #tpu.memory_space<hbm>>
    %dma_wait3A_556 = tpu.memref_slice %arg8[%dma_wait3A_546] : memref<4x!tpu.dma_semaphore, #tpu.memory_space<semaphore_mem>> -> memref<1x!tpu.dma_semaphore, #tpu.memory_space<semaphore_mem>>
    %dma_wait3A_557 = tpu.memref_squeeze %dma_wait3A_556 : memref<1x!tpu.dma_semaphore, #tpu.memory_space<semaphore_mem>> -> memref<!tpu.dma_semaphore, #tpu.memory_space<semaphore_mem>>
    tpu.wait_indirect_dma semaphore(%dma_wait3A_557 : memref<!tpu.dma_semaphore, #tpu.memory_space<semaphore_mem>>) src(%dma_wait3A_555 : memref<8192x256xf32, #tpu.memory_space<hbm>>) dst(%dma_wait3A_550 : memref<64x256xf32, #tpu.memory_space<vmem>>)
    %add3A_558 = arith.constant 576 : i32
    %add3A_559 = arith.addi %mul3A_2, %add3A_558 : i32
    %dma_start3A_560 = arith.constant 1 : i32
    %dma_start3A_561 = arith.constant 1 : i32
    %dma_start3A_562 = arith.constant 0 : i32
    %dma_start3A_563 = arith.constant 0 : i32
    %dma_start3A_564 = tpu.memref_slice %arg6[%dma_start3A_560, %dma_start3A_562, %dma_start3A_563] : memref<4x64x256xf32, #tpu.memory_space<vmem>> -> memref<1x64x256xf32, #tpu.memory_space<vmem>>
    %dma_start3A_565 = tpu.memref_squeeze %dma_start3A_564 : memref<1x64x256xf32, #tpu.memory_space<vmem>> -> memref<64x256xf32, #tpu.memory_space<vmem>>
    %dma_start3A_566 = arith.constant 0 : i32
    %dma_start3A_567 = tpu.memref_slice %arg4[%add3A_559, %dma_start3A_566] : memref<32768x256xf32, #tpu.memory_space<hbm>> -> memref<64x256xf32, #tpu.memory_space<hbm>>
    %dma_start3A_568 = tpu.memref_slice %arg9[%dma_start3A_561] : memref<4x!tpu.dma_semaphore, #tpu.memory_space<semaphore_mem>> -> memref<1x!tpu.dma_semaphore, #tpu.memory_space<semaphore_mem>>
    %dma_start3A_569 = tpu.memref_squeeze %dma_start3A_568 : memref<1x!tpu.dma_semaphore, #tpu.memory_space<semaphore_mem>> -> memref<!tpu.dma_semaphore, #tpu.memory_space<semaphore_mem>>
    %dma_start3A_570 = arith.constant 0 : i32
    %dma_start3A_571 = tpu.memref_slice %arg4[%add3A_559, %dma_start3A_570] : memref<32768x256xf32, #tpu.memory_space<hbm>> -> memref<64x256xf32, #tpu.memory_space<hbm>>
    %dma_start3A_572 = arith.constant 0 : i32
    %dma_start3A_573 = arith.constant 0 : i32
    %dma_start3A_574 = tpu.memref_slice %arg6[%dma_start3A_560, %dma_start3A_572, %dma_start3A_573] : memref<4x64x256xf32, #tpu.memory_space<vmem>> -> memref<1x64x256xf32, #tpu.memory_space<vmem>>
    %dma_start3A_575 = tpu.memref_squeeze %dma_start3A_574 : memref<1x64x256xf32, #tpu.memory_space<vmem>> -> memref<64x256xf32, #tpu.memory_space<vmem>>
    tpu.enqueue_dma source(%dma_start3A_575 : memref<64x256xf32, #tpu.memory_space<vmem>>) target(%dma_start3A_571 : memref<64x256xf32, #tpu.memory_space<hbm>>) target_semaphore(%dma_start3A_569 : memref<!tpu.dma_semaphore, #tpu.memory_space<semaphore_mem>>)
    %dma_wait3A_576 = arith.constant 3 : i32
    %dma_wait3A_577 = arith.constant 3 : i32
    %dma_wait3A_578 = arith.constant 0 : i32
    %dma_wait3A_579 = arith.constant 0 : i32
    %dma_wait3A_580 = tpu.memref_slice %arg6[%dma_wait3A_576, %dma_wait3A_578, %dma_wait3A_579] : memref<4x64x256xf32, #tpu.memory_space<vmem>> -> memref<1x64x256xf32, #tpu.memory_space<vmem>>
    %dma_wait3A_581 = tpu.memref_squeeze %dma_wait3A_580 : memref<1x64x256xf32, #tpu.memory_space<vmem>> -> memref<64x256xf32, #tpu.memory_space<vmem>>
    %dma_wait3A_582 = arith.constant 0 : i32
    %dma_wait3A_583 = tpu.memref_slice %arg4[%add3A_439, %dma_wait3A_582] : memref<32768x256xf32, #tpu.memory_space<hbm>> -> memref<64x256xf32, #tpu.memory_space<hbm>>
    %dma_wait3A_584 = tpu.memref_slice %arg9[%dma_wait3A_577] : memref<4x!tpu.dma_semaphore, #tpu.memory_space<semaphore_mem>> -> memref<1x!tpu.dma_semaphore, #tpu.memory_space<semaphore_mem>>
    %dma_wait3A_585 = tpu.memref_squeeze %dma_wait3A_584 : memref<1x!tpu.dma_semaphore, #tpu.memory_space<semaphore_mem>> -> memref<!tpu.dma_semaphore, #tpu.memory_space<semaphore_mem>>
    %dma_wait3A_586 = arith.constant 0 : i32
    %dma_wait3A_587 = tpu.memref_slice %arg4[%add3A_439, %dma_wait3A_586] : memref<32768x256xf32, #tpu.memory_space<hbm>> -> memref<64x256xf32, #tpu.memory_space<hbm>>
    %dma_wait3A_588 = arith.constant 0 : i32
    %dma_wait3A_589 = arith.constant 0 : i32
    %dma_wait3A_590 = tpu.memref_slice %arg6[%dma_wait3A_576, %dma_wait3A_588, %dma_wait3A_589] : memref<4x64x256xf32, #tpu.memory_space<vmem>> -> memref<1x64x256xf32, #tpu.memory_space<vmem>>
    %dma_wait3A_591 = tpu.memref_squeeze %dma_wait3A_590 : memref<1x64x256xf32, #tpu.memory_space<vmem>> -> memref<64x256xf32, #tpu.memory_space<vmem>>
    tpu.wait_dma2 semaphore(%dma_wait3A_585 : memref<!tpu.dma_semaphore, #tpu.memory_space<semaphore_mem>>) src(%dma_wait3A_591 : memref<64x256xf32, #tpu.memory_space<vmem>>) dst(%dma_wait3A_587 : memref<64x256xf32, #tpu.memory_space<hbm>>)
    %dma_start3A_592 = arith.constant 3 : i32
    %dma_start3A_593 = arith.constant 3 : i32
    %dma_start3A_594 = arith.constant 0 : i32
    %dma_start3A_595 = arith.constant 0 : i32
    %dma_start3A_596 = tpu.memref_slice %arg6[%dma_start3A_592, %dma_start3A_594, %dma_start3A_595] : memref<4x64x256xf32, #tpu.memory_space<vmem>> -> memref<1x64x256xf32, #tpu.memory_space<vmem>>
    %dma_start3A_597 = tpu.memref_squeeze %dma_start3A_596 : memref<1x64x256xf32, #tpu.memory_space<vmem>> -> memref<64x256xf32, #tpu.memory_space<vmem>>
    %dma_start3A_598 = arith.constant 704 : i32
    %dma_start3A_599 = tpu.memref_slice %arg5[%dma_start3A_598] : memref<1024xi32, #tpu.memory_space<vmem>> -> memref<64xi32, #tpu.memory_space<vmem>>
    %dma_start3A_600 = arith.constant 0 : i32
    %dma_start3A_601 = arith.constant 0 : i32
    %dma_start3A_602 = tpu.memref_slice %arg2[%dma_start3A_600, %dma_start3A_601] : memref<8192x256xf32, #tpu.memory_space<hbm>> -> memref<8192x256xf32, #tpu.memory_space<hbm>>
    %dma_start3A_603 = tpu.memref_slice %arg8[%dma_start3A_593] : memref<4x!tpu.dma_semaphore, #tpu.memory_space<semaphore_mem>> -> memref<1x!tpu.dma_semaphore, #tpu.memory_space<semaphore_mem>>
    %dma_start3A_604 = tpu.memref_squeeze %dma_start3A_603 : memref<1x!tpu.dma_semaphore, #tpu.memory_space<semaphore_mem>> -> memref<!tpu.dma_semaphore, #tpu.memory_space<semaphore_mem>>
    tpu.enqueue_indirect_dma source(%dma_start3A_602 : memref<8192x256xf32, #tpu.memory_space<hbm>>) target(%dma_start3A_597 : memref<64x256xf32, #tpu.memory_space<vmem>>) offsets(%dma_start3A_599 : memref<64xi32, #tpu.memory_space<vmem>>) semaphore(%dma_start3A_604 : memref<!tpu.dma_semaphore, #tpu.memory_space<semaphore_mem>>)
    %dma_wait3A_605 = arith.constant 2 : i32
    %dma_wait3A_606 = arith.constant 2 : i32
    %dma_wait3A_607 = arith.constant 0 : i32
    %dma_wait3A_608 = arith.constant 0 : i32
    %dma_wait3A_609 = tpu.memref_slice %arg6[%dma_wait3A_605, %dma_wait3A_607, %dma_wait3A_608] : memref<4x64x256xf32, #tpu.memory_space<vmem>> -> memref<1x64x256xf32, #tpu.memory_space<vmem>>
    %dma_wait3A_610 = tpu.memref_squeeze %dma_wait3A_609 : memref<1x64x256xf32, #tpu.memory_space<vmem>> -> memref<64x256xf32, #tpu.memory_space<vmem>>
    %dma_wait3A_611 = arith.constant 640 : i32
    %dma_wait3A_612 = tpu.memref_slice %arg5[%dma_wait3A_611] : memref<1024xi32, #tpu.memory_space<vmem>> -> memref<64xi32, #tpu.memory_space<vmem>>
    %dma_wait3A_613 = arith.constant 0 : i32
    %dma_wait3A_614 = arith.constant 0 : i32
    %dma_wait3A_615 = tpu.memref_slice %arg2[%dma_wait3A_613, %dma_wait3A_614] : memref<8192x256xf32, #tpu.memory_space<hbm>> -> memref<8192x256xf32, #tpu.memory_space<hbm>>
    %dma_wait3A_616 = tpu.memref_slice %arg8[%dma_wait3A_606] : memref<4x!tpu.dma_semaphore, #tpu.memory_space<semaphore_mem>> -> memref<1x!tpu.dma_semaphore, #tpu.memory_space<semaphore_mem>>
    %dma_wait3A_617 = tpu.memref_squeeze %dma_wait3A_616 : memref<1x!tpu.dma_semaphore, #tpu.memory_space<semaphore_mem>> -> memref<!tpu.dma_semaphore, #tpu.memory_space<semaphore_mem>>
    tpu.wait_indirect_dma semaphore(%dma_wait3A_617 : memref<!tpu.dma_semaphore, #tpu.memory_space<semaphore_mem>>) src(%dma_wait3A_615 : memref<8192x256xf32, #tpu.memory_space<hbm>>) dst(%dma_wait3A_610 : memref<64x256xf32, #tpu.memory_space<vmem>>)
    %add3A_618 = arith.constant 640 : i32
    %add3A_619 = arith.addi %mul3A_2, %add3A_618 : i32
    %dma_start3A_620 = arith.constant 2 : i32
    %dma_start3A_621 = arith.constant 2 : i32
    %dma_start3A_622 = arith.constant 0 : i32
    %dma_start3A_623 = arith.constant 0 : i32
    %dma_start3A_624 = tpu.memref_slice %arg6[%dma_start3A_620, %dma_start3A_622, %dma_start3A_623] : memref<4x64x256xf32, #tpu.memory_space<vmem>> -> memref<1x64x256xf32, #tpu.memory_space<vmem>>
    %dma_start3A_625 = tpu.memref_squeeze %dma_start3A_624 : memref<1x64x256xf32, #tpu.memory_space<vmem>> -> memref<64x256xf32, #tpu.memory_space<vmem>>
    %dma_start3A_626 = arith.constant 0 : i32
    %dma_start3A_627 = tpu.memref_slice %arg4[%add3A_619, %dma_start3A_626] : memref<32768x256xf32, #tpu.memory_space<hbm>> -> memref<64x256xf32, #tpu.memory_space<hbm>>
    %dma_start3A_628 = tpu.memref_slice %arg9[%dma_start3A_621] : memref<4x!tpu.dma_semaphore, #tpu.memory_space<semaphore_mem>> -> memref<1x!tpu.dma_semaphore, #tpu.memory_space<semaphore_mem>>
    %dma_start3A_629 = tpu.memref_squeeze %dma_start3A_628 : memref<1x!tpu.dma_semaphore, #tpu.memory_space<semaphore_mem>> -> memref<!tpu.dma_semaphore, #tpu.memory_space<semaphore_mem>>
    %dma_start3A_630 = arith.constant 0 : i32
    %dma_start3A_631 = tpu.memref_slice %arg4[%add3A_619, %dma_start3A_630] : memref<32768x256xf32, #tpu.memory_space<hbm>> -> memref<64x256xf32, #tpu.memory_space<hbm>>
    %dma_start3A_632 = arith.constant 0 : i32
    %dma_start3A_633 = arith.constant 0 : i32
    %dma_start3A_634 = tpu.memref_slice %arg6[%dma_start3A_620, %dma_start3A_632, %dma_start3A_633] : memref<4x64x256xf32, #tpu.memory_space<vmem>> -> memref<1x64x256xf32, #tpu.memory_space<vmem>>
    %dma_start3A_635 = tpu.memref_squeeze %dma_start3A_634 : memref<1x64x256xf32, #tpu.memory_space<vmem>> -> memref<64x256xf32, #tpu.memory_space<vmem>>
    tpu.enqueue_dma source(%dma_start3A_635 : memref<64x256xf32, #tpu.memory_space<vmem>>) target(%dma_start3A_631 : memref<64x256xf32, #tpu.memory_space<hbm>>) target_semaphore(%dma_start3A_629 : memref<!tpu.dma_semaphore, #tpu.memory_space<semaphore_mem>>)
    %dma_wait3A_636 = arith.constant 0 : i32
    %dma_wait3A_637 = arith.constant 0 : i32
    %dma_wait3A_638 = arith.constant 0 : i32
    %dma_wait3A_639 = arith.constant 0 : i32
    %dma_wait3A_640 = tpu.memref_slice %arg6[%dma_wait3A_636, %dma_wait3A_638, %dma_wait3A_639] : memref<4x64x256xf32, #tpu.memory_space<vmem>> -> memref<1x64x256xf32, #tpu.memory_space<vmem>>
    %dma_wait3A_641 = tpu.memref_squeeze %dma_wait3A_640 : memref<1x64x256xf32, #tpu.memory_space<vmem>> -> memref<64x256xf32, #tpu.memory_space<vmem>>
    %dma_wait3A_642 = arith.constant 0 : i32
    %dma_wait3A_643 = tpu.memref_slice %arg4[%add3A_499, %dma_wait3A_642] : memref<32768x256xf32, #tpu.memory_space<hbm>> -> memref<64x256xf32, #tpu.memory_space<hbm>>
    %dma_wait3A_644 = tpu.memref_slice %arg9[%dma_wait3A_637] : memref<4x!tpu.dma_semaphore, #tpu.memory_space<semaphore_mem>> -> memref<1x!tpu.dma_semaphore, #tpu.memory_space<semaphore_mem>>
    %dma_wait3A_645 = tpu.memref_squeeze %dma_wait3A_644 : memref<1x!tpu.dma_semaphore, #tpu.memory_space<semaphore_mem>> -> memref<!tpu.dma_semaphore, #tpu.memory_space<semaphore_mem>>
    %dma_wait3A_646 = arith.constant 0 : i32
    %dma_wait3A_647 = tpu.memref_slice %arg4[%add3A_499, %dma_wait3A_646] : memref<32768x256xf32, #tpu.memory_space<hbm>> -> memref<64x256xf32, #tpu.memory_space<hbm>>
    %dma_wait3A_648 = arith.constant 0 : i32
    %dma_wait3A_649 = arith.constant 0 : i32
    %dma_wait3A_650 = tpu.memref_slice %arg6[%dma_wait3A_636, %dma_wait3A_648, %dma_wait3A_649] : memref<4x64x256xf32, #tpu.memory_space<vmem>> -> memref<1x64x256xf32, #tpu.memory_space<vmem>>
    %dma_wait3A_651 = tpu.memref_squeeze %dma_wait3A_650 : memref<1x64x256xf32, #tpu.memory_space<vmem>> -> memref<64x256xf32, #tpu.memory_space<vmem>>
    tpu.wait_dma2 semaphore(%dma_wait3A_645 : memref<!tpu.dma_semaphore, #tpu.memory_space<semaphore_mem>>) src(%dma_wait3A_651 : memref<64x256xf32, #tpu.memory_space<vmem>>) dst(%dma_wait3A_647 : memref<64x256xf32, #tpu.memory_space<hbm>>)
    %dma_start3A_652 = arith.constant 0 : i32
    %dma_start3A_653 = arith.constant 0 : i32
    %dma_start3A_654 = arith.constant 0 : i32
    %dma_start3A_655 = arith.constant 0 : i32
    %dma_start3A_656 = tpu.memref_slice %arg6[%dma_start3A_652, %dma_start3A_654, %dma_start3A_655] : memref<4x64x256xf32, #tpu.memory_space<vmem>> -> memref<1x64x256xf32, #tpu.memory_space<vmem>>
    %dma_start3A_657 = tpu.memref_squeeze %dma_start3A_656 : memref<1x64x256xf32, #tpu.memory_space<vmem>> -> memref<64x256xf32, #tpu.memory_space<vmem>>
    %dma_start3A_658 = arith.constant 768 : i32
    %dma_start3A_659 = tpu.memref_slice %arg5[%dma_start3A_658] : memref<1024xi32, #tpu.memory_space<vmem>> -> memref<64xi32, #tpu.memory_space<vmem>>
    %dma_start3A_660 = arith.constant 0 : i32
    %dma_start3A_661 = arith.constant 0 : i32
    %dma_start3A_662 = tpu.memref_slice %arg2[%dma_start3A_660, %dma_start3A_661] : memref<8192x256xf32, #tpu.memory_space<hbm>> -> memref<8192x256xf32, #tpu.memory_space<hbm>>
    %dma_start3A_663 = tpu.memref_slice %arg8[%dma_start3A_653] : memref<4x!tpu.dma_semaphore, #tpu.memory_space<semaphore_mem>> -> memref<1x!tpu.dma_semaphore, #tpu.memory_space<semaphore_mem>>
    %dma_start3A_664 = tpu.memref_squeeze %dma_start3A_663 : memref<1x!tpu.dma_semaphore, #tpu.memory_space<semaphore_mem>> -> memref<!tpu.dma_semaphore, #tpu.memory_space<semaphore_mem>>
    tpu.enqueue_indirect_dma source(%dma_start3A_662 : memref<8192x256xf32, #tpu.memory_space<hbm>>) target(%dma_start3A_657 : memref<64x256xf32, #tpu.memory_space<vmem>>) offsets(%dma_start3A_659 : memref<64xi32, #tpu.memory_space<vmem>>) semaphore(%dma_start3A_664 : memref<!tpu.dma_semaphore, #tpu.memory_space<semaphore_mem>>)
    %dma_wait3A_665 = arith.constant 3 : i32
    %dma_wait3A_666 = arith.constant 3 : i32
    %dma_wait3A_667 = arith.constant 0 : i32
    %dma_wait3A_668 = arith.constant 0 : i32
    %dma_wait3A_669 = tpu.memref_slice %arg6[%dma_wait3A_665, %dma_wait3A_667, %dma_wait3A_668] : memref<4x64x256xf32, #tpu.memory_space<vmem>> -> memref<1x64x256xf32, #tpu.memory_space<vmem>>
    %dma_wait3A_670 = tpu.memref_squeeze %dma_wait3A_669 : memref<1x64x256xf32, #tpu.memory_space<vmem>> -> memref<64x256xf32, #tpu.memory_space<vmem>>
    %dma_wait3A_671 = arith.constant 704 : i32
    %dma_wait3A_672 = tpu.memref_slice %arg5[%dma_wait3A_671] : memref<1024xi32, #tpu.memory_space<vmem>> -> memref<64xi32, #tpu.memory_space<vmem>>
    %dma_wait3A_673 = arith.constant 0 : i32
    %dma_wait3A_674 = arith.constant 0 : i32
    %dma_wait3A_675 = tpu.memref_slice %arg2[%dma_wait3A_673, %dma_wait3A_674] : memref<8192x256xf32, #tpu.memory_space<hbm>> -> memref<8192x256xf32, #tpu.memory_space<hbm>>
    %dma_wait3A_676 = tpu.memref_slice %arg8[%dma_wait3A_666] : memref<4x!tpu.dma_semaphore, #tpu.memory_space<semaphore_mem>> -> memref<1x!tpu.dma_semaphore, #tpu.memory_space<semaphore_mem>>
    %dma_wait3A_677 = tpu.memref_squeeze %dma_wait3A_676 : memref<1x!tpu.dma_semaphore, #tpu.memory_space<semaphore_mem>> -> memref<!tpu.dma_semaphore, #tpu.memory_space<semaphore_mem>>
    tpu.wait_indirect_dma semaphore(%dma_wait3A_677 : memref<!tpu.dma_semaphore, #tpu.memory_space<semaphore_mem>>) src(%dma_wait3A_675 : memref<8192x256xf32, #tpu.memory_space<hbm>>) dst(%dma_wait3A_670 : memref<64x256xf32, #tpu.memory_space<vmem>>)
    %add3A_678 = arith.constant 704 : i32
    %add3A_679 = arith.addi %mul3A_2, %add3A_678 : i32
    %dma_start3A_680 = arith.constant 3 : i32
    %dma_start3A_681 = arith.constant 3 : i32
    %dma_start3A_682 = arith.constant 0 : i32
    %dma_start3A_683 = arith.constant 0 : i32
    %dma_start3A_684 = tpu.memref_slice %arg6[%dma_start3A_680, %dma_start3A_682, %dma_start3A_683] : memref<4x64x256xf32, #tpu.memory_space<vmem>> -> memref<1x64x256xf32, #tpu.memory_space<vmem>>
    %dma_start3A_685 = tpu.memref_squeeze %dma_start3A_684 : memref<1x64x256xf32, #tpu.memory_space<vmem>> -> memref<64x256xf32, #tpu.memory_space<vmem>>
    %dma_start3A_686 = arith.constant 0 : i32
    %dma_start3A_687 = tpu.memref_slice %arg4[%add3A_679, %dma_start3A_686] : memref<32768x256xf32, #tpu.memory_space<hbm>> -> memref<64x256xf32, #tpu.memory_space<hbm>>
    %dma_start3A_688 = tpu.memref_slice %arg9[%dma_start3A_681] : memref<4x!tpu.dma_semaphore, #tpu.memory_space<semaphore_mem>> -> memref<1x!tpu.dma_semaphore, #tpu.memory_space<semaphore_mem>>
    %dma_start3A_689 = tpu.memref_squeeze %dma_start3A_688 : memref<1x!tpu.dma_semaphore, #tpu.memory_space<semaphore_mem>> -> memref<!tpu.dma_semaphore, #tpu.memory_space<semaphore_mem>>
    %dma_start3A_690 = arith.constant 0 : i32
    %dma_start3A_691 = tpu.memref_slice %arg4[%add3A_679, %dma_start3A_690] : memref<32768x256xf32, #tpu.memory_space<hbm>> -> memref<64x256xf32, #tpu.memory_space<hbm>>
    %dma_start3A_692 = arith.constant 0 : i32
    %dma_start3A_693 = arith.constant 0 : i32
    %dma_start3A_694 = tpu.memref_slice %arg6[%dma_start3A_680, %dma_start3A_692, %dma_start3A_693] : memref<4x64x256xf32, #tpu.memory_space<vmem>> -> memref<1x64x256xf32, #tpu.memory_space<vmem>>
    %dma_start3A_695 = tpu.memref_squeeze %dma_start3A_694 : memref<1x64x256xf32, #tpu.memory_space<vmem>> -> memref<64x256xf32, #tpu.memory_space<vmem>>
    tpu.enqueue_dma source(%dma_start3A_695 : memref<64x256xf32, #tpu.memory_space<vmem>>) target(%dma_start3A_691 : memref<64x256xf32, #tpu.memory_space<hbm>>) target_semaphore(%dma_start3A_689 : memref<!tpu.dma_semaphore, #tpu.memory_space<semaphore_mem>>)
    %dma_wait3A_696 = arith.constant 1 : i32
    %dma_wait3A_697 = arith.constant 1 : i32
    %dma_wait3A_698 = arith.constant 0 : i32
    %dma_wait3A_699 = arith.constant 0 : i32
    %dma_wait3A_700 = tpu.memref_slice %arg6[%dma_wait3A_696, %dma_wait3A_698, %dma_wait3A_699] : memref<4x64x256xf32, #tpu.memory_space<vmem>> -> memref<1x64x256xf32, #tpu.memory_space<vmem>>
    %dma_wait3A_701 = tpu.memref_squeeze %dma_wait3A_700 : memref<1x64x256xf32, #tpu.memory_space<vmem>> -> memref<64x256xf32, #tpu.memory_space<vmem>>
    %dma_wait3A_702 = arith.constant 0 : i32
    %dma_wait3A_703 = tpu.memref_slice %arg4[%add3A_559, %dma_wait3A_702] : memref<32768x256xf32, #tpu.memory_space<hbm>> -> memref<64x256xf32, #tpu.memory_space<hbm>>
    %dma_wait3A_704 = tpu.memref_slice %arg9[%dma_wait3A_697] : memref<4x!tpu.dma_semaphore, #tpu.memory_space<semaphore_mem>> -> memref<1x!tpu.dma_semaphore, #tpu.memory_space<semaphore_mem>>
    %dma_wait3A_705 = tpu.memref_squeeze %dma_wait3A_704 : memref<1x!tpu.dma_semaphore, #tpu.memory_space<semaphore_mem>> -> memref<!tpu.dma_semaphore, #tpu.memory_space<semaphore_mem>>
    %dma_wait3A_706 = arith.constant 0 : i32
    %dma_wait3A_707 = tpu.memref_slice %arg4[%add3A_559, %dma_wait3A_706] : memref<32768x256xf32, #tpu.memory_space<hbm>> -> memref<64x256xf32, #tpu.memory_space<hbm>>
    %dma_wait3A_708 = arith.constant 0 : i32
    %dma_wait3A_709 = arith.constant 0 : i32
    %dma_wait3A_710 = tpu.memref_slice %arg6[%dma_wait3A_696, %dma_wait3A_708, %dma_wait3A_709] : memref<4x64x256xf32, #tpu.memory_space<vmem>> -> memref<1x64x256xf32, #tpu.memory_space<vmem>>
    %dma_wait3A_711 = tpu.memref_squeeze %dma_wait3A_710 : memref<1x64x256xf32, #tpu.memory_space<vmem>> -> memref<64x256xf32, #tpu.memory_space<vmem>>
    tpu.wait_dma2 semaphore(%dma_wait3A_705 : memref<!tpu.dma_semaphore, #tpu.memory_space<semaphore_mem>>) src(%dma_wait3A_711 : memref<64x256xf32, #tpu.memory_space<vmem>>) dst(%dma_wait3A_707 : memref<64x256xf32, #tpu.memory_space<hbm>>)
    %dma_start3A_712 = arith.constant 1 : i32
    %dma_start3A_713 = arith.constant 1 : i32
    %dma_start3A_714 = arith.constant 0 : i32
    %dma_start3A_715 = arith.constant 0 : i32
    %dma_start3A_716 = tpu.memref_slice %arg6[%dma_start3A_712, %dma_start3A_714, %dma_start3A_715] : memref<4x64x256xf32, #tpu.memory_space<vmem>> -> memref<1x64x256xf32, #tpu.memory_space<vmem>>
    %dma_start3A_717 = tpu.memref_squeeze %dma_start3A_716 : memref<1x64x256xf32, #tpu.memory_space<vmem>> -> memref<64x256xf32, #tpu.memory_space<vmem>>
    %dma_start3A_718 = arith.constant 832 : i32
    %dma_start3A_719 = tpu.memref_slice %arg5[%dma_start3A_718] : memref<1024xi32, #tpu.memory_space<vmem>> -> memref<64xi32, #tpu.memory_space<vmem>>
    %dma_start3A_720 = arith.constant 0 : i32
    %dma_start3A_721 = arith.constant 0 : i32
    %dma_start3A_722 = tpu.memref_slice %arg2[%dma_start3A_720, %dma_start3A_721] : memref<8192x256xf32, #tpu.memory_space<hbm>> -> memref<8192x256xf32, #tpu.memory_space<hbm>>
    %dma_start3A_723 = tpu.memref_slice %arg8[%dma_start3A_713] : memref<4x!tpu.dma_semaphore, #tpu.memory_space<semaphore_mem>> -> memref<1x!tpu.dma_semaphore, #tpu.memory_space<semaphore_mem>>
    %dma_start3A_724 = tpu.memref_squeeze %dma_start3A_723 : memref<1x!tpu.dma_semaphore, #tpu.memory_space<semaphore_mem>> -> memref<!tpu.dma_semaphore, #tpu.memory_space<semaphore_mem>>
    tpu.enqueue_indirect_dma source(%dma_start3A_722 : memref<8192x256xf32, #tpu.memory_space<hbm>>) target(%dma_start3A_717 : memref<64x256xf32, #tpu.memory_space<vmem>>) offsets(%dma_start3A_719 : memref<64xi32, #tpu.memory_space<vmem>>) semaphore(%dma_start3A_724 : memref<!tpu.dma_semaphore, #tpu.memory_space<semaphore_mem>>)
    %dma_wait3A_725 = arith.constant 0 : i32
    %dma_wait3A_726 = arith.constant 0 : i32
    %dma_wait3A_727 = arith.constant 0 : i32
    %dma_wait3A_728 = arith.constant 0 : i32
    %dma_wait3A_729 = tpu.memref_slice %arg6[%dma_wait3A_725, %dma_wait3A_727, %dma_wait3A_728] : memref<4x64x256xf32, #tpu.memory_space<vmem>> -> memref<1x64x256xf32, #tpu.memory_space<vmem>>
    %dma_wait3A_730 = tpu.memref_squeeze %dma_wait3A_729 : memref<1x64x256xf32, #tpu.memory_space<vmem>> -> memref<64x256xf32, #tpu.memory_space<vmem>>
    %dma_wait3A_731 = arith.constant 768 : i32
    %dma_wait3A_732 = tpu.memref_slice %arg5[%dma_wait3A_731] : memref<1024xi32, #tpu.memory_space<vmem>> -> memref<64xi32, #tpu.memory_space<vmem>>
    %dma_wait3A_733 = arith.constant 0 : i32
    %dma_wait3A_734 = arith.constant 0 : i32
    %dma_wait3A_735 = tpu.memref_slice %arg2[%dma_wait3A_733, %dma_wait3A_734] : memref<8192x256xf32, #tpu.memory_space<hbm>> -> memref<8192x256xf32, #tpu.memory_space<hbm>>
    %dma_wait3A_736 = tpu.memref_slice %arg8[%dma_wait3A_726] : memref<4x!tpu.dma_semaphore, #tpu.memory_space<semaphore_mem>> -> memref<1x!tpu.dma_semaphore, #tpu.memory_space<semaphore_mem>>
    %dma_wait3A_737 = tpu.memref_squeeze %dma_wait3A_736 : memref<1x!tpu.dma_semaphore, #tpu.memory_space<semaphore_mem>> -> memref<!tpu.dma_semaphore, #tpu.memory_space<semaphore_mem>>
    tpu.wait_indirect_dma semaphore(%dma_wait3A_737 : memref<!tpu.dma_semaphore, #tpu.memory_space<semaphore_mem>>) src(%dma_wait3A_735 : memref<8192x256xf32, #tpu.memory_space<hbm>>) dst(%dma_wait3A_730 : memref<64x256xf32, #tpu.memory_space<vmem>>)
    %add3A_738 = arith.constant 768 : i32
    %add3A_739 = arith.addi %mul3A_2, %add3A_738 : i32
    %dma_start3A_740 = arith.constant 0 : i32
    %dma_start3A_741 = arith.constant 0 : i32
    %dma_start3A_742 = arith.constant 0 : i32
    %dma_start3A_743 = arith.constant 0 : i32
    %dma_start3A_744 = tpu.memref_slice %arg6[%dma_start3A_740, %dma_start3A_742, %dma_start3A_743] : memref<4x64x256xf32, #tpu.memory_space<vmem>> -> memref<1x64x256xf32, #tpu.memory_space<vmem>>
    %dma_start3A_745 = tpu.memref_squeeze %dma_start3A_744 : memref<1x64x256xf32, #tpu.memory_space<vmem>> -> memref<64x256xf32, #tpu.memory_space<vmem>>
    %dma_start3A_746 = arith.constant 0 : i32
    %dma_start3A_747 = tpu.memref_slice %arg4[%add3A_739, %dma_start3A_746] : memref<32768x256xf32, #tpu.memory_space<hbm>> -> memref<64x256xf32, #tpu.memory_space<hbm>>
    %dma_start3A_748 = tpu.memref_slice %arg9[%dma_start3A_741] : memref<4x!tpu.dma_semaphore, #tpu.memory_space<semaphore_mem>> -> memref<1x!tpu.dma_semaphore, #tpu.memory_space<semaphore_mem>>
    %dma_start3A_749 = tpu.memref_squeeze %dma_start3A_748 : memref<1x!tpu.dma_semaphore, #tpu.memory_space<semaphore_mem>> -> memref<!tpu.dma_semaphore, #tpu.memory_space<semaphore_mem>>
    %dma_start3A_750 = arith.constant 0 : i32
    %dma_start3A_751 = tpu.memref_slice %arg4[%add3A_739, %dma_start3A_750] : memref<32768x256xf32, #tpu.memory_space<hbm>> -> memref<64x256xf32, #tpu.memory_space<hbm>>
    %dma_start3A_752 = arith.constant 0 : i32
    %dma_start3A_753 = arith.constant 0 : i32
    %dma_start3A_754 = tpu.memref_slice %arg6[%dma_start3A_740, %dma_start3A_752, %dma_start3A_753] : memref<4x64x256xf32, #tpu.memory_space<vmem>> -> memref<1x64x256xf32, #tpu.memory_space<vmem>>
    %dma_start3A_755 = tpu.memref_squeeze %dma_start3A_754 : memref<1x64x256xf32, #tpu.memory_space<vmem>> -> memref<64x256xf32, #tpu.memory_space<vmem>>
    tpu.enqueue_dma source(%dma_start3A_755 : memref<64x256xf32, #tpu.memory_space<vmem>>) target(%dma_start3A_751 : memref<64x256xf32, #tpu.memory_space<hbm>>) target_semaphore(%dma_start3A_749 : memref<!tpu.dma_semaphore, #tpu.memory_space<semaphore_mem>>)
    %dma_wait3A_756 = arith.constant 2 : i32
    %dma_wait3A_757 = arith.constant 2 : i32
    %dma_wait3A_758 = arith.constant 0 : i32
    %dma_wait3A_759 = arith.constant 0 : i32
    %dma_wait3A_760 = tpu.memref_slice %arg6[%dma_wait3A_756, %dma_wait3A_758, %dma_wait3A_759] : memref<4x64x256xf32, #tpu.memory_space<vmem>> -> memref<1x64x256xf32, #tpu.memory_space<vmem>>
    %dma_wait3A_761 = tpu.memref_squeeze %dma_wait3A_760 : memref<1x64x256xf32, #tpu.memory_space<vmem>> -> memref<64x256xf32, #tpu.memory_space<vmem>>
    %dma_wait3A_762 = arith.constant 0 : i32
    %dma_wait3A_763 = tpu.memref_slice %arg4[%add3A_619, %dma_wait3A_762] : memref<32768x256xf32, #tpu.memory_space<hbm>> -> memref<64x256xf32, #tpu.memory_space<hbm>>
    %dma_wait3A_764 = tpu.memref_slice %arg9[%dma_wait3A_757] : memref<4x!tpu.dma_semaphore, #tpu.memory_space<semaphore_mem>> -> memref<1x!tpu.dma_semaphore, #tpu.memory_space<semaphore_mem>>
    %dma_wait3A_765 = tpu.memref_squeeze %dma_wait3A_764 : memref<1x!tpu.dma_semaphore, #tpu.memory_space<semaphore_mem>> -> memref<!tpu.dma_semaphore, #tpu.memory_space<semaphore_mem>>
    %dma_wait3A_766 = arith.constant 0 : i32
    %dma_wait3A_767 = tpu.memref_slice %arg4[%add3A_619, %dma_wait3A_766] : memref<32768x256xf32, #tpu.memory_space<hbm>> -> memref<64x256xf32, #tpu.memory_space<hbm>>
    %dma_wait3A_768 = arith.constant 0 : i32
    %dma_wait3A_769 = arith.constant 0 : i32
    %dma_wait3A_770 = tpu.memref_slice %arg6[%dma_wait3A_756, %dma_wait3A_768, %dma_wait3A_769] : memref<4x64x256xf32, #tpu.memory_space<vmem>> -> memref<1x64x256xf32, #tpu.memory_space<vmem>>
    %dma_wait3A_771 = tpu.memref_squeeze %dma_wait3A_770 : memref<1x64x256xf32, #tpu.memory_space<vmem>> -> memref<64x256xf32, #tpu.memory_space<vmem>>
    tpu.wait_dma2 semaphore(%dma_wait3A_765 : memref<!tpu.dma_semaphore, #tpu.memory_space<semaphore_mem>>) src(%dma_wait3A_771 : memref<64x256xf32, #tpu.memory_space<vmem>>) dst(%dma_wait3A_767 : memref<64x256xf32, #tpu.memory_space<hbm>>)
    %dma_start3A_772 = arith.constant 2 : i32
    %dma_start3A_773 = arith.constant 2 : i32
    %dma_start3A_774 = arith.constant 0 : i32
    %dma_start3A_775 = arith.constant 0 : i32
    %dma_start3A_776 = tpu.memref_slice %arg6[%dma_start3A_772, %dma_start3A_774, %dma_start3A_775] : memref<4x64x256xf32, #tpu.memory_space<vmem>> -> memref<1x64x256xf32, #tpu.memory_space<vmem>>
    %dma_start3A_777 = tpu.memref_squeeze %dma_start3A_776 : memref<1x64x256xf32, #tpu.memory_space<vmem>> -> memref<64x256xf32, #tpu.memory_space<vmem>>
    %dma_start3A_778 = arith.constant 896 : i32
    %dma_start3A_779 = tpu.memref_slice %arg5[%dma_start3A_778] : memref<1024xi32, #tpu.memory_space<vmem>> -> memref<64xi32, #tpu.memory_space<vmem>>
    %dma_start3A_780 = arith.constant 0 : i32
    %dma_start3A_781 = arith.constant 0 : i32
    %dma_start3A_782 = tpu.memref_slice %arg2[%dma_start3A_780, %dma_start3A_781] : memref<8192x256xf32, #tpu.memory_space<hbm>> -> memref<8192x256xf32, #tpu.memory_space<hbm>>
    %dma_start3A_783 = tpu.memref_slice %arg8[%dma_start3A_773] : memref<4x!tpu.dma_semaphore, #tpu.memory_space<semaphore_mem>> -> memref<1x!tpu.dma_semaphore, #tpu.memory_space<semaphore_mem>>
    %dma_start3A_784 = tpu.memref_squeeze %dma_start3A_783 : memref<1x!tpu.dma_semaphore, #tpu.memory_space<semaphore_mem>> -> memref<!tpu.dma_semaphore, #tpu.memory_space<semaphore_mem>>
    tpu.enqueue_indirect_dma source(%dma_start3A_782 : memref<8192x256xf32, #tpu.memory_space<hbm>>) target(%dma_start3A_777 : memref<64x256xf32, #tpu.memory_space<vmem>>) offsets(%dma_start3A_779 : memref<64xi32, #tpu.memory_space<vmem>>) semaphore(%dma_start3A_784 : memref<!tpu.dma_semaphore, #tpu.memory_space<semaphore_mem>>)
    %dma_wait3A_785 = arith.constant 1 : i32
    %dma_wait3A_786 = arith.constant 1 : i32
    %dma_wait3A_787 = arith.constant 0 : i32
    %dma_wait3A_788 = arith.constant 0 : i32
    %dma_wait3A_789 = tpu.memref_slice %arg6[%dma_wait3A_785, %dma_wait3A_787, %dma_wait3A_788] : memref<4x64x256xf32, #tpu.memory_space<vmem>> -> memref<1x64x256xf32, #tpu.memory_space<vmem>>
    %dma_wait3A_790 = tpu.memref_squeeze %dma_wait3A_789 : memref<1x64x256xf32, #tpu.memory_space<vmem>> -> memref<64x256xf32, #tpu.memory_space<vmem>>
    %dma_wait3A_791 = arith.constant 832 : i32
    %dma_wait3A_792 = tpu.memref_slice %arg5[%dma_wait3A_791] : memref<1024xi32, #tpu.memory_space<vmem>> -> memref<64xi32, #tpu.memory_space<vmem>>
    %dma_wait3A_793 = arith.constant 0 : i32
    %dma_wait3A_794 = arith.constant 0 : i32
    %dma_wait3A_795 = tpu.memref_slice %arg2[%dma_wait3A_793, %dma_wait3A_794] : memref<8192x256xf32, #tpu.memory_space<hbm>> -> memref<8192x256xf32, #tpu.memory_space<hbm>>
    %dma_wait3A_796 = tpu.memref_slice %arg8[%dma_wait3A_786] : memref<4x!tpu.dma_semaphore, #tpu.memory_space<semaphore_mem>> -> memref<1x!tpu.dma_semaphore, #tpu.memory_space<semaphore_mem>>
    %dma_wait3A_797 = tpu.memref_squeeze %dma_wait3A_796 : memref<1x!tpu.dma_semaphore, #tpu.memory_space<semaphore_mem>> -> memref<!tpu.dma_semaphore, #tpu.memory_space<semaphore_mem>>
    tpu.wait_indirect_dma semaphore(%dma_wait3A_797 : memref<!tpu.dma_semaphore, #tpu.memory_space<semaphore_mem>>) src(%dma_wait3A_795 : memref<8192x256xf32, #tpu.memory_space<hbm>>) dst(%dma_wait3A_790 : memref<64x256xf32, #tpu.memory_space<vmem>>)
    %add3A_798 = arith.constant 832 : i32
    %add3A_799 = arith.addi %mul3A_2, %add3A_798 : i32
    %dma_start3A_800 = arith.constant 1 : i32
    %dma_start3A_801 = arith.constant 1 : i32
    %dma_start3A_802 = arith.constant 0 : i32
    %dma_start3A_803 = arith.constant 0 : i32
    %dma_start3A_804 = tpu.memref_slice %arg6[%dma_start3A_800, %dma_start3A_802, %dma_start3A_803] : memref<4x64x256xf32, #tpu.memory_space<vmem>> -> memref<1x64x256xf32, #tpu.memory_space<vmem>>
    %dma_start3A_805 = tpu.memref_squeeze %dma_start3A_804 : memref<1x64x256xf32, #tpu.memory_space<vmem>> -> memref<64x256xf32, #tpu.memory_space<vmem>>
    %dma_start3A_806 = arith.constant 0 : i32
    %dma_start3A_807 = tpu.memref_slice %arg4[%add3A_799, %dma_start3A_806] : memref<32768x256xf32, #tpu.memory_space<hbm>> -> memref<64x256xf32, #tpu.memory_space<hbm>>
    %dma_start3A_808 = tpu.memref_slice %arg9[%dma_start3A_801] : memref<4x!tpu.dma_semaphore, #tpu.memory_space<semaphore_mem>> -> memref<1x!tpu.dma_semaphore, #tpu.memory_space<semaphore_mem>>
    %dma_start3A_809 = tpu.memref_squeeze %dma_start3A_808 : memref<1x!tpu.dma_semaphore, #tpu.memory_space<semaphore_mem>> -> memref<!tpu.dma_semaphore, #tpu.memory_space<semaphore_mem>>
    %dma_start3A_810 = arith.constant 0 : i32
    %dma_start3A_811 = tpu.memref_slice %arg4[%add3A_799, %dma_start3A_810] : memref<32768x256xf32, #tpu.memory_space<hbm>> -> memref<64x256xf32, #tpu.memory_space<hbm>>
    %dma_start3A_812 = arith.constant 0 : i32
    %dma_start3A_813 = arith.constant 0 : i32
    %dma_start3A_814 = tpu.memref_slice %arg6[%dma_start3A_800, %dma_start3A_812, %dma_start3A_813] : memref<4x64x256xf32, #tpu.memory_space<vmem>> -> memref<1x64x256xf32, #tpu.memory_space<vmem>>
    %dma_start3A_815 = tpu.memref_squeeze %dma_start3A_814 : memref<1x64x256xf32, #tpu.memory_space<vmem>> -> memref<64x256xf32, #tpu.memory_space<vmem>>
    tpu.enqueue_dma source(%dma_start3A_815 : memref<64x256xf32, #tpu.memory_space<vmem>>) target(%dma_start3A_811 : memref<64x256xf32, #tpu.memory_space<hbm>>) target_semaphore(%dma_start3A_809 : memref<!tpu.dma_semaphore, #tpu.memory_space<semaphore_mem>>)
    %dma_wait3A_816 = arith.constant 3 : i32
    %dma_wait3A_817 = arith.constant 3 : i32
    %dma_wait3A_818 = arith.constant 0 : i32
    %dma_wait3A_819 = arith.constant 0 : i32
    %dma_wait3A_820 = tpu.memref_slice %arg6[%dma_wait3A_816, %dma_wait3A_818, %dma_wait3A_819] : memref<4x64x256xf32, #tpu.memory_space<vmem>> -> memref<1x64x256xf32, #tpu.memory_space<vmem>>
    %dma_wait3A_821 = tpu.memref_squeeze %dma_wait3A_820 : memref<1x64x256xf32, #tpu.memory_space<vmem>> -> memref<64x256xf32, #tpu.memory_space<vmem>>
    %dma_wait3A_822 = arith.constant 0 : i32
    %dma_wait3A_823 = tpu.memref_slice %arg4[%add3A_679, %dma_wait3A_822] : memref<32768x256xf32, #tpu.memory_space<hbm>> -> memref<64x256xf32, #tpu.memory_space<hbm>>
    %dma_wait3A_824 = tpu.memref_slice %arg9[%dma_wait3A_817] : memref<4x!tpu.dma_semaphore, #tpu.memory_space<semaphore_mem>> -> memref<1x!tpu.dma_semaphore, #tpu.memory_space<semaphore_mem>>
    %dma_wait3A_825 = tpu.memref_squeeze %dma_wait3A_824 : memref<1x!tpu.dma_semaphore, #tpu.memory_space<semaphore_mem>> -> memref<!tpu.dma_semaphore, #tpu.memory_space<semaphore_mem>>
    %dma_wait3A_826 = arith.constant 0 : i32
    %dma_wait3A_827 = tpu.memref_slice %arg4[%add3A_679, %dma_wait3A_826] : memref<32768x256xf32, #tpu.memory_space<hbm>> -> memref<64x256xf32, #tpu.memory_space<hbm>>
    %dma_wait3A_828 = arith.constant 0 : i32
    %dma_wait3A_829 = arith.constant 0 : i32
    %dma_wait3A_830 = tpu.memref_slice %arg6[%dma_wait3A_816, %dma_wait3A_828, %dma_wait3A_829] : memref<4x64x256xf32, #tpu.memory_space<vmem>> -> memref<1x64x256xf32, #tpu.memory_space<vmem>>
    %dma_wait3A_831 = tpu.memref_squeeze %dma_wait3A_830 : memref<1x64x256xf32, #tpu.memory_space<vmem>> -> memref<64x256xf32, #tpu.memory_space<vmem>>
    tpu.wait_dma2 semaphore(%dma_wait3A_825 : memref<!tpu.dma_semaphore, #tpu.memory_space<semaphore_mem>>) src(%dma_wait3A_831 : memref<64x256xf32, #tpu.memory_space<vmem>>) dst(%dma_wait3A_827 : memref<64x256xf32, #tpu.memory_space<hbm>>)
    %dma_start3A_832 = arith.constant 3 : i32
    %dma_start3A_833 = arith.constant 3 : i32
    %dma_start3A_834 = arith.constant 0 : i32
    %dma_start3A_835 = arith.constant 0 : i32
    %dma_start3A_836 = tpu.memref_slice %arg6[%dma_start3A_832, %dma_start3A_834, %dma_start3A_835] : memref<4x64x256xf32, #tpu.memory_space<vmem>> -> memref<1x64x256xf32, #tpu.memory_space<vmem>>
    %dma_start3A_837 = tpu.memref_squeeze %dma_start3A_836 : memref<1x64x256xf32, #tpu.memory_space<vmem>> -> memref<64x256xf32, #tpu.memory_space<vmem>>
    %dma_start3A_838 = arith.constant 960 : i32
    %dma_start3A_839 = tpu.memref_slice %arg5[%dma_start3A_838] : memref<1024xi32, #tpu.memory_space<vmem>> -> memref<64xi32, #tpu.memory_space<vmem>>
    %dma_start3A_840 = arith.constant 0 : i32
    %dma_start3A_841 = arith.constant 0 : i32
    %dma_start3A_842 = tpu.memref_slice %arg2[%dma_start3A_840, %dma_start3A_841] : memref<8192x256xf32, #tpu.memory_space<hbm>> -> memref<8192x256xf32, #tpu.memory_space<hbm>>
    %dma_start3A_843 = tpu.memref_slice %arg8[%dma_start3A_833] : memref<4x!tpu.dma_semaphore, #tpu.memory_space<semaphore_mem>> -> memref<1x!tpu.dma_semaphore, #tpu.memory_space<semaphore_mem>>
    %dma_start3A_844 = tpu.memref_squeeze %dma_start3A_843 : memref<1x!tpu.dma_semaphore, #tpu.memory_space<semaphore_mem>> -> memref<!tpu.dma_semaphore, #tpu.memory_space<semaphore_mem>>
    tpu.enqueue_indirect_dma source(%dma_start3A_842 : memref<8192x256xf32, #tpu.memory_space<hbm>>) target(%dma_start3A_837 : memref<64x256xf32, #tpu.memory_space<vmem>>) offsets(%dma_start3A_839 : memref<64xi32, #tpu.memory_space<vmem>>) semaphore(%dma_start3A_844 : memref<!tpu.dma_semaphore, #tpu.memory_space<semaphore_mem>>)
    %dma_wait3A_845 = arith.constant 2 : i32
    %dma_wait3A_846 = arith.constant 2 : i32
    %dma_wait3A_847 = arith.constant 0 : i32
    %dma_wait3A_848 = arith.constant 0 : i32
    %dma_wait3A_849 = tpu.memref_slice %arg6[%dma_wait3A_845, %dma_wait3A_847, %dma_wait3A_848] : memref<4x64x256xf32, #tpu.memory_space<vmem>> -> memref<1x64x256xf32, #tpu.memory_space<vmem>>
    %dma_wait3A_850 = tpu.memref_squeeze %dma_wait3A_849 : memref<1x64x256xf32, #tpu.memory_space<vmem>> -> memref<64x256xf32, #tpu.memory_space<vmem>>
    %dma_wait3A_851 = arith.constant 896 : i32
    %dma_wait3A_852 = tpu.memref_slice %arg5[%dma_wait3A_851] : memref<1024xi32, #tpu.memory_space<vmem>> -> memref<64xi32, #tpu.memory_space<vmem>>
    %dma_wait3A_853 = arith.constant 0 : i32
    %dma_wait3A_854 = arith.constant 0 : i32
    %dma_wait3A_855 = tpu.memref_slice %arg2[%dma_wait3A_853, %dma_wait3A_854] : memref<8192x256xf32, #tpu.memory_space<hbm>> -> memref<8192x256xf32, #tpu.memory_space<hbm>>
    %dma_wait3A_856 = tpu.memref_slice %arg8[%dma_wait3A_846] : memref<4x!tpu.dma_semaphore, #tpu.memory_space<semaphore_mem>> -> memref<1x!tpu.dma_semaphore, #tpu.memory_space<semaphore_mem>>
    %dma_wait3A_857 = tpu.memref_squeeze %dma_wait3A_856 : memref<1x!tpu.dma_semaphore, #tpu.memory_space<semaphore_mem>> -> memref<!tpu.dma_semaphore, #tpu.memory_space<semaphore_mem>>
    tpu.wait_indirect_dma semaphore(%dma_wait3A_857 : memref<!tpu.dma_semaphore, #tpu.memory_space<semaphore_mem>>) src(%dma_wait3A_855 : memref<8192x256xf32, #tpu.memory_space<hbm>>) dst(%dma_wait3A_850 : memref<64x256xf32, #tpu.memory_space<vmem>>)
    %add3A_858 = arith.constant 896 : i32
    %add3A_859 = arith.addi %mul3A_2, %add3A_858 : i32
    %dma_start3A_860 = arith.constant 2 : i32
    %dma_start3A_861 = arith.constant 2 : i32
    %dma_start3A_862 = arith.constant 0 : i32
    %dma_start3A_863 = arith.constant 0 : i32
    %dma_start3A_864 = tpu.memref_slice %arg6[%dma_start3A_860, %dma_start3A_862, %dma_start3A_863] : memref<4x64x256xf32, #tpu.memory_space<vmem>> -> memref<1x64x256xf32, #tpu.memory_space<vmem>>
    %dma_start3A_865 = tpu.memref_squeeze %dma_start3A_864 : memref<1x64x256xf32, #tpu.memory_space<vmem>> -> memref<64x256xf32, #tpu.memory_space<vmem>>
    %dma_start3A_866 = arith.constant 0 : i32
    %dma_start3A_867 = tpu.memref_slice %arg4[%add3A_859, %dma_start3A_866] : memref<32768x256xf32, #tpu.memory_space<hbm>> -> memref<64x256xf32, #tpu.memory_space<hbm>>
    %dma_start3A_868 = tpu.memref_slice %arg9[%dma_start3A_861] : memref<4x!tpu.dma_semaphore, #tpu.memory_space<semaphore_mem>> -> memref<1x!tpu.dma_semaphore, #tpu.memory_space<semaphore_mem>>
    %dma_start3A_869 = tpu.memref_squeeze %dma_start3A_868 : memref<1x!tpu.dma_semaphore, #tpu.memory_space<semaphore_mem>> -> memref<!tpu.dma_semaphore, #tpu.memory_space<semaphore_mem>>
    %dma_start3A_870 = arith.constant 0 : i32
    %dma_start3A_871 = tpu.memref_slice %arg4[%add3A_859, %dma_start3A_870] : memref<32768x256xf32, #tpu.memory_space<hbm>> -> memref<64x256xf32, #tpu.memory_space<hbm>>
    %dma_start3A_872 = arith.constant 0 : i32
    %dma_start3A_873 = arith.constant 0 : i32
    %dma_start3A_874 = tpu.memref_slice %arg6[%dma_start3A_860, %dma_start3A_872, %dma_start3A_873] : memref<4x64x256xf32, #tpu.memory_space<vmem>> -> memref<1x64x256xf32, #tpu.memory_space<vmem>>
    %dma_start3A_875 = tpu.memref_squeeze %dma_start3A_874 : memref<1x64x256xf32, #tpu.memory_space<vmem>> -> memref<64x256xf32, #tpu.memory_space<vmem>>
    tpu.enqueue_dma source(%dma_start3A_875 : memref<64x256xf32, #tpu.memory_space<vmem>>) target(%dma_start3A_871 : memref<64x256xf32, #tpu.memory_space<hbm>>) target_semaphore(%dma_start3A_869 : memref<!tpu.dma_semaphore, #tpu.memory_space<semaphore_mem>>)
    %dma_wait3A_876 = arith.constant 3 : i32
    %dma_wait3A_877 = arith.constant 3 : i32
    %dma_wait3A_878 = arith.constant 0 : i32
    %dma_wait3A_879 = arith.constant 0 : i32
    %dma_wait3A_880 = tpu.memref_slice %arg6[%dma_wait3A_876, %dma_wait3A_878, %dma_wait3A_879] : memref<4x64x256xf32, #tpu.memory_space<vmem>> -> memref<1x64x256xf32, #tpu.memory_space<vmem>>
    %dma_wait3A_881 = tpu.memref_squeeze %dma_wait3A_880 : memref<1x64x256xf32, #tpu.memory_space<vmem>> -> memref<64x256xf32, #tpu.memory_space<vmem>>
    %dma_wait3A_882 = arith.constant 960 : i32
    %dma_wait3A_883 = tpu.memref_slice %arg5[%dma_wait3A_882] : memref<1024xi32, #tpu.memory_space<vmem>> -> memref<64xi32, #tpu.memory_space<vmem>>
    %dma_wait3A_884 = arith.constant 0 : i32
    %dma_wait3A_885 = arith.constant 0 : i32
    %dma_wait3A_886 = tpu.memref_slice %arg2[%dma_wait3A_884, %dma_wait3A_885] : memref<8192x256xf32, #tpu.memory_space<hbm>> -> memref<8192x256xf32, #tpu.memory_space<hbm>>
    %dma_wait3A_887 = tpu.memref_slice %arg8[%dma_wait3A_877] : memref<4x!tpu.dma_semaphore, #tpu.memory_space<semaphore_mem>> -> memref<1x!tpu.dma_semaphore, #tpu.memory_space<semaphore_mem>>
    %dma_wait3A_888 = tpu.memref_squeeze %dma_wait3A_887 : memref<1x!tpu.dma_semaphore, #tpu.memory_space<semaphore_mem>> -> memref<!tpu.dma_semaphore, #tpu.memory_space<semaphore_mem>>
    tpu.wait_indirect_dma semaphore(%dma_wait3A_888 : memref<!tpu.dma_semaphore, #tpu.memory_space<semaphore_mem>>) src(%dma_wait3A_886 : memref<8192x256xf32, #tpu.memory_space<hbm>>) dst(%dma_wait3A_881 : memref<64x256xf32, #tpu.memory_space<vmem>>)
    %add3A_889 = arith.constant 960 : i32
    %add3A_890 = arith.addi %mul3A_2, %add3A_889 : i32
    %dma_start3A_891 = arith.constant 3 : i32
    %dma_start3A_892 = arith.constant 3 : i32
    %dma_start3A_893 = arith.constant 0 : i32
    %dma_start3A_894 = arith.constant 0 : i32
    %dma_start3A_895 = tpu.memref_slice %arg6[%dma_start3A_891, %dma_start3A_893, %dma_start3A_894] : memref<4x64x256xf32, #tpu.memory_space<vmem>> -> memref<1x64x256xf32, #tpu.memory_space<vmem>>
    %dma_start3A_896 = tpu.memref_squeeze %dma_start3A_895 : memref<1x64x256xf32, #tpu.memory_space<vmem>> -> memref<64x256xf32, #tpu.memory_space<vmem>>
    %dma_start3A_897 = arith.constant 0 : i32
    %dma_start3A_898 = tpu.memref_slice %arg4[%add3A_890, %dma_start3A_897] : memref<32768x256xf32, #tpu.memory_space<hbm>> -> memref<64x256xf32, #tpu.memory_space<hbm>>
    %dma_start3A_899 = tpu.memref_slice %arg9[%dma_start3A_892] : memref<4x!tpu.dma_semaphore, #tpu.memory_space<semaphore_mem>> -> memref<1x!tpu.dma_semaphore, #tpu.memory_space<semaphore_mem>>
    %dma_start3A_900 = tpu.memref_squeeze %dma_start3A_899 : memref<1x!tpu.dma_semaphore, #tpu.memory_space<semaphore_mem>> -> memref<!tpu.dma_semaphore, #tpu.memory_space<semaphore_mem>>
    %dma_start3A_901 = arith.constant 0 : i32
    %dma_start3A_902 = tpu.memref_slice %arg4[%add3A_890, %dma_start3A_901] : memref<32768x256xf32, #tpu.memory_space<hbm>> -> memref<64x256xf32, #tpu.memory_space<hbm>>
    %dma_start3A_903 = arith.constant 0 : i32
    %dma_start3A_904 = arith.constant 0 : i32
    %dma_start3A_905 = tpu.memref_slice %arg6[%dma_start3A_891, %dma_start3A_903, %dma_start3A_904] : memref<4x64x256xf32, #tpu.memory_space<vmem>> -> memref<1x64x256xf32, #tpu.memory_space<vmem>>
    %dma_start3A_906 = tpu.memref_squeeze %dma_start3A_905 : memref<1x64x256xf32, #tpu.memory_space<vmem>> -> memref<64x256xf32, #tpu.memory_space<vmem>>
    tpu.enqueue_dma source(%dma_start3A_906 : memref<64x256xf32, #tpu.memory_space<vmem>>) target(%dma_start3A_902 : memref<64x256xf32, #tpu.memory_space<hbm>>) target_semaphore(%dma_start3A_900 : memref<!tpu.dma_semaphore, #tpu.memory_space<semaphore_mem>>)
    %dma_wait3A_907 = arith.constant 0 : i32
    %dma_wait3A_908 = arith.constant 0 : i32
    %dma_wait3A_909 = arith.constant 0 : i32
    %dma_wait3A_910 = arith.constant 0 : i32
    %dma_wait3A_911 = tpu.memref_slice %arg6[%dma_wait3A_907, %dma_wait3A_909, %dma_wait3A_910] : memref<4x64x256xf32, #tpu.memory_space<vmem>> -> memref<1x64x256xf32, #tpu.memory_space<vmem>>
    %dma_wait3A_912 = tpu.memref_squeeze %dma_wait3A_911 : memref<1x64x256xf32, #tpu.memory_space<vmem>> -> memref<64x256xf32, #tpu.memory_space<vmem>>
    %dma_wait3A_913 = arith.constant 0 : i32
    %dma_wait3A_914 = tpu.memref_slice %arg4[%add3A_739, %dma_wait3A_913] : memref<32768x256xf32, #tpu.memory_space<hbm>> -> memref<64x256xf32, #tpu.memory_space<hbm>>
    %dma_wait3A_915 = tpu.memref_slice %arg9[%dma_wait3A_908] : memref<4x!tpu.dma_semaphore, #tpu.memory_space<semaphore_mem>> -> memref<1x!tpu.dma_semaphore, #tpu.memory_space<semaphore_mem>>
    %dma_wait3A_916 = tpu.memref_squeeze %dma_wait3A_915 : memref<1x!tpu.dma_semaphore, #tpu.memory_space<semaphore_mem>> -> memref<!tpu.dma_semaphore, #tpu.memory_space<semaphore_mem>>
    %dma_wait3A_917 = arith.constant 0 : i32
    %dma_wait3A_918 = tpu.memref_slice %arg4[%add3A_739, %dma_wait3A_917] : memref<32768x256xf32, #tpu.memory_space<hbm>> -> memref<64x256xf32, #tpu.memory_space<hbm>>
    %dma_wait3A_919 = arith.constant 0 : i32
    %dma_wait3A_920 = arith.constant 0 : i32
    %dma_wait3A_921 = tpu.memref_slice %arg6[%dma_wait3A_907, %dma_wait3A_919, %dma_wait3A_920] : memref<4x64x256xf32, #tpu.memory_space<vmem>> -> memref<1x64x256xf32, #tpu.memory_space<vmem>>
    %dma_wait3A_922 = tpu.memref_squeeze %dma_wait3A_921 : memref<1x64x256xf32, #tpu.memory_space<vmem>> -> memref<64x256xf32, #tpu.memory_space<vmem>>
    tpu.wait_dma2 semaphore(%dma_wait3A_916 : memref<!tpu.dma_semaphore, #tpu.memory_space<semaphore_mem>>) src(%dma_wait3A_922 : memref<64x256xf32, #tpu.memory_space<vmem>>) dst(%dma_wait3A_918 : memref<64x256xf32, #tpu.memory_space<hbm>>)
    %dma_wait3A_923 = arith.constant 1 : i32
    %dma_wait3A_924 = arith.constant 1 : i32
    %dma_wait3A_925 = arith.constant 0 : i32
    %dma_wait3A_926 = arith.constant 0 : i32
    %dma_wait3A_927 = tpu.memref_slice %arg6[%dma_wait3A_923, %dma_wait3A_925, %dma_wait3A_926] : memref<4x64x256xf32, #tpu.memory_space<vmem>> -> memref<1x64x256xf32, #tpu.memory_space<vmem>>
    %dma_wait3A_928 = tpu.memref_squeeze %dma_wait3A_927 : memref<1x64x256xf32, #tpu.memory_space<vmem>> -> memref<64x256xf32, #tpu.memory_space<vmem>>
    %dma_wait3A_929 = arith.constant 0 : i32
    %dma_wait3A_930 = tpu.memref_slice %arg4[%add3A_799, %dma_wait3A_929] : memref<32768x256xf32, #tpu.memory_space<hbm>> -> memref<64x256xf32, #tpu.memory_space<hbm>>
    %dma_wait3A_931 = tpu.memref_slice %arg9[%dma_wait3A_924] : memref<4x!tpu.dma_semaphore, #tpu.memory_space<semaphore_mem>> -> memref<1x!tpu.dma_semaphore, #tpu.memory_space<semaphore_mem>>
    %dma_wait3A_932 = tpu.memref_squeeze %dma_wait3A_931 : memref<1x!tpu.dma_semaphore, #tpu.memory_space<semaphore_mem>> -> memref<!tpu.dma_semaphore, #tpu.memory_space<semaphore_mem>>
    %dma_wait3A_933 = arith.constant 0 : i32
    %dma_wait3A_934 = tpu.memref_slice %arg4[%add3A_799, %dma_wait3A_933] : memref<32768x256xf32, #tpu.memory_space<hbm>> -> memref<64x256xf32, #tpu.memory_space<hbm>>
    %dma_wait3A_935 = arith.constant 0 : i32
    %dma_wait3A_936 = arith.constant 0 : i32
    %dma_wait3A_937 = tpu.memref_slice %arg6[%dma_wait3A_923, %dma_wait3A_935, %dma_wait3A_936] : memref<4x64x256xf32, #tpu.memory_space<vmem>> -> memref<1x64x256xf32, #tpu.memory_space<vmem>>
    %dma_wait3A_938 = tpu.memref_squeeze %dma_wait3A_937 : memref<1x64x256xf32, #tpu.memory_space<vmem>> -> memref<64x256xf32, #tpu.memory_space<vmem>>
    tpu.wait_dma2 semaphore(%dma_wait3A_932 : memref<!tpu.dma_semaphore, #tpu.memory_space<semaphore_mem>>) src(%dma_wait3A_938 : memref<64x256xf32, #tpu.memory_space<vmem>>) dst(%dma_wait3A_934 : memref<64x256xf32, #tpu.memory_space<hbm>>)
    %dma_wait3A_939 = arith.constant 2 : i32
    %dma_wait3A_940 = arith.constant 2 : i32
    %dma_wait3A_941 = arith.constant 0 : i32
    %dma_wait3A_942 = arith.constant 0 : i32
    %dma_wait3A_943 = tpu.memref_slice %arg6[%dma_wait3A_939, %dma_wait3A_941, %dma_wait3A_942] : memref<4x64x256xf32, #tpu.memory_space<vmem>> -> memref<1x64x256xf32, #tpu.memory_space<vmem>>
    %dma_wait3A_944 = tpu.memref_squeeze %dma_wait3A_943 : memref<1x64x256xf32, #tpu.memory_space<vmem>> -> memref<64x256xf32, #tpu.memory_space<vmem>>
    %dma_wait3A_945 = arith.constant 0 : i32
    %dma_wait3A_946 = tpu.memref_slice %arg4[%add3A_859, %dma_wait3A_945] : memref<32768x256xf32, #tpu.memory_space<hbm>> -> memref<64x256xf32, #tpu.memory_space<hbm>>
    %dma_wait3A_947 = tpu.memref_slice %arg9[%dma_wait3A_940] : memref<4x!tpu.dma_semaphore, #tpu.memory_space<semaphore_mem>> -> memref<1x!tpu.dma_semaphore, #tpu.memory_space<semaphore_mem>>
    %dma_wait3A_948 = tpu.memref_squeeze %dma_wait3A_947 : memref<1x!tpu.dma_semaphore, #tpu.memory_space<semaphore_mem>> -> memref<!tpu.dma_semaphore, #tpu.memory_space<semaphore_mem>>
    %dma_wait3A_949 = arith.constant 0 : i32
    %dma_wait3A_950 = tpu.memref_slice %arg4[%add3A_859, %dma_wait3A_949] : memref<32768x256xf32, #tpu.memory_space<hbm>> -> memref<64x256xf32, #tpu.memory_space<hbm>>
    %dma_wait3A_951 = arith.constant 0 : i32
    %dma_wait3A_952 = arith.constant 0 : i32
    %dma_wait3A_953 = tpu.memref_slice %arg6[%dma_wait3A_939, %dma_wait3A_951, %dma_wait3A_952] : memref<4x64x256xf32, #tpu.memory_space<vmem>> -> memref<1x64x256xf32, #tpu.memory_space<vmem>>
    %dma_wait3A_954 = tpu.memref_squeeze %dma_wait3A_953 : memref<1x64x256xf32, #tpu.memory_space<vmem>> -> memref<64x256xf32, #tpu.memory_space<vmem>>
    tpu.wait_dma2 semaphore(%dma_wait3A_948 : memref<!tpu.dma_semaphore, #tpu.memory_space<semaphore_mem>>) src(%dma_wait3A_954 : memref<64x256xf32, #tpu.memory_space<vmem>>) dst(%dma_wait3A_950 : memref<64x256xf32, #tpu.memory_space<hbm>>)
    %dma_wait3A_955 = arith.constant 3 : i32
    %dma_wait3A_956 = arith.constant 3 : i32
    %dma_wait3A_957 = arith.constant 0 : i32
    %dma_wait3A_958 = arith.constant 0 : i32
    %dma_wait3A_959 = tpu.memref_slice %arg6[%dma_wait3A_955, %dma_wait3A_957, %dma_wait3A_958] : memref<4x64x256xf32, #tpu.memory_space<vmem>> -> memref<1x64x256xf32, #tpu.memory_space<vmem>>
    %dma_wait3A_960 = tpu.memref_squeeze %dma_wait3A_959 : memref<1x64x256xf32, #tpu.memory_space<vmem>> -> memref<64x256xf32, #tpu.memory_space<vmem>>
    %dma_wait3A_961 = arith.constant 0 : i32
    %dma_wait3A_962 = tpu.memref_slice %arg4[%add3A_890, %dma_wait3A_961] : memref<32768x256xf32, #tpu.memory_space<hbm>> -> memref<64x256xf32, #tpu.memory_space<hbm>>
    %dma_wait3A_963 = tpu.memref_slice %arg9[%dma_wait3A_956] : memref<4x!tpu.dma_semaphore, #tpu.memory_space<semaphore_mem>> -> memref<1x!tpu.dma_semaphore, #tpu.memory_space<semaphore_mem>>
    %dma_wait3A_964 = tpu.memref_squeeze %dma_wait3A_963 : memref<1x!tpu.dma_semaphore, #tpu.memory_space<semaphore_mem>> -> memref<!tpu.dma_semaphore, #tpu.memory_space<semaphore_mem>>
    %dma_wait3A_965 = arith.constant 0 : i32
    %dma_wait3A_966 = tpu.memref_slice %arg4[%add3A_890, %dma_wait3A_965] : memref<32768x256xf32, #tpu.memory_space<hbm>> -> memref<64x256xf32, #tpu.memory_space<hbm>>
    %dma_wait3A_967 = arith.constant 0 : i32
    %dma_wait3A_968 = arith.constant 0 : i32
    %dma_wait3A_969 = tpu.memref_slice %arg6[%dma_wait3A_955, %dma_wait3A_967, %dma_wait3A_968] : memref<4x64x256xf32, #tpu.memory_space<vmem>> -> memref<1x64x256xf32, #tpu.memory_space<vmem>>
    %dma_wait3A_970 = tpu.memref_squeeze %dma_wait3A_969 : memref<1x64x256xf32, #tpu.memory_space<vmem>> -> memref<64x256xf32, #tpu.memory_space<vmem>>
    tpu.wait_dma2 semaphore(%dma_wait3A_964 : memref<!tpu.dma_semaphore, #tpu.memory_space<semaphore_mem>>) src(%dma_wait3A_970 : memref<64x256xf32, #tpu.memory_space<vmem>>) dst(%dma_wait3A_966 : memref<64x256xf32, #tpu.memory_space<hbm>>)
    return
  }
}

module attributes {stable_mosaic.version = 14 : i64} {
  func.func @_b2_body(%arg0: memref<256x8192xf32, #tpu.memory_space<vmem>>, %arg1: memref<1x8192xf32, #tpu.memory_space<vmem>>) attributes {dimension_semantics = [], scalar_prefetch = 0 : i64, scratch_operands = 0 : i64, tpu.core_type = #tpu.core_type<tc>} {
    %get3A = arith.constant 0 : index
    %get3A_0 = arith.constant 0 : index
    %get3A_1 = vector.load %arg0[%get3A, %get3A_0] : memref<256x8192xf32, #tpu.memory_space<vmem>>, vector<256x8192xf32>
    %mul3A = arith.mulf %get3A_1, %get3A_1 : vector<256x8192xf32>
    %reduce_sum3A = arith.constant dense<0.000000e+00> : vector<8192xf32>
    %reduce_sum3A_2 = vector.multi_reduction <add>, %mul3A, %reduce_sum3A [0] : vector<256x8192xf32> to vector<8192xf32>
    %broadcast_in_dim3A = vector.shape_cast %reduce_sum3A_2 : vector<8192xf32> to vector<1x8192xf32>
    %swap3A = arith.constant 0 : index
    %swap3A_3 = arith.constant 0 : index
    %swap3A_4 = vector.load %arg1[%swap3A, %swap3A_3] : memref<1x8192xf32, #tpu.memory_space<vmem>>, vector<1x8192xf32>
    tpu.vector_store %arg1[%swap3A, %swap3A_3], %broadcast_in_dim3A {strides = array<i32>} : memref<1x8192xf32, #tpu.memory_space<vmem>>, vector<1x8192xf32>,
    return
  }
}

module attributes {stable_mosaic.version = 14 : i64} {
  func.func @_assign_body(%arg0: i32, %arg1: memref<256x256xf32, #tpu.memory_space<vmem>>, %arg2: memref<256x8192xbf16, #tpu.memory_space<vmem>>, %arg3: memref<1x8192xf32, #tpu.memory_space<vmem>>, %arg4: memref<1x8192xf32, #tpu.memory_space<vmem>>, %arg5: memref<1x256xi32, #tpu.memory_space<vmem>>) attributes {dimension_semantics = [#tpu.dimension_semantics<arbitrary>], iteration_bounds = array<i64: 128>, scalar_prefetch = 0 : i64, scratch_operands = 0 : i64, tpu.core_type = #tpu.core_type<tc>, window_params = [{transform_indices = @transform_0, window_bounds = array<i64: 256, 256>}, {pipeline_mode = #tpu.pipeline_mode<synchronous>, transform_indices = @transform_1, window_bounds = array<i64: 256, 8192>}, {pipeline_mode = #tpu.pipeline_mode<synchronous>, transform_indices = @transform_2, window_bounds = array<i64: 1, 8192>}, {pipeline_mode = #tpu.pipeline_mode<synchronous>, transform_indices = @transform_3, window_bounds = array<i64: 1, 8192>}, {transform_indices = @transform_4, window_bounds = array<i64: 1, 256>}]} {
    %get3A = arith.constant 0 : index
    %get3A_0 = arith.constant 0 : index
    %get3A_1 = vector.load %arg1[%get3A, %get3A_0] : memref<256x256xf32, #tpu.memory_space<vmem>>, vector<256x256xf32>
    %mul3A = arith.mulf %get3A_1, %get3A_1 : vector<256x256xf32>
    %reduce_sum3A = arith.constant dense<0.000000e+00> : vector<256xf32>
    %reduce_sum3A_2 = vector.multi_reduction <add>, %mul3A, %reduce_sum3A [1] : vector<256x256xf32> to vector<256xf32>
    %broadcast_in_dim3A = vector.shape_cast %reduce_sum3A_2 : vector<256xf32> to vector<256x1xf32>
    %convert_element_type3A = arith.truncf %get3A_1 : vector<256x256xf32> to vector<256x256xbf16>
    %get3A_3 = arith.constant 0 : index
    %get3A_4 = arith.constant 0 : index
    %get3A_5 = vector.load %arg2[%get3A_3, %get3A_4] : memref<256x8192xbf16, #tpu.memory_space<vmem>>, vector<256x8192xbf16>
    %dot_general3A = arith.constant dense<0.000000e+00> : vector<256x8192xf32>
    %dot_general3A_6 = tpu.matmul %convert_element_type3A, %get3A_5, %dot_general3A {dimension_numbers = #tpu.dot_dimension_numbers<[1], [0], [0], [1], [0, 0, 1, 1], [], []>, transpose_lhs_hint = false} : vector<256x256xbf16>, vector<256x8192xbf16>, vector<256x8192xf32> -> vector<256x8192xf32>
    %mul3A_7 = arith.constant 2.000000e+00 : f32
    %mul3A_8 = vector.broadcast %mul3A_7 : f32 to vector<256x8192xf32>
    %mul3A_9 = arith.mulf %mul3A_8, %dot_general3A_6 : vector<256x8192xf32>
    %sub3A = vector.broadcast %broadcast_in_dim3A : vector<256x1xf32> to vector<256x8192xf32>
    %sub3A_10 = arith.subf %sub3A, %mul3A_9 : vector<256x8192xf32>
    %get3A_11 = arith.constant 0 : index
    %get3A_12 = arith.constant 0 : index
    %get3A_13 = vector.load %arg3[%get3A_11, %get3A_12] : memref<1x8192xf32, #tpu.memory_space<vmem>>, vector<1x8192xf32>
    %add3A = vector.broadcast %get3A_13 : vector<1x8192xf32> to vector<256x8192xf32>
    %add3A_14 = arith.addf %sub3A_10, %add3A : vector<256x8192xf32>
    %reduce_min3A = arith.constant dense<0x7F800000> : vector<256xf32>
    %reduce_min3A_15 = vector.multi_reduction <minimumf>, %add3A_14, %reduce_min3A [1] : vector<256x8192xf32> to vector<256xf32>
    %broadcast_in_dim3A_16 = vector.shape_cast %reduce_min3A_15 : vector<256xf32> to vector<256x1xf32>
    %gt3A = arith.constant 0.000000e+00 : f32
    %gt3A_17 = vector.broadcast %gt3A : f32 to vector<256x1xf32>
    %gt3A_18 = arith.cmpf ogt, %broadcast_in_dim3A_16, %gt3A_17 : vector<256x1xf32>
    %mul3A_19 = arith.constant 1.00000012 : f32
    %mul3A_20 = vector.broadcast %mul3A_19 : f32 to vector<256x1xf32>
    %mul3A_21 = arith.mulf %broadcast_in_dim3A_16, %mul3A_20 : vector<256x1xf32>
    %jit3A = arith.constant 0.000000e+00 : f32
    %broadcast_in_dim3A_22 = vector.broadcast %jit3A : f32 to vector<256x1xf32>
    %select_n3A = arith.select %gt3A_18, %mul3A_21, %broadcast_in_dim3A_22 : vector<256x1xi1>, vector<256x1xf32>
    %le3A = vector.broadcast %select_n3A : vector<256x1xf32> to vector<256x8192xf32>
    %le3A_23 = arith.cmpf ole, %add3A_14, %le3A : vector<256x8192xf32>
    %get3A_24 = arith.constant 0 : index
    %get3A_25 = arith.constant 0 : index
    %get3A_26 = vector.load %arg4[%get3A_24, %get3A_25] : memref<1x8192xf32, #tpu.memory_space<vmem>>, vector<1x8192xf32>
    %jit3A_27 = arith.constant 2.000000e+00 : f32
    %broadcast_in_dim3A_28 = vector.shape_cast %get3A_26 : vector<1x8192xf32> to vector<1x8192xf32>
    %broadcast_in_dim3A_29 = vector.broadcast %broadcast_in_dim3A_28 : vector<1x8192xf32> to vector<256x8192xf32>
    %broadcast_in_dim3A_30 = vector.broadcast %jit3A_27 : f32 to vector<256x8192xf32>
    %select_n3A_31 = arith.select %le3A_23, %broadcast_in_dim3A_29, %broadcast_in_dim3A_30 : vector<256x8192xi1>, vector<256x8192xf32>
    %reduce_min3A_32 = arith.constant dense<0x7F800000> : vector<256xf32>
    %reduce_min3A_33 = vector.multi_reduction <minimumf>, %select_n3A_31, %reduce_min3A_32 [1] : vector<256x8192xf32> to vector<256xf32>
    %broadcast_in_dim3A_34 = vector.shape_cast %reduce_min3A_33 : vector<256xf32> to vector<256x1xf32>
    %bitcast_convert_type3A = tpu.bitcast %broadcast_in_dim3A_34 : vector<256x1xf32> -> vector<256x1xi32>
    %sub3A_35 = arith.constant 1065353216 : i32
    %sub3A_36 = vector.broadcast %sub3A_35 : i32 to vector<256x1xi32>
    %sub3A_37 = arith.subi %bitcast_convert_type3A, %sub3A_36 : vector<256x1xi32>
    %reshape3A = vector.shape_cast %sub3A_37 : vector<256x1xi32> to vector<1x256xi32>
    %swap3A = arith.constant 0 : index
    %swap3A_38 = arith.constant 0 : index
    %swap3A_39 = vector.load %arg5[%swap3A, %swap3A_38] : memref<1x256xi32, #tpu.memory_space<vmem>>, vector<1x256xi32>
    tpu.vector_store %arg5[%swap3A, %swap3A_38], %reshape3A {strides = array<i32>} : memref<1x256xi32, #tpu.memory_space<vmem>>, vector<1x256xi32>,
    return
  }
  func.func @transform_0(%arg0: i32) -> (i32, i32) {
    %c0_i32 = arith.constant 0 : i32
    %c0_i32_0 = arith.constant 0 : i32
    return %arg0, %c0_i32 : i32, i32
  }
  func.func @transform_1(%arg0: i32) -> (i32, i32) {
    %c0_i32 = arith.constant 0 : i32
    %c0_i32_0 = arith.constant 0 : i32
    %c0_i32_1 = arith.constant 0 : i32
    return %c0_i32, %c0_i32_0 : i32, i32
  }
  func.func @transform_2(%arg0: i32) -> (i32, i32) {
    %c0_i32 = arith.constant 0 : i32
    %c0_i32_0 = arith.constant 0 : i32
    %c0_i32_1 = arith.constant 0 : i32
    return %c0_i32, %c0_i32_0 : i32, i32
  }
  func.func @transform_3(%arg0: i32) -> (i32, i32) {
    %c0_i32 = arith.constant 0 : i32
    %c0_i32_0 = arith.constant 0 : i32
    %c0_i32_1 = arith.constant 0 : i32
    return %c0_i32, %c0_i32_0 : i32, i32
  }
  func.func @transform_4(%arg0: i32) -> (i32, i32) {
    %c0_i32 = arith.constant 0 : i32
    %c0_i32_0 = arith.constant 0 : i32
    return %c0_i32, %arg0 : i32, i32
  }
}

</mosaic_0001>

<sc_bundles>
// kernel: kernel.5.cloned.1.call-start
scs
__scs_entry_jumppad:
0x0: {  	(pc) =	sbr.rel $0x88, $3  }
0x1: {  	(tag) =	ssettag $0x0;
	lr =	simm.s32 $0x1  }
0x2: {  	[smem:$0x3F9F] =	sst lr;
	_ =	strace $0xD0000000  }
0x3: {  	_ = 	snop  }
0x4: {  	_ = 	snop  }
0x5: {  	_ = 	snop  }
0x6: {  	_ = 	snop  }
0x7: {  	_ = 	snop  }
__scs_overlays_trampoline_lowered:
0x8: {  	[smem:$0x3FAE] =	sst s0  }
0x9: {  	[smem:$0x3FAF] =	sst s1  }
0xa: {  	[smem:$0x3FB0] =	sst s2  }
0xb: {  	[smem:$0x3FB1] =	sst s3  }
0xc: {  	[smem:$0x3FB2] =	sst s4  }
0xd: {  	[smem:$0x3FB3] =	sst s5  }
0xe: {  	[smem:$0x3FB4] =	sst s6  }
0xf: {  	[smem:$0x3FB5] =	sst s7  }
0x10: {  	[smem:$0x3FB6] =	sst s8  }
0x11: {  	[smem:$0x3FB7] =	sst s9;
	s0 =	simm.s32 @!p0 $0x0  }
0x12: {  	s1 =	sld [smem:$0x3F9D];
	s0 =	simm.s32 @p0 $0x1  }
0x13: {  	[smem:$0x3FB8] =	sst s0;
	s0 =	simm.s32 @!p1 $0x0  }
0x14: {  	s2 =	sld [smem:$0x3F9C];
	s0 =	simm.s32 @p1 $0x1  }
0x15: {  	[smem:$0x3FB9] =	sst s0;
	s0 =	simm.s32 @!p2 $0x0  }
0x16: {  	s3 =	sld [smem:$0x3FDB];
	s0 =	simm.s32 @p2 $0x1  }
0x17: {  	s4 =	simm.s32 $0x1BF5;
	[smem:$0x3FBB] =	sst s0  }
0x18: {  	s0 =	sld [smem:$0x3F9E];
	_ =	swait.ge [sflag:s4], $0x0  }
0x19: {  	s7 =	sld [smem:$0x3F9F]  }
0x1a: {  	s8 =	sadd.s32 $0xFFFFE003, lr  }
0x1b: {  	s9 =	sadd.s32 $0xFFFFFEF7, lr;
	s5 =	simm.s32 $0xFFFFFFFF;
	p2 =	slt.u32 s8, $0xFFFFF086  }
0x1c: {  	p1 =	slt.u32 s9, $0xF7A;
	s5 =	simm.s32 @!p2 $0x0  }
0x1d: {  	s5 =	simm.s32 @p1 $0x1;
	p0 =	seq.s32 s7, s2  }
0x1e: {  	s7 =	smul.u32 @!p0 $0xF7A, s2;
	p2 =	seq.s32 @!p0 s5, $0x0  }
0x1f: {  	s9 =	smul.u32 $0xF7A, s1;
	s8 =	simm.s32 @!p0 $0x1BF5;
	p2 =	por !p2, p0  }
0x20: {  	[sflag:s8] =	ssyncset.s32 @!p0 $0xFFFFF086;
	s6 =	sadd.s32 @!p0 s3, s7;
	s7 =	simm.s32 @!p0 $0x108  }
0x21: {  	s3 =	sadd.s32 s3, s9;
	s6 =	sadd.s32 @!p0 $0x88, s6;
	s7 =	simm.s32 @p2 $0x1082  }
0x22: {  	[simem:s7], [sflag:s8] =	dma.local @!p0 [hbm:s6], $0xF7A  }
0x23: {  	s9 =	sor.u32 $0xD0000000, s2;
	s6 =	simm.s32 $0x108;
	_ =	swait.ge @!p0 [sflag:s8], $0x0  }
0x24: {  	s3 =	sadd.s32 $0x88, s3;
	s6 =	simm.s32 @!p1 $0x1082;
	[sflag:s4] =	ssyncset.s32 $0xFFFFF086  }
0x25: {  	[simem:s6], [sflag:s4] =	dma.local [hbm:s3], $0xF7A  }
0x26: {  	[smem:$0x3F9F] =	sst s1;
	(tag) =	ssettag s2;
	_ =	strace s9  }
0x27: {  	s1 =	sld [smem:$0x3FAF]  }
0x28: {  	s2 =	sld [smem:$0x3FB0]  }
0x29: {  	s4 =	sld [smem:$0x3FB2]  }
0x2a: {  	p0 =	seq.s32 s5, $0x0;
	s5 =	sld [smem:$0x3FB3]  }
0x2b: {  	s6 =	sld [smem:$0x3FB4]  }
0x2c: {  	s7 =	sld [smem:$0x3FB5]  }
0x2d: {  	s3 =	simm.s32 $0x108;
	s8 =	sld [smem:$0x3FB6]  }
0x2e: {  	s3 =	simm.s32 @!p0 $0x1082;
	s9 =	sld [smem:$0x3FB7]  }
0x2f: {  	lr =	sadd.s32 s0, s3;
	s0 =	sld [smem:$0x3FAE]  }
0x30: {  	s3 =	sld [smem:$0x3FB1]  }
0x31: {  	[smem:$0x3FBA] =	sst s10  }
0x32: {  	s10 =	sld [smem:$0x3FB8];
	_ =	sdelay $0x3  }
0x33: {  	p0 =	seq.s32 s10, $0x1;
	s10 =	sld [smem:$0x3FBA];
	_ =	sdelay $0x3  }
0x34: {  	[smem:$0x3FBA] =	sst s10  }
0x35: {  	s10 =	sld [smem:$0x3FB9];
	_ =	sdelay $0x3  }
0x36: {  	p1 =	seq.s32 s10, $0x1;
	s10 =	sld [smem:$0x3FBA];
	_ =	sdelay $0x3  }
0x37: {  	[smem:$0x3FBA] =	sst s10  }
0x38: {  	s10 =	sld [smem:$0x3FBB]  }
0x39: {  	_ = 	snop;
	(pc) =	sbr.ind lr, $3  }
0x3a: {  	_ = 	snop  }
0x3b: {  	_ = 	snop  }
0x3c: {  	p2 =	seq.s32 s10, $0x1;
	s10 =	sld [smem:$0x3FBA]  }
0x3d: {  	_ =	shalt  }
0x3e: {  	_ =	shalt  }
0x3f: {  	_ =	shalt  }
0x40: {  	_ =	shalt  }
0x41: {  	_ =	shalt  }
0x42: {  	_ =	shalt  }
0x43: {  	_ =	shalt  }
0x44: {  	_ =	shalt  }
0x45: {  	_ =	shalt  }
0x46: {  	_ =	shalt  }
0x47: {  	_ =	shalt  }
0x48: {  	_ =	shalt  }
0x49: {  	_ =	shalt  }
0x4a: {  	_ =	shalt  }
0x4b: {  	_ =	shalt  }
0x4c: {  	_ =	shalt  }
0x4d: {  	_ =	shalt  }
0x4e: {  	_ =	shalt  }
0x4f: {  	_ =	shalt  }
0x50: {  	_ =	shalt  }
0x51: {  	_ =	shalt  }
0x52: {  	_ =	shalt  }
0x53: {  	_ =	shalt  }
0x54: {  	_ =	shalt  }
0x55: {  	_ =	shalt  }
0x56: {  	_ =	shalt  }
0x57: {  	_ =	shalt  }
0x58: {  	_ =	shalt  }
0x59: {  	_ =	shalt  }
0x5a: {  	_ =	shalt  }
0x5b: {  	_ =	shalt  }
0x5c: {  	_ =	shalt  }
0x5d: {  	_ =	shalt  }
0x5e: {  	_ =	shalt  }
0x5f: {  	_ =	shalt  }
0x60: {  	_ =	shalt  }
0x61: {  	_ =	shalt  }
0x62: {  	_ =	shalt  }
0x63: {  	_ =	shalt  }
0x64: {  	_ =	shalt  }
0x65: {  	_ =	shalt  }
0x66: {  	_ =	shalt  }
0x67: {  	_ =	shalt  }
0x68: {  	_ =	shalt  }
0x69: {  	_ =	shalt  }
0x6a: {  	_ =	shalt  }
0x6b: {  	_ =	shalt  }
0x6c: {  	_ =	shalt  }
0x6d: {  	_ =	shalt  }
0x6e: {  	_ =	shalt  }
0x6f: {  	_ =	shalt  }
0x70: {  	_ =	shalt  }
0x71: {  	_ =	shalt  }
0x72: {  	_ =	shalt  }
0x73: {  	_ =	shalt  }
0x74: {  	_ =	shalt  }
0x75: {  	_ =	shalt  }
0x76: {  	_ =	shalt  }
0x77: {  	_ =	shalt  }
0x78: {  	_ =	shalt  }
0x79: {  	_ =	shalt  }
0x7a: {  	_ =	shalt  }
0x7b: {  	_ =	shalt  }
0x7c: {  	_ =	shalt  }
0x7d: {  	_ =	shalt  }
0x7e: {  	_ =	shalt  }
0x7f: {  	_ =	shalt  }
0x80: {  	_ =	shalt  }
0x81: {  	_ =	shalt  }
0x82: {  	_ =	shalt  }
0x83: {  	_ =	shalt  }
0x84: {  	_ =	shalt  }
0x85: {  	_ =	shalt  }
0x86: {  	_ =	shalt  }
0x87: {  	_ =	shalt  }
.Lfunc_end0:
.L_simem_size_0:
called_computation_lowered:
.L_overlay_start_0:
0x88: {  	s2 =	sld [smem:$0x3FD9]  }
0x89: {  	s3 =	sld [smem:$0x3FFE];
	_ =	sdelay $0x1  }
0x8a: {  	s1 =	srdreg.scid  }
0x8b: {  	s0 =	sand.u32 $0x1, s1  }
0x8c: {  	s15 =	sshll.u32 s0, $0xA;
	s2 =	sadd.s32 s3, s2  }
0x8d: {  	s2 =	sadd.s32 s2, s15  }
0x8e: {  	[smem:$0x3FC6] =	sst s2  }
0x8f: {  	_ = 	snop  }
0x90: {  	s2 =	sld [smem:$0x3FD0];
	_ =	sdelay $0x2  }
0x91: {  	s4 =	simm.s32 $0xA;
	s5 =	simm.s32 $0x10;
	s16 =	sld [smem:$0x3FC8]  }
0x92: {  	[smem:s5], [sflag:s4] =	dma.local [hbm:s2], $0x1  }
0x93: {  	_ =	swait.eq [sflag:s4], $0x1  }
0x94: {  	[sflag:s4] =	ssyncset.done $0x0  }
0x95: {  	s17 =	sld [smem:$0x10];
	[sflag:s4] =	ssyncadd.s32 $0xFFFFFFFF  }
0x96: {  	s18 =	sld [smem:$0x11];
	(tm) =	ssettm $0x1  }
0x97: {  	s19 =	sld [smem:$0x3FFB];
	_ =	sdelay $0x3  }
0x98: {  	_ =	strace s19  }
0x99: {  	s5 =	sld [smem:$0x3FFC];
	_ =	sdelay $0x3  }
0x9a: {  	_ =	strace s5  }
0x9b: {  	s5 =	sld [smem:$0x3FFD];
	_ =	sdelay $0x3  }
0x9c: {  	_ =	strace s5  }
0x9d: {  	_ =	strace $0x8FFFFFFF  }
0x9e: {  	s20 =	sld [smem:$0x3FDB];
	_ =	sdelay $0x1  }
0x9f: {  	s6 =	simm.s32 $_scs_section_size  }
0xa0: {  	s7 =	simm.s32 $_size__tile_overlayer_lowered;
	s8 =	simm.s32 $_tile_overlayer_lowered  }
0xa1: {  	s23 =	simm.s32 $0x1BFF;
	s22 =	sshll.u32 s8, $0x1;
	s5 =	sadd.s32 s6, s20  }
0xa2: {  	s9 =	simm.s32 $0x0;
	s21 =	sshll.u32 s7, $0x1;
	s7 =	sadd.s32 s22, s5  }
0xa3: {  	[timem:s9], [sflag:s23] =	dma.local [hbm:s7], s21  }
0xa4: {  	_ =	swait.ge [sflag:s23], s21  }
0xa5: {  	s6 =	ssub.s32 $0x0, s21;
	[sflag:s23] =	ssyncset.done $0x0  }
0xa6: {  	[sflag:s23] =	ssyncadd.s32 s6;
	_ =	sdelay $0x1  }
0xa7: {  	s24 =	simm.s32 $0x1B8B  }
0xa8: {  	_ =	swait.ge [sflag:s24], $0x1  }
0xa9: {  	[sflag:s24] =	ssyncset.done $0x0  }
0xaa: {  	s25 =	simm.s32 $0x1B8E;
	[sflag:s24] =	ssyncadd.s32 $0xFFFFFFFF  }
0xab: {  	s26 =	simm.s32 $execute0_lowered;
	[smem:$0x3FD2] =	sst s25  }
0xac: {  	s6 =	sshll.u32 s26, $0x1;
	_ =	strace $0x80000046;
	[dreg:$0x1] =	wrdreg $0xFFFFFFFF  }
0xad: {  	s28 =	simm.s32 $_size_execute0_lowered;
	s5 =	sadd.s32 s5, s6;
	[dreg:$0x0] =	wrdreg $0x0  }
0xae: {  	s6 =	sshll.u32 s28, $0x1;
	[dreg:$0x2] =	wrdreg s5  }
0xaf: {  	[dreg:$0x3] =	wrdreg s6  }
0xb0: {  	[dreg:$0x4] =	wrdreg $0xC0  }
0xb1: {  	_ =	task [dreg:s9], $0x5FFFF  }
0xb2: {  	[dreg:$0x1] =	wrdreg $0xFFFFFFFF  }
0xb3: {  	[dreg:$0x0] =	wrdreg $0x60  }
0xb4: {  	[dreg:$0x2] =	wrdreg s16  }
0xb5: {  	[dreg:$0x3] =	wrdreg s17  }
0xb6: {  	[dreg:$0x4] =	wrdreg s18  }
0xb7: {  	[dreg:$0x5] =	wrdreg $0x9  }
0xb8: {  	_ =	task.clear_ibuf [dreg:s9], $0x6FFFF;
	_ =	strace $0x90000046  }
0xb9: {  	s29 =	simm.s32 $0x9;
	_ =	strace $0x80000048  }
0xba: {  	_ =	swait.ge [sflag:s29], $0x1  }
0xbb: {  	[sflag:s29] =	ssyncadd.s32 $0xFFFFFFFF  }
0xbc: {  	_ =	strace $0x90000048  }
0xbd: {  	_ =	sfence  }
0xbe: {  	s30 =	sld [smem:$0x0];
	_ =	sdelay $0x2  }
0xbf: {  	s31 =	sshll.u32 s1, $0xD;
	s1 =	sshrl.u32 s1, $0x2  }
0xc0: {  	s3 =	sand.u32 $0x4000, s31;
	s1 =	sadd.s32 s1, s30  }
0xc1: {  	s0 =	sor.u32 s3, s0;
	s1 =	sshll.u32 s1, $0x11  }
0xc2: {  	s0 =	sor.u32 s1, s0  }
0xc3: {  	s0 =	sadd.s32 $0x8F2B, s0  }
0xc4: {  	[sflag:s0] =	ssyncadd.remote.s32 $0x1  }
0xc5: {  	_ =	sfence.sel $0xFFFF  }
0xc6: {  	[dreg:$0x0] =	wrdreg $0xFFFFFFFF;
	(pc) =	sbr.abs _section_cstart, $3  }
0xc7: {  	[dreg:$0x1] =	wrdreg $0xFFFFFFFF  }
0xc8: {  	_ =	task.clear_ibuf [dreg:s9], $0x2FFFF;
	_ =	strace $0x9FFFFFFF  }
0xc9: {  	(tm) =	ssettm $0x7FFFFFFF  }
tec
execute0_lowered:
.L_overlay_start_1:
0x0: {  	(tag) =	ssettag $0x1  }
0x1: {  	s0 =	srdreg.scid  }
0x2: {  	s3 =	stileid.u32;
	s0 =	sand.u32 $0x1, s0  }
0x3: {  	s1 =	rddreg [dreg:$0x0];
	s6 =	sshll.u32 s3, $0xA;
	s5 =	sshll.u32 s0, $0xE  }
0x4: {  	s2 =	rddreg [dreg:$0x1];
	s5 =	sor.u32 s6, s5  }
0x5: {  	s4 =	rddreg [dreg:$0x2];
	s3 =	simm.s32 $0x0;
	s6 =	sshrl.u32 s5, $0x3  }
0x6: {  	[smem:$0x7FF] =	sst s3;
	s5 =	sshll.u32 s5, $0x5;
	s2 =	sadd.s32 s2, s6  }
0x7: {  	_ =	strace $0x80000047;
	s5 =	sadd.s32 s4, s5;
	[dreg:$0x4] =	wrdreg s2  }
0x8: {  	s15 =	sadd.s32 $0x800, s5;
	[dreg:$0x14] =	wrdreg s5  }
0x9: {  	s16 =	sadd.s32 $0x1000, s5;
	[dreg:$0x5] =	wrdreg s15  }
0xa: {  	s17 =	sadd.s32 $0x1800, s5;
	[dreg:$0x6] =	wrdreg s16  }
0xb: {  	s18 =	sadd.s32 $0x2000, s5;
	[dreg:$0x7] =	wrdreg s17  }
0xc: {  	s19 =	sadd.s32 $0x2800, s5;
	[dreg:$0x8] =	wrdreg s18  }
0xd: {  	s20 =	sadd.s32 $0x3000, s5;
	[dreg:$0x9] =	wrdreg s19  }
0xe: {  	s21 =	sadd.s32 $0x3800, s5;
	[dreg:$0xa] =	wrdreg s20  }
0xf: {  	s11 =	simm.s32 $0x400;
	s22 =	sadd.s32 $0x4000, s5;
	[dreg:$0xb] =	wrdreg s21  }
0x10: {  	s14 =	simm.s32 $0x4;
	s23 =	sadd.s32 $0x4800, s5;
	[dreg:$0xc] =	wrdreg s22  }
0x11: {  	s0 =	ssub.s32 $0x2, s0;
	s24 =	sadd.s32 $0x5000, s5;
	[dreg:$0xd] =	wrdreg s23  }
0x12: {  	s30 =	sshrl.u32 s0, $0x1;
	s25 =	sadd.s32 $0x5800, s5;
	[dreg:$0xe] =	wrdreg s24  }
0x13: {  	s0 =	ssub.s32 s0, s30;
	s26 =	sadd.s32 $0x6000, s5;
	[dreg:$0xf] =	wrdreg s25  }
0x14: {  	s4 =	simm.s32 $0xC400;
	s28 =	sadd.s32 $0x6800, s5;
	[dreg:$0x10] =	wrdreg s26  }
0x15: {  	s29 =	sadd.s32 $0x7000, s5;
	s31 =	sadd.s32 $0x7800, s5;
	[dreg:$0x11] =	wrdreg s28  }
0x16: {  	s5 =	smax.u32 s0, $0x1;
	s0 =	simm.s32 $0x3;
	[dreg:$0x12] =	wrdreg s29  }
0x17: {  	v2 =	vlaneseq.u32;
	[dreg:$0x13] =	wrdreg s31;
	s15 =	simm.s32 $0x4400;
	s23 =	simm.s32 $0x2  }
0x18: {  	vm0 =	vmmov $0xffff;
	v1 =	vshrl.u32 v2, $0x3;
	s24 =	simm.s32 $0x8400;
	s16 =	simm.s32 $0x6;
	s17 =	simm.s32 $0x5  }
0x19: {  	v0 =	vand.u32 $0x7, v2;
	v2 =	vor.u32 $0x8, v2;
	v1 =	vmul.u32 $0x8, v1;
	s18 =	simm.s32 $0x7;
	s19 =	simm.s32 $0x8;
	s20 =	simm.s32 $0x9  }
.LBB2_1:
0x1a: {  	s21 =	rddreg [dreg:$0x4];
	s26 =	simm.s32 $0x1  }
0x1b: {  	[tilespmem:s3], [sflag:$0x1] =	stream.linear.gather [hbm4b:s21+s3], $0x400, $0x38;
	[tilespmem:$0x10400] =	vst v63  }
0x1c: {  	_ =	swait.ge [sflag:s26], $0x400  }
0x1d: {  	[sflag:s26] =	ssyncset.done $0x0  }
0x1e: {  	[sflag:s26] =	ssyncadd.s32 $0xFFFFFC00  }
0x1f: {  	v3 =	vld [tilespmem:$0x0];
	_ =	sdelay $0x4  }
0x20: {  	v4 =	vshll.u32 v3, $0x1  }
0x21: {  	v3 =	vand.u32 $0x7, v3;
	v4 =	vand.u32 $0xFFFFFFF0, v4  }
0x22: {  	v3 =	vor.u32 v3, v4  }
0x23: {  	v4 =	vperm.xlane v3, v0;
	_ =	sdelay $0x1  }
0x24: {  	v3 =	vperm.xlane v3, v2;
	v4 =	vadd.s32 v1, v4;
	_ =	sdelay $0x1  }
0x25: {  	v3 =	vadd.s32 v1, v3;
	_ =	sdelay $0x2  }
0x26: {  	[tilespmem:s11], [sflag:$0x2] =	stream.indirect_vreg.gather [hbm4b:s1+s3], $0x80, v4, vm0, $0xb8;
	[tilespmem:$0x10400] =	vst v63  }
0x27: {  	s2 =	simm.s32 $0xC00  }
0x28: {  	[tilespmem:s2], [sflag:$0x2] =	stream.indirect_vreg.gather [hbm4b:s1+s3], $0x80, v3, vm0, $0xb8;
	[tilespmem:$0x10400] =	vst v63  }
0x29: {  	v3 =	vld [tilespmem:$0x10];
	_ =	sdelay $0x4  }
0x2a: {  	v57 =	vshll.u32 v3, $0x1  }
0x2b: {  	v3 =	vand.u32 $0x7, v3;
	v4 =	vand.u32 $0xFFFFFFF0, v57  }
0x2c: {  	v3 =	vor.u32 v3, v4  }
0x2d: {  	v4 =	vperm.xlane v3, v0;
	_ =	sdelay $0x1  }
0x2e: {  	v3 =	vperm.xlane v3, v2;
	v4 =	vadd.s32 v1, v4;
	_ =	sdelay $0x1  }
0x2f: {  	v3 =	vadd.s32 v1, v3;
	_ =	sdelay $0x1  }
0x30: {  	s28 =	simm.s32 $0x1400  }
0x31: {  	[tilespmem:s28], [sflag:$0x2] =	stream.indirect_vreg.gather [hbm4b:s1+s3], $0x80, v4, vm0, $0xb8;
	[tilespmem:$0x10400] =	vst v63  }
0x32: {  	s29 =	simm.s32 $0x1C00  }
0x33: {  	[tilespmem:s29], [sflag:$0x2] =	stream.indirect_vreg.gather [hbm4b:s1+s3], $0x80, v3, vm0, $0xb8;
	[tilespmem:$0x10400] =	vst v63  }
0x34: {  	v3 =	vld [tilespmem:$0x20];
	_ =	sdelay $0x4  }
0x35: {  	v58 =	vshll.u32 v3, $0x1  }
0x36: {  	v3 =	vand.u32 $0x7, v3;
	v4 =	vand.u32 $0xFFFFFFF0, v58  }
0x37: {  	v3 =	vor.u32 v3, v4  }
0x38: {  	v4 =	vperm.xlane v3, v0;
	_ =	sdelay $0x1  }
0x39: {  	v3 =	vperm.xlane v3, v2;
	v4 =	vadd.s32 v1, v4;
	_ =	sdelay $0x1  }
0x3a: {  	v3 =	vadd.s32 v1, v3;
	_ =	sdelay $0x1  }
0x3b: {  	s31 =	simm.s32 $0x2400  }
0x3c: {  	[tilespmem:s31], [sflag:$0x2] =	stream.indirect_vreg.gather [hbm4b:s1+s3], $0x80, v4, vm0, $0xb8;
	[tilespmem:$0x10400] =	vst v63  }
0x3d: {  	s6 =	simm.s32 $0x2C00  }
0x3e: {  	[tilespmem:s6], [sflag:$0x2] =	stream.indirect_vreg.gather [hbm4b:s1+s3], $0x80, v3, vm0, $0xb8;
	[tilespmem:$0x10400] =	vst v63  }
0x3f: {  	v3 =	vld [tilespmem:$0x30];
	_ =	sdelay $0x4  }
0x40: {  	v59 =	vshll.u32 v3, $0x1  }
0x41: {  	v3 =	vand.u32 $0x7, v3;
	v4 =	vand.u32 $0xFFFFFFF0, v59  }
0x42: {  	v3 =	vor.u32 v3, v4  }
0x43: {  	v4 =	vperm.xlane v3, v0;
	_ =	sdelay $0x1  }
0x44: {  	v3 =	vperm.xlane v3, v2;
	v4 =	vadd.s32 v1, v4;
	_ =	sdelay $0x1  }
0x45: {  	v3 =	vadd.s32 v1, v3;
	_ =	sdelay $0x1  }
0x46: {  	s7 =	simm.s32 $0x3400  }
0x47: {  	[tilespmem:s7], [sflag:$0x2] =	stream.indirect_vreg.gather [hbm4b:s1+s3], $0x80, v4, vm0, $0xb8;
	[tilespmem:$0x10400] =	vst v63  }
0x48: {  	s8 =	simm.s32 $0x3C00  }
0x49: {  	[tilespmem:s8], [sflag:$0x2] =	stream.indirect_vreg.gather [hbm4b:s1+s3], $0x80, v3, vm0, $0xb8;
	[tilespmem:$0x10400] =	vst v63  }
0x4a: {  	v3 =	vld [tilespmem:$0x40];
	_ =	sdelay $0x4  }
0x4b: {  	v60 =	vshll.u32 v3, $0x1  }
0x4c: {  	v3 =	vand.u32 $0x7, v3;
	v4 =	vand.u32 $0xFFFFFFF0, v60  }
0x4d: {  	v3 =	vor.u32 v3, v4  }
0x4e: {  	v4 =	vperm.xlane v3, v0;
	_ =	sdelay $0x1  }
0x4f: {  	v3 =	vperm.xlane v3, v2;
	v4 =	vadd.s32 v1, v4;
	_ =	sdelay $0x1  }
0x50: {  	v3 =	vadd.s32 v1, v3;
	_ =	sdelay $0x2  }
0x51: {  	[tilespmem:s15], [sflag:$0x3] =	stream.indirect_vreg.gather [hbm4b:s1+s3], $0x80, v4, vm0, $0xb8;
	[tilespmem:$0x10400] =	vst v63  }
0x52: {  	s9 =	simm.s32 $0x4C00  }
0x53: {  	[tilespmem:s9], [sflag:$0x3] =	stream.indirect_vreg.gather [hbm4b:s1+s3], $0x80, v3, vm0, $0xb8;
	[tilespmem:$0x10400] =	vst v63  }
0x54: {  	v3 =	vld [tilespmem:$0x50];
	_ =	sdelay $0x4  }
0x55: {  	v61 =	vshll.u32 v3, $0x1  }
0x56: {  	v3 =	vand.u32 $0x7, v3;
	v4 =	vand.u32 $0xFFFFFFF0, v61  }
0x57: {  	v3 =	vor.u32 v3, v4  }
0x58: {  	v4 =	vperm.xlane v3, v0;
	_ =	sdelay $0x1  }
0x59: {  	v3 =	vperm.xlane v3, v2;
	v4 =	vadd.s32 v1, v4;
	_ =	sdelay $0x1  }
0x5a: {  	v3 =	vadd.s32 v1, v3;
	_ =	sdelay $0x1  }
0x5b: {  	s10 =	simm.s32 $0x5400  }
0x5c: {  	[tilespmem:s10], [sflag:$0x3] =	stream.indirect_vreg.gather [hbm4b:s1+s3], $0x80, v4, vm0, $0xb8;
	[tilespmem:$0x10400] =	vst v63  }
0x5d: {  	s13 =	simm.s32 $0x5C00  }
0x5e: {  	[tilespmem:s13], [sflag:$0x3] =	stream.indirect_vreg.gather [hbm4b:s1+s3], $0x80, v3, vm0, $0xb8;
	[tilespmem:$0x10400] =	vst v63  }
0x5f: {  	v3 =	vld [tilespmem:$0x60];
	_ =	sdelay $0x4  }
0x60: {  	v62 =	vshll.u32 v3, $0x1  }
0x61: {  	v3 =	vand.u32 $0x7, v3;
	v4 =	vand.u32 $0xFFFFFFF0, v62  }
0x62: {  	v3 =	vor.u32 v3, v4  }
0x63: {  	v4 =	vperm.xlane v3, v0;
	_ =	sdelay $0x1  }
0x64: {  	v3 =	vperm.xlane v3, v2;
	v4 =	vadd.s32 v1, v4;
	_ =	sdelay $0x1  }
0x65: {  	v3 =	vadd.s32 v1, v3;
	_ =	sdelay $0x1  }
0x66: {  	s21 =	simm.s32 $0x6400  }
0x67: {  	[tilespmem:s21], [sflag:$0x3] =	stream.indirect_vreg.gather [hbm4b:s1+s3], $0x80, v4, vm0, $0xb8;
	[tilespmem:$0x10400] =	vst v63  }
0x68: {  	s22 =	simm.s32 $0x6C00  }
0x69: {  	[tilespmem:s22], [sflag:$0x3] =	stream.indirect_vreg.gather [hbm4b:s1+s3], $0x80, v3, vm0, $0xb8;
	[tilespmem:$0x10400] =	vst v63  }
0x6a: {  	v3 =	vld [tilespmem:$0x70];
	_ =	sdelay $0x4  }
0x6b: {  	v63 =	vshll.u32 v3, $0x1  }
0x6c: {  	v3 =	vand.u32 $0x7, v3;
	v4 =	vand.u32 $0xFFFFFFF0, v63  }
0x6d: {  	v3 =	vor.u32 v3, v4  }
0x6e: {  	v4 =	vperm.xlane v3, v0;
	_ =	sdelay $0x1  }
0x6f: {  	v3 =	vperm.xlane v3, v2;
	v4 =	vadd.s32 v1, v4;
	_ =	sdelay $0x1  }
0x70: {  	v3 =	vadd.s32 v1, v3;
	_ =	sdelay $0x1  }
0x71: {  	s28 =	simm.s32 $0x7400  }
0x72: {  	[tilespmem:s28], [sflag:$0x3] =	stream.indirect_vreg.gather [hbm4b:s1+s3], $0x80, v4, vm0, $0xb8;
	[tilespmem:$0x10400] =	vst v63  }
0x73: {  	s6 =	simm.s32 $0x7C00  }
0x74: {  	[tilespmem:s6], [sflag:$0x3] =	stream.indirect_vreg.gather [hbm4b:s1+s3], $0x80, v3, vm0, $0xb8;
	[tilespmem:$0x10400] =	vst v63  }
0x75: {  	_ =	swait.ge [sflag:s23], $0x4000  }
0x76: {  	[sflag:s23] =	ssyncset.done $0x0  }
0x77: {  	s7 =	rddreg [dreg:$0x14];
	[sflag:s23] =	ssyncadd.s32 $0xFFFFC000  }
0x78: {  	[hbm4b:s7+s3] =	stream.linear.scatter [tilespmem:s11], [sflag:$0x6], $0x4000, $0x38;
	[tilespmem:$0x10400] =	vst v63  }
0x79: {  	v3 =	vld [tilespmem:$0x80];
	_ =	sdelay $0x4  }
0x7a: {  	v8 =	vshll.u32 v3, $0x1  }
0x7b: {  	v3 =	vand.u32 $0x7, v3;
	v4 =	vand.u32 $0xFFFFFFF0, v8  }
0x7c: {  	v3 =	vor.u32 v3, v4  }
0x7d: {  	v4 =	vperm.xlane v3, v0;
	_ =	sdelay $0x1  }
0x7e: {  	v3 =	vperm.xlane v3, v2;
	v4 =	vadd.s32 v1, v4;
	_ =	sdelay $0x1  }
0x7f: {  	v3 =	vadd.s32 v1, v3;
	_ =	sdelay $0x2  }
0x80: {  	[tilespmem:s24], [sflag:$0x4] =	stream.indirect_vreg.gather [hbm4b:s1+s3], $0x80, v4, vm0, $0xb8;
	[tilespmem:$0x10400] =	vst v63  }
0x81: {  	s8 =	simm.s32 $0x8C00  }
0x82: {  	[tilespmem:s8], [sflag:$0x4] =	stream.indirect_vreg.gather [hbm4b:s1+s3], $0x80, v3, vm0, $0xb8;
	[tilespmem:$0x10400] =	vst v63  }
0x83: {  	v3 =	vld [tilespmem:$0x90];
	_ =	sdelay $0x4  }
0x84: {  	v9 =	vshll.u32 v3, $0x1  }
0x85: {  	v3 =	vand.u32 $0x7, v3;
	v4 =	vand.u32 $0xFFFFFFF0, v9  }
0x86: {  	v3 =	vor.u32 v3, v4  }
0x87: {  	v4 =	vperm.xlane v3, v0;
	_ =	sdelay $0x1  }
0x88: {  	v3 =	vperm.xlane v3, v2;
	v4 =	vadd.s32 v1, v4;
	_ =	sdelay $0x1  }
0x89: {  	v3 =	vadd.s32 v1, v3;
	_ =	sdelay $0x1  }
0x8a: {  	s9 =	simm.s32 $0x9400  }
0x8b: {  	[tilespmem:s9], [sflag:$0x4] =	stream.indirect_vreg.gather [hbm4b:s1+s3], $0x80, v4, vm0, $0xb8;
	[tilespmem:$0x10400] =	vst v63  }
0x8c: {  	s10 =	simm.s32 $0x9C00  }
0x8d: {  	[tilespmem:s10], [sflag:$0x4] =	stream.indirect_vreg.gather [hbm4b:s1+s3], $0x80, v3, vm0, $0xb8;
	[tilespmem:$0x10400] =	vst v63  }
0x8e: {  	v3 =	vld [tilespmem:$0xA0];
	_ =	sdelay $0x4  }
0x8f: {  	v10 =	vshll.u32 v3, $0x1  }
0x90: {  	v3 =	vand.u32 $0x7, v3;
	v4 =	vand.u32 $0xFFFFFFF0, v10  }
0x91: {  	v3 =	vor.u32 v3, v4  }
0x92: {  	v4 =	vperm.xlane v3, v0;
	_ =	sdelay $0x1  }
0x93: {  	v3 =	vperm.xlane v3, v2;
	v4 =	vadd.s32 v1, v4;
	_ =	sdelay $0x1  }
0x94: {  	v3 =	vadd.s32 v1, v3;
	_ =	sdelay $0x1  }
0x95: {  	s13 =	simm.s32 $0xA400  }
0x96: {  	[tilespmem:s13], [sflag:$0x4] =	stream.indirect_vreg.gather [hbm4b:s1+s3], $0x80, v4, vm0, $0xb8;
	[tilespmem:$0x10400] =	vst v63  }
0x97: {  	s21 =	simm.s32 $0xAC00  }
0x98: {  	[tilespmem:s21], [sflag:$0x4] =	stream.indirect_vreg.gather [hbm4b:s1+s3], $0x80, v3, vm0, $0xb8;
	[tilespmem:$0x10400] =	vst v63  }
0x99: {  	v3 =	vld [tilespmem:$0xB0];
	_ =	sdelay $0x4  }
0x9a: {  	v11 =	vshll.u32 v3, $0x1  }
0x9b: {  	v3 =	vand.u32 $0x7, v3;
	v4 =	vand.u32 $0xFFFFFFF0, v11  }
0x9c: {  	v3 =	vor.u32 v3, v4  }
0x9d: {  	v4 =	vperm.xlane v3, v0;
	_ =	sdelay $0x1  }
0x9e: {  	v3 =	vperm.xlane v3, v2;
	v4 =	vadd.s32 v1, v4;
	_ =	sdelay $0x1  }
0x9f: {  	v3 =	vadd.s32 v1, v3;
	_ =	sdelay $0x1  }
0xa0: {  	s28 =	simm.s32 $0xB400  }
0xa1: {  	[tilespmem:s28], [sflag:$0x4] =	stream.indirect_vreg.gather [hbm4b:s1+s3], $0x80, v4, vm0, $0xb8;
	[tilespmem:$0x10400] =	vst v63  }
0xa2: {  	s6 =	simm.s32 $0xBC00  }
0xa3: {  	[tilespmem:s6], [sflag:$0x4] =	stream.indirect_vreg.gather [hbm4b:s1+s3], $0x80, v3, vm0, $0xb8;
	[tilespmem:$0x10400] =	vst v63  }
0xa4: {  	_ =	swait.ge [sflag:s0], $0x4000  }
0xa5: {  	[sflag:s0] =	ssyncset.done $0x0  }
0xa6: {  	s8 =	rddreg [dreg:$0x5];
	[sflag:s0] =	ssyncadd.s32 $0xFFFFC000  }
0xa7: {  	[hbm4b:s8+s3] =	stream.linear.scatter [tilespmem:s15], [sflag:$0x7], $0x4000, $0x38;
	[tilespmem:$0x10400] =	vst v63  }
0xa8: {  	v3 =	vld [tilespmem:$0xC0];
	_ =	sdelay $0x4  }
0xa9: {  	v12 =	vshll.u32 v3, $0x1  }
0xaa: {  	v3 =	vand.u32 $0x7, v3;
	v4 =	vand.u32 $0xFFFFFFF0, v12  }
0xab: {  	v3 =	vor.u32 v3, v4  }
0xac: {  	v4 =	vperm.xlane v3, v0;
	_ =	sdelay $0x1  }
0xad: {  	v3 =	vperm.xlane v3, v2;
	v4 =	vadd.s32 v1, v4;
	_ =	sdelay $0x1  }
0xae: {  	v3 =	vadd.s32 v1, v3;
	_ =	sdelay $0x2  }
0xaf: {  	[tilespmem:s4], [sflag:$0x5] =	stream.indirect_vreg.gather [hbm4b:s1+s3], $0x80, v4, vm0, $0xb8;
	[tilespmem:$0x10400] =	vst v63  }
0xb0: {  	s9 =	simm.s32 $0xCC00  }
0xb1: {  	[tilespmem:s9], [sflag:$0x5] =	stream.indirect_vreg.gather [hbm4b:s1+s3], $0x80, v3, vm0, $0xb8;
	[tilespmem:$0x10400] =	vst v63  }
0xb2: {  	v3 =	vld [tilespmem:$0xD0];
	_ =	sdelay $0x4  }
0xb3: {  	v13 =	vshll.u32 v3, $0x1  }
0xb4: {  	v3 =	vand.u32 $0x7, v3;
	v4 =	vand.u32 $0xFFFFFFF0, v13  }
0xb5: {  	v3 =	vor.u32 v3, v4  }
0xb6: {  	v4 =	vperm.xlane v3, v0;
	_ =	sdelay $0x1  }
0xb7: {  	v3 =	vperm.xlane v3, v2;
	v4 =	vadd.s32 v1, v4;
	_ =	sdelay $0x1  }
0xb8: {  	v3 =	vadd.s32 v1, v3;
	_ =	sdelay $0x1  }
0xb9: {  	s10 =	simm.s32 $0xD400  }
0xba: {  	[tilespmem:s10], [sflag:$0x5] =	stream.indirect_vreg.gather [hbm4b:s1+s3], $0x80, v4, vm0, $0xb8;
	[tilespmem:$0x10400] =	vst v63  }
0xbb: {  	s13 =	simm.s32 $0xDC00  }
0xbc: {  	[tilespmem:s13], [sflag:$0x5] =	stream.indirect_vreg.gather [hbm4b:s1+s3], $0x80, v3, vm0, $0xb8;
	[tilespmem:$0x10400] =	vst v63  }
0xbd: {  	v3 =	vld [tilespmem:$0xE0];
	_ =	sdelay $0x4  }
0xbe: {  	v14 =	vshll.u32 v3, $0x1  }
0xbf: {  	v3 =	vand.u32 $0x7, v3;
	v4 =	vand.u32 $0xFFFFFFF0, v14  }
0xc0: {  	v3 =	vor.u32 v3, v4  }
0xc1: {  	v4 =	vperm.xlane v3, v0;
	_ =	sdelay $0x1  }
0xc2: {  	v3 =	vperm.xlane v3, v2;
	v4 =	vadd.s32 v1, v4;
	_ =	sdelay $0x1  }
0xc3: {  	v3 =	vadd.s32 v1, v3;
	_ =	sdelay $0x1  }
0xc4: {  	s28 =	simm.s32 $0xE400  }
0xc5: {  	[tilespmem:s28], [sflag:$0x5] =	stream.indirect_vreg.gather [hbm4b:s1+s3], $0x80, v4, vm0, $0xb8;
	[tilespmem:$0x10400] =	vst v63  }
0xc6: {  	s2 =	simm.s32 $0xEC00  }
0xc7: {  	[tilespmem:s2], [sflag:$0x5] =	stream.indirect_vreg.gather [hbm4b:s1+s3], $0x80, v3, vm0, $0xb8;
	[tilespmem:$0x10400] =	vst v63  }
0xc8: {  	v3 =	vld [tilespmem:$0xF0];
	_ =	sdelay $0x4  }
0xc9: {  	v15 =	vshll.u32 v3, $0x1  }
0xca: {  	v3 =	vand.u32 $0x7, v3;
	v4 =	vand.u32 $0xFFFFFFF0, v15  }
0xcb: {  	v3 =	vor.u32 v3, v4  }
0xcc: {  	v4 =	vperm.xlane v3, v0;
	_ =	sdelay $0x1  }
0xcd: {  	v3 =	vperm.xlane v3, v2;
	v4 =	vadd.s32 v1, v4;
	_ =	sdelay $0x1  }
0xce: {  	v3 =	vadd.s32 v1, v3;
	_ =	sdelay $0x1  }
0xcf: {  	s8 =	simm.s32 $0xF400  }
0xd0: {  	[tilespmem:s8], [sflag:$0x5] =	stream.indirect_vreg.gather [hbm4b:s1+s3], $0x80, v4, vm0, $0xb8;
	[tilespmem:$0x10400] =	vst v63  }
0xd1: {  	s9 =	simm.s32 $0xFC00  }
0xd2: {  	[tilespmem:s9], [sflag:$0x5] =	stream.indirect_vreg.gather [hbm4b:s1+s3], $0x80, v3, vm0, $0xb8;
	[tilespmem:$0x10400] =	vst v63  }
0xd3: {  	_ =	swait.ge [sflag:s14], $0x4000  }
0xd4: {  	[sflag:s14] =	ssyncset.done $0x0  }
0xd5: {  	s10 =	rddreg [dreg:$0x6];
	[sflag:s14] =	ssyncadd.s32 $0xFFFFC000  }
0xd6: {  	[hbm4b:s10+s3] =	stream.linear.scatter [tilespmem:s24], [sflag:$0x8], $0x4000, $0x38;
	[tilespmem:$0x10400] =	vst v63  }
0xd7: {  	_ =	swait.ge [sflag:s16], $0x4000  }
0xd8: {  	[sflag:s16] =	ssyncset.done $0x0  }
0xd9: {  	[sflag:s16] =	ssyncadd.s32 $0xFFFFC000  }
0xda: {  	v3 =	vld [tilespmem:$0x100];
	_ =	sdelay $0x4  }
0xdb: {  	v16 =	vshll.u32 v3, $0x1  }
0xdc: {  	v3 =	vand.u32 $0x7, v3;
	v4 =	vand.u32 $0xFFFFFFF0, v16  }
0xdd: {  	v3 =	vor.u32 v3, v4  }
0xde: {  	v4 =	vperm.xlane v3, v0;
	_ =	sdelay $0x1  }
0xdf: {  	v3 =	vperm.xlane v3, v2;
	v4 =	vadd.s32 v1, v4;
	_ =	sdelay $0x1  }
0xe0: {  	v3 =	vadd.s32 v1, v3;
	_ =	sdelay $0x2  }
0xe1: {  	[tilespmem:s11], [sflag:$0x2] =	stream.indirect_vreg.gather [hbm4b:s1+s3], $0x80, v4, vm0, $0xb8;
	[tilespmem:$0x10400] =	vst v63  }
0xe2: {  	s12 =	simm.s32 $0xC00  }
0xe3: {  	[tilespmem:s12], [sflag:$0x2] =	stream.indirect_vreg.gather [hbm4b:s1+s3], $0x80, v3, vm0, $0xb8;
	[tilespmem:$0x10400] =	vst v63  }
0xe4: {  	v3 =	vld [tilespmem:$0x110];
	_ =	sdelay $0x4  }
0xe5: {  	v17 =	vshll.u32 v3, $0x1  }
0xe6: {  	v3 =	vand.u32 $0x7, v3;
	v4 =	vand.u32 $0xFFFFFFF0, v17  }
0xe7: {  	v3 =	vor.u32 v3, v4  }
0xe8: {  	v4 =	vperm.xlane v3, v0;
	_ =	sdelay $0x1  }
0xe9: {  	v3 =	vperm.xlane v3, v2;
	v4 =	vadd.s32 v1, v4;
	_ =	sdelay $0x1  }
0xea: {  	v3 =	vadd.s32 v1, v3;
	_ =	sdelay $0x1  }
0xeb: {  	s30 =	simm.s32 $0x1400  }
0xec: {  	[tilespmem:s30], [sflag:$0x2] =	stream.indirect_vreg.gather [hbm4b:s1+s3], $0x80, v4, vm0, $0xb8;
	[tilespmem:$0x10400] =	vst v63  }
0xed: {  	s8 =	simm.s32 $0x1C00  }
0xee: {  	[tilespmem:s8], [sflag:$0x2] =	stream.indirect_vreg.gather [hbm4b:s1+s3], $0x80, v3, vm0, $0xb8;
	[tilespmem:$0x10400] =	vst v63  }
0xef: {  	v3 =	vld [tilespmem:$0x120];
	_ =	sdelay $0x4  }
0xf0: {  	v18 =	vshll.u32 v3, $0x1  }
0xf1: {  	v3 =	vand.u32 $0x7, v3;
	v4 =	vand.u32 $0xFFFFFFF0, v18  }
0xf2: {  	v3 =	vor.u32 v3, v4  }
0xf3: {  	v4 =	vperm.xlane v3, v0;
	_ =	sdelay $0x1  }
0xf4: {  	v3 =	vperm.xlane v3, v2;
	v4 =	vadd.s32 v1, v4;
	_ =	sdelay $0x1  }
0xf5: {  	v3 =	vadd.s32 v1, v3;
	_ =	sdelay $0x1  }
0xf6: {  	s31 =	simm.s32 $0x2400  }
0xf7: {  	[tilespmem:s31], [sflag:$0x2] =	stream.indirect_vreg.gather [hbm4b:s1+s3], $0x80, v4, vm0, $0xb8;
	[tilespmem:$0x10400] =	vst v63  }
0xf8: {  	s9 =	simm.s32 $0x2C00  }
0xf9: {  	[tilespmem:s9], [sflag:$0x2] =	stream.indirect_vreg.gather [hbm4b:s1+s3], $0x80, v3, vm0, $0xb8;
	[tilespmem:$0x10400] =	vst v63  }
0xfa: {  	v3 =	vld [tilespmem:$0x130];
	_ =	sdelay $0x4  }
0xfb: {  	v19 =	vshll.u32 v3, $0x1  }
0xfc: {  	v3 =	vand.u32 $0x7, v3;
	v4 =	vand.u32 $0xFFFFFFF0, v19  }
0xfd: {  	v3 =	vor.u32 v3, v4  }
0xfe: {  	v4 =	vperm.xlane v3, v0;
	_ =	sdelay $0x1  }
0xff: {  	v3 =	vperm.xlane v3, v2;
	v4 =	vadd.s32 v1, v4;
	_ =	sdelay $0x1  }
0x100: {  	v3 =	vadd.s32 v1, v3;
	_ =	sdelay $0x1  }
0x101: {  	s12 =	simm.s32 $0x3400  }
0x102: {  	[tilespmem:s12], [sflag:$0x2] =	stream.indirect_vreg.gather [hbm4b:s1+s3], $0x80, v4, vm0, $0xb8;
	[tilespmem:$0x10400] =	vst v63  }
0x103: {  	s10 =	simm.s32 $0x3C00  }
0x104: {  	[tilespmem:s10], [sflag:$0x2] =	stream.indirect_vreg.gather [hbm4b:s1+s3], $0x80, v3, vm0, $0xb8;
	[tilespmem:$0x10400] =	vst v63  }
0x105: {  	_ =	swait.ge [sflag:s17], $0x4000  }
0x106: {  	[sflag:s17] =	ssyncset.done $0x0  }
0x107: {  	s31 =	rddreg [dreg:$0x7];
	[sflag:s17] =	ssyncadd.s32 $0xFFFFC000  }
0x108: {  	[hbm4b:s31+s3] =	stream.linear.scatter [tilespmem:s4], [sflag:$0x9], $0x4000, $0x38;
	[tilespmem:$0x10400] =	vst v63  }
0x109: {  	_ =	swait.ge [sflag:s18], $0x4000  }
0x10a: {  	[sflag:s18] =	ssyncset.done $0x0  }
0x10b: {  	[sflag:s18] =	ssyncadd.s32 $0xFFFFC000  }
0x10c: {  	v3 =	vld [tilespmem:$0x140];
	_ =	sdelay $0x4  }
0x10d: {  	v20 =	vshll.u32 v3, $0x1  }
0x10e: {  	v3 =	vand.u32 $0x7, v3;
	v4 =	vand.u32 $0xFFFFFFF0, v20  }
0x10f: {  	v3 =	vor.u32 v3, v4  }
0x110: {  	v4 =	vperm.xlane v3, v0;
	_ =	sdelay $0x1  }
0x111: {  	v3 =	vperm.xlane v3, v2;
	v4 =	vadd.s32 v1, v4;
	_ =	sdelay $0x1  }
0x112: {  	v3 =	vadd.s32 v1, v3;
	_ =	sdelay $0x2  }
0x113: {  	[tilespmem:s15], [sflag:$0x3] =	stream.indirect_vreg.gather [hbm4b:s1+s3], $0x80, v4, vm0, $0xb8;
	[tilespmem:$0x10400] =	vst v63  }
0x114: {  	s26 =	simm.s32 $0x4C00  }
0x115: {  	[tilespmem:s26], [sflag:$0x3] =	stream.indirect_vreg.gather [hbm4b:s1+s3], $0x80, v3, vm0, $0xb8;
	[tilespmem:$0x10400] =	vst v63  }
0x116: {  	v3 =	vld [tilespmem:$0x150];
	_ =	sdelay $0x4  }
0x117: {  	v21 =	vshll.u32 v3, $0x1  }
0x118: {  	v3 =	vand.u32 $0x7, v3;
	v4 =	vand.u32 $0xFFFFFFF0, v21  }
0x119: {  	v3 =	vor.u32 v3, v4  }
0x11a: {  	v4 =	vperm.xlane v3, v0;
	_ =	sdelay $0x1  }
0x11b: {  	v3 =	vperm.xlane v3, v2;
	v4 =	vadd.s32 v1, v4;
	_ =	sdelay $0x1  }
0x11c: {  	v3 =	vadd.s32 v1, v3;
	_ =	sdelay $0x1  }
0x11d: {  	s25 =	simm.s32 $0x5400  }
0x11e: {  	[tilespmem:s25], [sflag:$0x3] =	stream.indirect_vreg.gather [hbm4b:s1+s3], $0x80, v4, vm0, $0xb8;
	[tilespmem:$0x10400] =	vst v63  }
0x11f: {  	s29 =	simm.s32 $0x5C00  }
0x120: {  	[tilespmem:s29], [sflag:$0x3] =	stream.indirect_vreg.gather [hbm4b:s1+s3], $0x80, v3, vm0, $0xb8;
	[tilespmem:$0x10400] =	vst v63  }
0x121: {  	v3 =	vld [tilespmem:$0x160];
	_ =	sdelay $0x4  }
0x122: {  	v22 =	vshll.u32 v3, $0x1  }
0x123: {  	v3 =	vand.u32 $0x7, v3;
	v4 =	vand.u32 $0xFFFFFFF0, v22  }
0x124: {  	v3 =	vor.u32 v3, v4  }
0x125: {  	v4 =	vperm.xlane v3, v0;
	_ =	sdelay $0x1  }
0x126: {  	v3 =	vperm.xlane v3, v2;
	v4 =	vadd.s32 v1, v4;
	_ =	sdelay $0x1  }
0x127: {  	v3 =	vadd.s32 v1, v3;
	_ =	sdelay $0x1  }
0x128: {  	s26 =	simm.s32 $0x6400  }
0x129: {  	[tilespmem:s26], [sflag:$0x3] =	stream.indirect_vreg.gather [hbm4b:s1+s3], $0x80, v4, vm0, $0xb8;
	[tilespmem:$0x10400] =	vst v63  }
0x12a: {  	s30 =	simm.s32 $0x6C00  }
0x12b: {  	[tilespmem:s30], [sflag:$0x3] =	stream.indirect_vreg.gather [hbm4b:s1+s3], $0x80, v3, vm0, $0xb8;
	[tilespmem:$0x10400] =	vst v63  }
0x12c: {  	v3 =	vld [tilespmem:$0x170];
	_ =	sdelay $0x4  }
0x12d: {  	v23 =	vshll.u32 v3, $0x1  }
0x12e: {  	v3 =	vand.u32 $0x7, v3;
	v4 =	vand.u32 $0xFFFFFFF0, v23  }
0x12f: {  	v3 =	vor.u32 v3, v4  }
0x130: {  	v4 =	vperm.xlane v3, v0;
	_ =	sdelay $0x1  }
0x131: {  	v3 =	vperm.xlane v3, v2;
	v4 =	vadd.s32 v1, v4;
	_ =	sdelay $0x1  }
0x132: {  	v3 =	vadd.s32 v1, v3;
	_ =	sdelay $0x1  }
0x133: {  	s29 =	simm.s32 $0x7400  }
0x134: {  	[tilespmem:s29], [sflag:$0x3] =	stream.indirect_vreg.gather [hbm4b:s1+s3], $0x80, v4, vm0, $0xb8;
	[tilespmem:$0x10400] =	vst v63  }
0x135: {  	s31 =	simm.s32 $0x7C00  }
0x136: {  	[tilespmem:s31], [sflag:$0x3] =	stream.indirect_vreg.gather [hbm4b:s1+s3], $0x80, v3, vm0, $0xb8;
	[tilespmem:$0x10400] =	vst v63  }
0x137: {  	_ =	swait.ge [sflag:s23], $0x4000  }
0x138: {  	[sflag:s23] =	ssyncset.done $0x0  }
0x139: {  	s2 =	rddreg [dreg:$0x8];
	[sflag:s23] =	ssyncadd.s32 $0xFFFFC000  }
0x13a: {  	[hbm4b:s2+s3] =	stream.linear.scatter [tilespmem:s11], [sflag:$0x6], $0x4000, $0x38;
	[tilespmem:$0x10400] =	vst v63  }
0x13b: {  	_ =	swait.ge [sflag:s19], $0x4000  }
0x13c: {  	[sflag:s19] =	ssyncset.done $0x0  }
0x13d: {  	[sflag:s19] =	ssyncadd.s32 $0xFFFFC000  }
0x13e: {  	v3 =	vld [tilespmem:$0x180];
	_ =	sdelay $0x4  }
0x13f: {  	v24 =	vshll.u32 v3, $0x1  }
0x140: {  	v3 =	vand.u32 $0x7, v3;
	v4 =	vand.u32 $0xFFFFFFF0, v24  }
0x141: {  	v3 =	vor.u32 v3, v4  }
0x142: {  	v4 =	vperm.xlane v3, v0;
	_ =	sdelay $0x1  }
0x143: {  	v3 =	vperm.xlane v3, v2;
	v4 =	vadd.s32 v1, v4;
	_ =	sdelay $0x1  }
0x144: {  	v3 =	vadd.s32 v1, v3;
	_ =	sdelay $0x2  }
0x145: {  	[tilespmem:s24], [sflag:$0x4] =	stream.indirect_vreg.gather [hbm4b:s1+s3], $0x80, v4, vm0, $0xb8;
	[tilespmem:$0x10400] =	vst v63  }
0x146: {  	s7 =	simm.s32 $0x8C00  }
0x147: {  	[tilespmem:s7], [sflag:$0x4] =	stream.indirect_vreg.gather [hbm4b:s1+s3], $0x80, v3, vm0, $0xb8;
	[tilespmem:$0x10400] =	vst v63  }
0x148: {  	v3 =	vld [tilespmem:$0x190];
	_ =	sdelay $0x4  }
0x149: {  	v25 =	vshll.u32 v3, $0x1  }
0x14a: {  	v3 =	vand.u32 $0x7, v3;
	v4 =	vand.u32 $0xFFFFFFF0, v25  }
0x14b: {  	v3 =	vor.u32 v3, v4  }
0x14c: {  	v4 =	vperm.xlane v3, v0;
	_ =	sdelay $0x1  }
0x14d: {  	v3 =	vperm.xlane v3, v2;
	v4 =	vadd.s32 v1, v4;
	_ =	sdelay $0x1  }
0x14e: {  	v3 =	vadd.s32 v1, v3;
	_ =	sdelay $0x1  }
0x14f: {  	s2 =	simm.s32 $0x9400  }
0x150: {  	[tilespmem:s2], [sflag:$0x4] =	stream.indirect_vreg.gather [hbm4b:s1+s3], $0x80, v4, vm0, $0xb8;
	[tilespmem:$0x10400] =	vst v63  }
0x151: {  	s22 =	simm.s32 $0x9C00  }
0x152: {  	[tilespmem:s22], [sflag:$0x4] =	stream.indirect_vreg.gather [hbm4b:s1+s3], $0x80, v3, vm0, $0xb8;
	[tilespmem:$0x10400] =	vst v63  }
0x153: {  	v3 =	vld [tilespmem:$0x1A0];
	_ =	sdelay $0x4  }
0x154: {  	v26 =	vshll.u32 v3, $0x1  }
0x155: {  	v3 =	vand.u32 $0x7, v3;
	v4 =	vand.u32 $0xFFFFFFF0, v26  }
0x156: {  	v3 =	vor.u32 v3, v4  }
0x157: {  	v4 =	vperm.xlane v3, v0;
	_ =	sdelay $0x1  }
0x158: {  	v3 =	vperm.xlane v3, v2;
	v4 =	vadd.s32 v1, v4;
	_ =	sdelay $0x1  }
0x159: {  	v3 =	vadd.s32 v1, v3;
	_ =	sdelay $0x1  }
0x15a: {  	s7 =	simm.s32 $0xA400  }
0x15b: {  	[tilespmem:s7], [sflag:$0x4] =	stream.indirect_vreg.gather [hbm4b:s1+s3], $0x80, v4, vm0, $0xb8;
	[tilespmem:$0x10400] =	vst v63  }
0x15c: {  	s25 =	simm.s32 $0xAC00  }
0x15d: {  	[tilespmem:s25], [sflag:$0x4] =	stream.indirect_vreg.gather [hbm4b:s1+s3], $0x80, v3, vm0, $0xb8;
	[tilespmem:$0x10400] =	vst v63  }
0x15e: {  	v3 =	vld [tilespmem:$0x1B0];
	_ =	sdelay $0x4  }
0x15f: {  	v27 =	vshll.u32 v3, $0x1  }
0x160: {  	v3 =	vand.u32 $0x7, v3;
	v4 =	vand.u32 $0xFFFFFFF0, v27  }
0x161: {  	v3 =	vor.u32 v3, v4  }
0x162: {  	v4 =	vperm.xlane v3, v0;
	_ =	sdelay $0x1  }
0x163: {  	v3 =	vperm.xlane v3, v2;
	v4 =	vadd.s32 v1, v4;
	_ =	sdelay $0x1  }
0x164: {  	v3 =	vadd.s32 v1, v3;
	_ =	sdelay $0x1  }
0x165: {  	s22 =	simm.s32 $0xB400  }
0x166: {  	[tilespmem:s22], [sflag:$0x4] =	stream.indirect_vreg.gather [hbm4b:s1+s3], $0x80, v4, vm0, $0xb8;
	[tilespmem:$0x10400] =	vst v63  }
0x167: {  	s6 =	simm.s32 $0xBC00  }
0x168: {  	[tilespmem:s6], [sflag:$0x4] =	stream.indirect_vreg.gather [hbm4b:s1+s3], $0x80, v3, vm0, $0xb8;
	[tilespmem:$0x10400] =	vst v63  }
0x169: {  	_ =	swait.ge [sflag:s0], $0x4000  }
0x16a: {  	[sflag:s0] =	ssyncset.done $0x0  }
0x16b: {  	s6 =	rddreg [dreg:$0x9];
	[sflag:s0] =	ssyncadd.s32 $0xFFFFC000  }
0x16c: {  	[hbm4b:s6+s3] =	stream.linear.scatter [tilespmem:s15], [sflag:$0x7], $0x4000, $0x38;
	[tilespmem:$0x10400] =	vst v63  }
0x16d: {  	_ =	swait.ge [sflag:s20], $0x4000  }
0x16e: {  	[sflag:s20] =	ssyncset.done $0x0  }
0x16f: {  	[sflag:s20] =	ssyncadd.s32 $0xFFFFC000  }
0x170: {  	v3 =	vld [tilespmem:$0x1C0];
	_ =	sdelay $0x4  }
0x171: {  	v28 =	vshll.u32 v3, $0x1  }
0x172: {  	v3 =	vand.u32 $0x7, v3;
	v4 =	vand.u32 $0xFFFFFFF0, v28  }
0x173: {  	v3 =	vor.u32 v3, v4  }
0x174: {  	v4 =	vperm.xlane v3, v0;
	_ =	sdelay $0x1  }
0x175: {  	v3 =	vperm.xlane v3, v2;
	v4 =	vadd.s32 v1, v4;
	_ =	sdelay $0x1  }
0x176: {  	v3 =	vadd.s32 v1, v3;
	_ =	sdelay $0x2  }
0x177: {  	[tilespmem:s4], [sflag:$0x5] =	stream.indirect_vreg.gather [hbm4b:s1+s3], $0x80, v4, vm0, $0xb8;
	[tilespmem:$0x10400] =	vst v63  }
0x178: {  	s21 =	simm.s32 $0xCC00  }
0x179: {  	[tilespmem:s21], [sflag:$0x5] =	stream.indirect_vreg.gather [hbm4b:s1+s3], $0x80, v3, vm0, $0xb8;
	[tilespmem:$0x10400] =	vst v63  }
0x17a: {  	v3 =	vld [tilespmem:$0x1D0];
	_ =	sdelay $0x4  }
0x17b: {  	v29 =	vshll.u32 v3, $0x1  }
0x17c: {  	v3 =	vand.u32 $0x7, v3;
	v4 =	vand.u32 $0xFFFFFFF0, v29  }
0x17d: {  	v3 =	vor.u32 v3, v4  }
0x17e: {  	v4 =	vperm.xlane v3, v0;
	_ =	sdelay $0x1  }
0x17f: {  	v3 =	vperm.xlane v3, v2;
	v4 =	vadd.s32 v1, v4;
	_ =	sdelay $0x1  }
0x180: {  	v3 =	vadd.s32 v1, v3;
	_ =	sdelay $0x1  }
0x181: {  	s21 =	simm.s32 $0xD400  }
0x182: {  	[tilespmem:s21], [sflag:$0x5] =	stream.indirect_vreg.gather [hbm4b:s1+s3], $0x80, v4, vm0, $0xb8;
	[tilespmem:$0x10400] =	vst v63  }
0x183: {  	s21 =	simm.s32 $0xDC00  }
0x184: {  	[tilespmem:s21], [sflag:$0x5] =	stream.indirect_vreg.gather [hbm4b:s1+s3], $0x80, v3, vm0, $0xb8;
	[tilespmem:$0x10400] =	vst v63  }
0x185: {  	v3 =	vld [tilespmem:$0x1E0];
	_ =	sdelay $0x4  }
0x186: {  	v30 =	vshll.u32 v3, $0x1  }
0x187: {  	v3 =	vand.u32 $0x7, v3;
	v4 =	vand.u32 $0xFFFFFFF0, v30  }
0x188: {  	v3 =	vor.u32 v3, v4  }
0x189: {  	v4 =	vperm.xlane v3, v0;
	_ =	sdelay $0x1  }
0x18a: {  	v3 =	vperm.xlane v3, v2;
	v4 =	vadd.s32 v1, v4;
	_ =	sdelay $0x1  }
0x18b: {  	v3 =	vadd.s32 v1, v3;
	_ =	sdelay $0x1  }
0x18c: {  	s21 =	simm.s32 $0xE400  }
0x18d: {  	[tilespmem:s21], [sflag:$0x5] =	stream.indirect_vreg.gather [hbm4b:s1+s3], $0x80, v4, vm0, $0xb8;
	[tilespmem:$0x10400] =	vst v63  }
0x18e: {  	s13 =	simm.s32 $0xEC00  }
0x18f: {  	[tilespmem:s13], [sflag:$0x5] =	stream.indirect_vreg.gather [hbm4b:s1+s3], $0x80, v3, vm0, $0xb8;
	[tilespmem:$0x10400] =	vst v63  }
0x190: {  	v3 =	vld [tilespmem:$0x1F0];
	_ =	sdelay $0x4  }
0x191: {  	v31 =	vshll.u32 v3, $0x1  }
0x192: {  	v3 =	vand.u32 $0x7, v3;
	v4 =	vand.u32 $0xFFFFFFF0, v31  }
0x193: {  	v3 =	vor.u32 v3, v4  }
0x194: {  	v4 =	vperm.xlane v3, v0;
	_ =	sdelay $0x1  }
0x195: {  	v3 =	vperm.xlane v3, v2;
	v4 =	vadd.s32 v1, v4;
	_ =	sdelay $0x1  }
0x196: {  	v3 =	vadd.s32 v1, v3;
	_ =	sdelay $0x1  }
0x197: {  	s21 =	simm.s32 $0xF400  }
0x198: {  	[tilespmem:s21], [sflag:$0x5] =	stream.indirect_vreg.gather [hbm4b:s1+s3], $0x80, v4, vm0, $0xb8;
	[tilespmem:$0x10400] =	vst v63  }
0x199: {  	s28 =	simm.s32 $0xFC00  }
0x19a: {  	[tilespmem:s28], [sflag:$0x5] =	stream.indirect_vreg.gather [hbm4b:s1+s3], $0x80, v3, vm0, $0xb8;
	[tilespmem:$0x10400] =	vst v63  }
0x19b: {  	_ =	swait.ge [sflag:s14], $0x4000  }
0x19c: {  	[sflag:s14] =	ssyncset.done $0x0  }
0x19d: {  	s6 =	rddreg [dreg:$0xa];
	[sflag:s14] =	ssyncadd.s32 $0xFFFFC000  }
0x19e: {  	[hbm4b:s6+s3] =	stream.linear.scatter [tilespmem:s24], [sflag:$0x8], $0x4000, $0x38;
	[tilespmem:$0x10400] =	vst v63  }
0x19f: {  	_ =	swait.ge [sflag:s16], $0x4000  }
0x1a0: {  	[sflag:s16] =	ssyncset.done $0x0  }
0x1a1: {  	[sflag:s16] =	ssyncadd.s32 $0xFFFFC000  }
0x1a2: {  	v3 =	vld [tilespmem:$0x200];
	_ =	sdelay $0x4  }
0x1a3: {  	v32 =	vshll.u32 v3, $0x1  }
0x1a4: {  	v3 =	vand.u32 $0x7, v3;
	v4 =	vand.u32 $0xFFFFFFF0, v32  }
0x1a5: {  	v3 =	vor.u32 v3, v4  }
0x1a6: {  	v4 =	vperm.xlane v3, v0;
	_ =	sdelay $0x1  }
0x1a7: {  	v3 =	vperm.xlane v3, v2;
	v4 =	vadd.s32 v1, v4;
	_ =	sdelay $0x1  }
0x1a8: {  	v3 =	vadd.s32 v1, v3;
	_ =	sdelay $0x2  }
0x1a9: {  	[tilespmem:s11], [sflag:$0x2] =	stream.indirect_vreg.gather [hbm4b:s1+s3], $0x80, v4, vm0, $0xb8;
	[tilespmem:$0x10400] =	vst v63  }
0x1aa: {  	s13 =	simm.s32 $0xC00  }
0x1ab: {  	[tilespmem:s13], [sflag:$0x2] =	stream.indirect_vreg.gather [hbm4b:s1+s3], $0x80, v3, vm0, $0xb8;
	[tilespmem:$0x10400] =	vst v63  }
0x1ac: {  	v3 =	vld [tilespmem:$0x210];
	_ =	sdelay $0x4  }
0x1ad: {  	v33 =	vshll.u32 v3, $0x1  }
0x1ae: {  	v3 =	vand.u32 $0x7, v3;
	v4 =	vand.u32 $0xFFFFFFF0, v33  }
0x1af: {  	v3 =	vor.u32 v3, v4  }
0x1b0: {  	v4 =	vperm.xlane v3, v0;
	_ =	sdelay $0x1  }
0x1b1: {  	v3 =	vperm.xlane v3, v2;
	v4 =	vadd.s32 v1, v4;
	_ =	sdelay $0x1  }
0x1b2: {  	v3 =	vadd.s32 v1, v3;
	_ =	sdelay $0x1  }
0x1b3: {  	s21 =	simm.s32 $0x1400  }
0x1b4: {  	[tilespmem:s21], [sflag:$0x2] =	stream.indirect_vreg.gather [hbm4b:s1+s3], $0x80, v4, vm0, $0xb8;
	[tilespmem:$0x10400] =	vst v63  }
0x1b5: {  	_ = 	snop  }
0x1b6: {  	[tilespmem:s8], [sflag:$0x2] =	stream.indirect_vreg.gather [hbm4b:s1+s3], $0x80, v3, vm0, $0xb8;
	[tilespmem:$0x10400] =	vst v63  }
0x1b7: {  	v3 =	vld [tilespmem:$0x220];
	_ =	sdelay $0x4  }
0x1b8: {  	v34 =	vshll.u32 v3, $0x1  }
0x1b9: {  	v3 =	vand.u32 $0x7, v3;
	v4 =	vand.u32 $0xFFFFFFF0, v34  }
0x1ba: {  	v3 =	vor.u32 v3, v4  }
0x1bb: {  	v4 =	vperm.xlane v3, v0;
	_ =	sdelay $0x1  }
0x1bc: {  	v3 =	vperm.xlane v3, v2;
	v4 =	vadd.s32 v1, v4;
	_ =	sdelay $0x1  }
0x1bd: {  	v3 =	vadd.s32 v1, v3;
	_ =	sdelay $0x1  }
0x1be: {  	s28 =	simm.s32 $0x2400  }
0x1bf: {  	[tilespmem:s28], [sflag:$0x2] =	stream.indirect_vreg.gather [hbm4b:s1+s3], $0x80, v4, vm0, $0xb8;
	[tilespmem:$0x10400] =	vst v63  }
0x1c0: {  	_ = 	snop  }
0x1c1: {  	[tilespmem:s9], [sflag:$0x2] =	stream.indirect_vreg.gather [hbm4b:s1+s3], $0x80, v3, vm0, $0xb8;
	[tilespmem:$0x10400] =	vst v63  }
0x1c2: {  	v3 =	vld [tilespmem:$0x230];
	_ =	sdelay $0x4  }
0x1c3: {  	v35 =	vshll.u32 v3, $0x1  }
0x1c4: {  	v3 =	vand.u32 $0x7, v3;
	v4 =	vand.u32 $0xFFFFFFF0, v35  }
0x1c5: {  	v3 =	vor.u32 v3, v4  }
0x1c6: {  	v4 =	vperm.xlane v3, v0;
	_ =	sdelay $0x1  }
0x1c7: {  	v3 =	vperm.xlane v3, v2;
	v4 =	vadd.s32 v1, v4;
	_ =	sdelay $0x1  }
0x1c8: {  	v3 =	vadd.s32 v1, v3;
	_ =	sdelay $0x2  }
0x1c9: {  	[tilespmem:s12], [sflag:$0x2] =	stream.indirect_vreg.gather [hbm4b:s1+s3], $0x80, v4, vm0, $0xb8;
	[tilespmem:$0x10400] =	vst v63  }
0x1ca: {  	_ = 	snop  }
0x1cb: {  	[tilespmem:s10], [sflag:$0x2] =	stream.indirect_vreg.gather [hbm4b:s1+s3], $0x80, v3, vm0, $0xb8;
	[tilespmem:$0x10400] =	vst v63  }
0x1cc: {  	_ =	swait.ge [sflag:s17], $0x4000  }
0x1cd: {  	[sflag:s17] =	ssyncset.done $0x0  }
0x1ce: {  	s10 =	rddreg [dreg:$0xb];
	[sflag:s17] =	ssyncadd.s32 $0xFFFFC000  }
0x1cf: {  	[hbm4b:s10+s3] =	stream.linear.scatter [tilespmem:s4], [sflag:$0x9], $0x4000, $0x38;
	[tilespmem:$0x10400] =	vst v63  }
0x1d0: {  	_ =	swait.ge [sflag:s18], $0x4000  }
0x1d1: {  	[sflag:s18] =	ssyncset.done $0x0  }
0x1d2: {  	[sflag:s18] =	ssyncadd.s32 $0xFFFFC000  }
0x1d3: {  	v3 =	vld [tilespmem:$0x240];
	_ =	sdelay $0x4  }
0x1d4: {  	v36 =	vshll.u32 v3, $0x1  }
0x1d5: {  	v3 =	vand.u32 $0x7, v3;
	v4 =	vand.u32 $0xFFFFFFF0, v36  }
0x1d6: {  	v3 =	vor.u32 v3, v4  }
0x1d7: {  	v4 =	vperm.xlane v3, v0;
	_ =	sdelay $0x1  }
0x1d8: {  	v3 =	vperm.xlane v3, v2;
	v4 =	vadd.s32 v1, v4;
	_ =	sdelay $0x1  }
0x1d9: {  	v3 =	vadd.s32 v1, v3;
	_ =	sdelay $0x2  }
0x1da: {  	[tilespmem:s15], [sflag:$0x3] =	stream.indirect_vreg.gather [hbm4b:s1+s3], $0x80, v4, vm0, $0xb8;
	[tilespmem:$0x10400] =	vst v63  }
0x1db: {  	s13 =	simm.s32 $0x4C00  }
0x1dc: {  	[tilespmem:s13], [sflag:$0x3] =	stream.indirect_vreg.gather [hbm4b:s1+s3], $0x80, v3, vm0, $0xb8;
	[tilespmem:$0x10400] =	vst v63  }
0x1dd: {  	v3 =	vld [tilespmem:$0x250];
	_ =	sdelay $0x4  }
0x1de: {  	v37 =	vshll.u32 v3, $0x1  }
0x1df: {  	v3 =	vand.u32 $0x7, v3;
	v4 =	vand.u32 $0xFFFFFFF0, v37  }
0x1e0: {  	v3 =	vor.u32 v3, v4  }
0x1e1: {  	v4 =	vperm.xlane v3, v0;
	_ =	sdelay $0x1  }
0x1e2: {  	v3 =	vperm.xlane v3, v2;
	v4 =	vadd.s32 v1, v4;
	_ =	sdelay $0x1  }
0x1e3: {  	v3 =	vadd.s32 v1, v3;
	_ =	sdelay $0x1  }
0x1e4: {  	s21 =	simm.s32 $0x5400  }
0x1e5: {  	[tilespmem:s21], [sflag:$0x3] =	stream.indirect_vreg.gather [hbm4b:s1+s3], $0x80, v4, vm0, $0xb8;
	[tilespmem:$0x10400] =	vst v63  }
0x1e6: {  	s28 =	simm.s32 $0x5C00  }
0x1e7: {  	[tilespmem:s28], [sflag:$0x3] =	stream.indirect_vreg.gather [hbm4b:s1+s3], $0x80, v3, vm0, $0xb8;
	[tilespmem:$0x10400] =	vst v63  }
0x1e8: {  	v3 =	vld [tilespmem:$0x260];
	_ =	sdelay $0x4  }
0x1e9: {  	v38 =	vshll.u32 v3, $0x1  }
0x1ea: {  	v3 =	vand.u32 $0x7, v3;
	v4 =	vand.u32 $0xFFFFFFF0, v38  }
0x1eb: {  	v3 =	vor.u32 v3, v4  }
0x1ec: {  	v4 =	vperm.xlane v3, v0;
	_ =	sdelay $0x1  }
0x1ed: {  	v3 =	vperm.xlane v3, v2;
	v4 =	vadd.s32 v1, v4;
	_ =	sdelay $0x1  }
0x1ee: {  	v3 =	vadd.s32 v1, v3;
	_ =	sdelay $0x2  }
0x1ef: {  	[tilespmem:s26], [sflag:$0x3] =	stream.indirect_vreg.gather [hbm4b:s1+s3], $0x80, v4, vm0, $0xb8;
	[tilespmem:$0x10400] =	vst v63  }
0x1f0: {  	_ = 	snop  }
0x1f1: {  	[tilespmem:s30], [sflag:$0x3] =	stream.indirect_vreg.gather [hbm4b:s1+s3], $0x80, v3, vm0, $0xb8;
	[tilespmem:$0x10400] =	vst v63  }
0x1f2: {  	v3 =	vld [tilespmem:$0x270];
	_ =	sdelay $0x4  }
0x1f3: {  	v39 =	vshll.u32 v3, $0x1  }
0x1f4: {  	v3 =	vand.u32 $0x7, v3;
	v4 =	vand.u32 $0xFFFFFFF0, v39  }
0x1f5: {  	v3 =	vor.u32 v3, v4  }
0x1f6: {  	v4 =	vperm.xlane v3, v0;
	_ =	sdelay $0x1  }
0x1f7: {  	v3 =	vperm.xlane v3, v2;
	v4 =	vadd.s32 v1, v4;
	_ =	sdelay $0x1  }
0x1f8: {  	v3 =	vadd.s32 v1, v3;
	_ =	sdelay $0x2  }
0x1f9: {  	[tilespmem:s29], [sflag:$0x3] =	stream.indirect_vreg.gather [hbm4b:s1+s3], $0x80, v4, vm0, $0xb8;
	[tilespmem:$0x10400] =	vst v63  }
0x1fa: {  	_ = 	snop  }
0x1fb: {  	[tilespmem:s31], [sflag:$0x3] =	stream.indirect_vreg.gather [hbm4b:s1+s3], $0x80, v3, vm0, $0xb8;
	[tilespmem:$0x10400] =	vst v63  }
0x1fc: {  	_ =	swait.ge [sflag:s23], $0x4000  }
0x1fd: {  	[sflag:s23] =	ssyncset.done $0x0  }
0x1fe: {  	s8 =	rddreg [dreg:$0xc];
	[sflag:s23] =	ssyncadd.s32 $0xFFFFC000  }
0x1ff: {  	[hbm4b:s8+s3] =	stream.linear.scatter [tilespmem:s11], [sflag:$0x6], $0x4000, $0x38;
	[tilespmem:$0x10400] =	vst v63  }
0x200: {  	_ =	swait.ge [sflag:s19], $0x4000  }
0x201: {  	[sflag:s19] =	ssyncset.done $0x0  }
0x202: {  	[sflag:s19] =	ssyncadd.s32 $0xFFFFC000  }
0x203: {  	v3 =	vld [tilespmem:$0x280];
	_ =	sdelay $0x4  }
0x204: {  	v40 =	vshll.u32 v3, $0x1  }
0x205: {  	v3 =	vand.u32 $0x7, v3;
	v4 =	vand.u32 $0xFFFFFFF0, v40  }
0x206: {  	v3 =	vor.u32 v3, v4  }
0x207: {  	v4 =	vperm.xlane v3, v0;
	_ =	sdelay $0x1  }
0x208: {  	v3 =	vperm.xlane v3, v2;
	v4 =	vadd.s32 v1, v4;
	_ =	sdelay $0x1  }
0x209: {  	v3 =	vadd.s32 v1, v3;
	_ =	sdelay $0x2  }
0x20a: {  	[tilespmem:s24], [sflag:$0x4] =	stream.indirect_vreg.gather [hbm4b:s1+s3], $0x80, v4, vm0, $0xb8;
	[tilespmem:$0x10400] =	vst v63  }
0x20b: {  	s10 =	simm.s32 $0x8C00  }
0x20c: {  	[tilespmem:s10], [sflag:$0x4] =	stream.indirect_vreg.gather [hbm4b:s1+s3], $0x80, v3, vm0, $0xb8;
	[tilespmem:$0x10400] =	vst v63  }
0x20d: {  	v3 =	vld [tilespmem:$0x290];
	_ =	sdelay $0x4  }
0x20e: {  	v41 =	vshll.u32 v3, $0x1  }
0x20f: {  	v3 =	vand.u32 $0x7, v3;
	v4 =	vand.u32 $0xFFFFFFF0, v41  }
0x210: {  	v3 =	vor.u32 v3, v4  }
0x211: {  	v4 =	vperm.xlane v3, v0;
	_ =	sdelay $0x1  }
0x212: {  	v3 =	vperm.xlane v3, v2;
	v4 =	vadd.s32 v1, v4;
	_ =	sdelay $0x1  }
0x213: {  	v3 =	vadd.s32 v1, v3;
	_ =	sdelay $0x2  }
0x214: {  	[tilespmem:s2], [sflag:$0x4] =	stream.indirect_vreg.gather [hbm4b:s1+s3], $0x80, v4, vm0, $0xb8;
	[tilespmem:$0x10400] =	vst v63  }
0x215: {  	s21 =	simm.s32 $0x9C00  }
0x216: {  	[tilespmem:s21], [sflag:$0x4] =	stream.indirect_vreg.gather [hbm4b:s1+s3], $0x80, v3, vm0, $0xb8;
	[tilespmem:$0x10400] =	vst v63  }
0x217: {  	v3 =	vld [tilespmem:$0x2A0];
	_ =	sdelay $0x4  }
0x218: {  	v42 =	vshll.u32 v3, $0x1  }
0x219: {  	v3 =	vand.u32 $0x7, v3;
	v4 =	vand.u32 $0xFFFFFFF0, v42  }
0x21a: {  	v3 =	vor.u32 v3, v4  }
0x21b: {  	v4 =	vperm.xlane v3, v0;
	_ =	sdelay $0x1  }
0x21c: {  	v3 =	vperm.xlane v3, v2;
	v4 =	vadd.s32 v1, v4;
	_ =	sdelay $0x1  }
0x21d: {  	v3 =	vadd.s32 v1, v3;
	_ =	sdelay $0x2  }
0x21e: {  	[tilespmem:s7], [sflag:$0x4] =	stream.indirect_vreg.gather [hbm4b:s1+s3], $0x80, v4, vm0, $0xb8;
	[tilespmem:$0x10400] =	vst v63  }
0x21f: {  	_ = 	snop  }
0x220: {  	[tilespmem:s25], [sflag:$0x4] =	stream.indirect_vreg.gather [hbm4b:s1+s3], $0x80, v3, vm0, $0xb8;
	[tilespmem:$0x10400] =	vst v63  }
0x221: {  	v3 =	vld [tilespmem:$0x2B0];
	_ =	sdelay $0x4  }
0x222: {  	v43 =	vshll.u32 v3, $0x1  }
0x223: {  	v3 =	vand.u32 $0x7, v3;
	v4 =	vand.u32 $0xFFFFFFF0, v43  }
0x224: {  	v3 =	vor.u32 v3, v4  }
0x225: {  	v4 =	vperm.xlane v3, v0;
	_ =	sdelay $0x1  }
0x226: {  	v3 =	vperm.xlane v3, v2;
	v4 =	vadd.s32 v1, v4;
	_ =	sdelay $0x1  }
0x227: {  	v3 =	vadd.s32 v1, v3;
	_ =	sdelay $0x2  }
0x228: {  	[tilespmem:s22], [sflag:$0x4] =	stream.indirect_vreg.gather [hbm4b:s1+s3], $0x80, v4, vm0, $0xb8;
	[tilespmem:$0x10400] =	vst v63  }
0x229: {  	s30 =	simm.s32 $0xBC00  }
0x22a: {  	[tilespmem:s30], [sflag:$0x4] =	stream.indirect_vreg.gather [hbm4b:s1+s3], $0x80, v3, vm0, $0xb8;
	[tilespmem:$0x10400] =	vst v63  }
0x22b: {  	_ =	swait.ge [sflag:s0], $0x4000  }
0x22c: {  	[sflag:s0] =	ssyncset.done $0x0  }
0x22d: {  	s31 =	rddreg [dreg:$0xd];
	[sflag:s0] =	ssyncadd.s32 $0xFFFFC000  }
0x22e: {  	[hbm4b:s31+s3] =	stream.linear.scatter [tilespmem:s15], [sflag:$0x7], $0x4000, $0x38;
	[tilespmem:$0x10400] =	vst v63  }
0x22f: {  	_ =	swait.ge [sflag:s20], $0x4000  }
0x230: {  	[sflag:s20] =	ssyncset.done $0x0  }
0x231: {  	[sflag:s20] =	ssyncadd.s32 $0xFFFFC000  }
0x232: {  	v3 =	vld [tilespmem:$0x2C0];
	_ =	sdelay $0x4  }
0x233: {  	v44 =	vshll.u32 v3, $0x1  }
0x234: {  	v3 =	vand.u32 $0x7, v3;
	v4 =	vand.u32 $0xFFFFFFF0, v44  }
0x235: {  	v3 =	vor.u32 v3, v4  }
0x236: {  	v4 =	vperm.xlane v3, v0;
	_ =	sdelay $0x1  }
0x237: {  	v3 =	vperm.xlane v3, v2;
	v4 =	vadd.s32 v1, v4;
	_ =	sdelay $0x1  }
0x238: {  	v3 =	vadd.s32 v1, v3;
	_ =	sdelay $0x2  }
0x239: {  	[tilespmem:s4], [sflag:$0x5] =	stream.indirect_vreg.gather [hbm4b:s1+s3], $0x80, v4, vm0, $0xb8;
	[tilespmem:$0x10400] =	vst v63  }
0x23a: {  	s22 =	simm.s32 $0xCC00  }
0x23b: {  	[tilespmem:s22], [sflag:$0x5] =	stream.indirect_vreg.gather [hbm4b:s1+s3], $0x80, v3, vm0, $0xb8;
	[tilespmem:$0x10400] =	vst v63  }
0x23c: {  	v3 =	vld [tilespmem:$0x2D0];
	_ =	sdelay $0x4  }
0x23d: {  	v45 =	vshll.u32 v3, $0x1  }
0x23e: {  	v3 =	vand.u32 $0x7, v3;
	v4 =	vand.u32 $0xFFFFFFF0, v45  }
0x23f: {  	v3 =	vor.u32 v3, v4  }
0x240: {  	v4 =	vperm.xlane v3, v0;
	_ =	sdelay $0x1  }
0x241: {  	v3 =	vperm.xlane v3, v2;
	v4 =	vadd.s32 v1, v4;
	_ =	sdelay $0x1  }
0x242: {  	v3 =	vadd.s32 v1, v3;
	_ =	sdelay $0x1  }
0x243: {  	s25 =	simm.s32 $0xD400  }
0x244: {  	[tilespmem:s25], [sflag:$0x5] =	stream.indirect_vreg.gather [hbm4b:s1+s3], $0x80, v4, vm0, $0xb8;
	[tilespmem:$0x10400] =	vst v63  }
0x245: {  	s30 =	simm.s32 $0xDC00  }
0x246: {  	[tilespmem:s30], [sflag:$0x5] =	stream.indirect_vreg.gather [hbm4b:s1+s3], $0x80, v3, vm0, $0xb8;
	[tilespmem:$0x10400] =	vst v63  }
0x247: {  	v3 =	vld [tilespmem:$0x2E0];
	_ =	sdelay $0x4  }
0x248: {  	v46 =	vshll.u32 v3, $0x1  }
0x249: {  	v3 =	vand.u32 $0x7, v3;
	v4 =	vand.u32 $0xFFFFFFF0, v46  }
0x24a: {  	v3 =	vor.u32 v3, v4  }
0x24b: {  	v4 =	vperm.xlane v3, v0;
	_ =	sdelay $0x1  }
0x24c: {  	v3 =	vperm.xlane v3, v2;
	v4 =	vadd.s32 v1, v4;
	_ =	sdelay $0x1  }
0x24d: {  	v3 =	vadd.s32 v1, v3;
	_ =	sdelay $0x1  }
0x24e: {  	s25 =	simm.s32 $0xE400  }
0x24f: {  	[tilespmem:s25], [sflag:$0x5] =	stream.indirect_vreg.gather [hbm4b:s1+s3], $0x80, v4, vm0, $0xb8;
	[tilespmem:$0x10400] =	vst v63  }
0x250: {  	s30 =	simm.s32 $0xEC00  }
0x251: {  	[tilespmem:s30], [sflag:$0x5] =	stream.indirect_vreg.gather [hbm4b:s1+s3], $0x80, v3, vm0, $0xb8;
	[tilespmem:$0x10400] =	vst v63  }
0x252: {  	v3 =	vld [tilespmem:$0x2F0];
	_ =	sdelay $0x4  }
0x253: {  	v47 =	vshll.u32 v3, $0x1  }
0x254: {  	v3 =	vand.u32 $0x7, v3;
	v4 =	vand.u32 $0xFFFFFFF0, v47  }
0x255: {  	v3 =	vor.u32 v3, v4  }
0x256: {  	v4 =	vperm.xlane v3, v0;
	_ =	sdelay $0x1  }
0x257: {  	v3 =	vperm.xlane v3, v2;
	v4 =	vadd.s32 v1, v4;
	_ =	sdelay $0x1  }
0x258: {  	v3 =	vadd.s32 v1, v3;
	_ =	sdelay $0x1  }
0x259: {  	s30 =	simm.s32 $0xF400  }
0x25a: {  	[tilespmem:s30], [sflag:$0x5] =	stream.indirect_vreg.gather [hbm4b:s1+s3], $0x80, v4, vm0, $0xb8;
	[tilespmem:$0x10400] =	vst v63  }
0x25b: {  	s21 =	simm.s32 $0xFC00  }
0x25c: {  	[tilespmem:s21], [sflag:$0x5] =	stream.indirect_vreg.gather [hbm4b:s1+s3], $0x80, v3, vm0, $0xb8;
	[tilespmem:$0x10400] =	vst v63  }
0x25d: {  	_ =	swait.ge [sflag:s14], $0x4000  }
0x25e: {  	[sflag:s14] =	ssyncset.done $0x0  }
0x25f: {  	s21 =	rddreg [dreg:$0xe];
	[sflag:s14] =	ssyncadd.s32 $0xFFFFC000  }
0x260: {  	[hbm4b:s21+s3] =	stream.linear.scatter [tilespmem:s24], [sflag:$0x8], $0x4000, $0x38;
	[tilespmem:$0x10400] =	vst v63  }
0x261: {  	_ =	swait.ge [sflag:s16], $0x4000  }
0x262: {  	[sflag:s16] =	ssyncset.done $0x0  }
0x263: {  	[sflag:s16] =	ssyncadd.s32 $0xFFFFC000  }
0x264: {  	v3 =	vld [tilespmem:$0x300];
	_ =	sdelay $0x4  }
0x265: {  	v48 =	vshll.u32 v3, $0x1  }
0x266: {  	v3 =	vand.u32 $0x7, v3;
	v4 =	vand.u32 $0xFFFFFFF0, v48  }
0x267: {  	v3 =	vor.u32 v3, v4  }
0x268: {  	v4 =	vperm.xlane v3, v0;
	_ =	sdelay $0x1  }
0x269: {  	v3 =	vperm.xlane v3, v2;
	v4 =	vadd.s32 v1, v4;
	_ =	sdelay $0x1  }
0x26a: {  	v3 =	vadd.s32 v1, v3;
	_ =	sdelay $0x2  }
0x26b: {  	[tilespmem:s11], [sflag:$0x2] =	stream.indirect_vreg.gather [hbm4b:s1+s3], $0x80, v4, vm0, $0xb8;
	[tilespmem:$0x10400] =	vst v63  }
0x26c: {  	s21 =	simm.s32 $0xC00  }
0x26d: {  	[tilespmem:s21], [sflag:$0x2] =	stream.indirect_vreg.gather [hbm4b:s1+s3], $0x80, v3, vm0, $0xb8;
	[tilespmem:$0x10400] =	vst v63  }
0x26e: {  	v3 =	vld [tilespmem:$0x310];
	_ =	sdelay $0x4  }
0x26f: {  	v49 =	vshll.u32 v3, $0x1  }
0x270: {  	v3 =	vand.u32 $0x7, v3;
	v4 =	vand.u32 $0xFFFFFFF0, v49  }
0x271: {  	v3 =	vor.u32 v3, v4  }
0x272: {  	v4 =	vperm.xlane v3, v0;
	_ =	sdelay $0x1  }
0x273: {  	v3 =	vperm.xlane v3, v2;
	v4 =	vadd.s32 v1, v4;
	_ =	sdelay $0x1  }
0x274: {  	v3 =	vadd.s32 v1, v3;
	_ =	sdelay $0x1  }
0x275: {  	s21 =	simm.s32 $0x1400  }
0x276: {  	[tilespmem:s21], [sflag:$0x2] =	stream.indirect_vreg.gather [hbm4b:s1+s3], $0x80, v4, vm0, $0xb8;
	[tilespmem:$0x10400] =	vst v63  }
0x277: {  	s6 =	simm.s32 $0x1C00  }
0x278: {  	[tilespmem:s6], [sflag:$0x2] =	stream.indirect_vreg.gather [hbm4b:s1+s3], $0x80, v3, vm0, $0xb8;
	[tilespmem:$0x10400] =	vst v63  }
0x279: {  	v3 =	vld [tilespmem:$0x320];
	_ =	sdelay $0x4  }
0x27a: {  	v50 =	vshll.u32 v3, $0x1  }
0x27b: {  	v3 =	vand.u32 $0x7, v3;
	v4 =	vand.u32 $0xFFFFFFF0, v50  }
0x27c: {  	v3 =	vor.u32 v3, v4  }
0x27d: {  	v4 =	vperm.xlane v3, v0;
	_ =	sdelay $0x1  }
0x27e: {  	v3 =	vperm.xlane v3, v2;
	v4 =	vadd.s32 v1, v4;
	_ =	sdelay $0x1  }
0x27f: {  	v3 =	vadd.s32 v1, v3;
	_ =	sdelay $0x1  }
0x280: {  	s21 =	simm.s32 $0x2400  }
0x281: {  	[tilespmem:s21], [sflag:$0x2] =	stream.indirect_vreg.gather [hbm4b:s1+s3], $0x80, v4, vm0, $0xb8;
	[tilespmem:$0x10400] =	vst v63  }
0x282: {  	s9 =	simm.s32 $0x2C00  }
0x283: {  	[tilespmem:s9], [sflag:$0x2] =	stream.indirect_vreg.gather [hbm4b:s1+s3], $0x80, v3, vm0, $0xb8;
	[tilespmem:$0x10400] =	vst v63  }
0x284: {  	v3 =	vld [tilespmem:$0x330];
	_ =	sdelay $0x4  }
0x285: {  	v51 =	vshll.u32 v3, $0x1  }
0x286: {  	v3 =	vand.u32 $0x7, v3;
	v4 =	vand.u32 $0xFFFFFFF0, v51  }
0x287: {  	v3 =	vor.u32 v3, v4  }
0x288: {  	v4 =	vperm.xlane v3, v0;
	_ =	sdelay $0x1  }
0x289: {  	v3 =	vperm.xlane v3, v2;
	v4 =	vadd.s32 v1, v4;
	_ =	sdelay $0x1  }
0x28a: {  	v3 =	vadd.s32 v1, v3;
	_ =	sdelay $0x1  }
0x28b: {  	s12 =	simm.s32 $0x3400  }
0x28c: {  	[tilespmem:s12], [sflag:$0x2] =	stream.indirect_vreg.gather [hbm4b:s1+s3], $0x80, v4, vm0, $0xb8;
	[tilespmem:$0x10400] =	vst v63  }
0x28d: {  	s21 =	simm.s32 $0x3C00  }
0x28e: {  	[tilespmem:s21], [sflag:$0x2] =	stream.indirect_vreg.gather [hbm4b:s1+s3], $0x80, v3, vm0, $0xb8;
	[tilespmem:$0x10400] =	vst v63  }
0x28f: {  	_ =	swait.ge [sflag:s17], $0x4000  }
0x290: {  	[sflag:s17] =	ssyncset.done $0x0  }
0x291: {  	s6 =	rddreg [dreg:$0xf];
	[sflag:s17] =	ssyncadd.s32 $0xFFFFC000  }
0x292: {  	[hbm4b:s6+s3] =	stream.linear.scatter [tilespmem:s4], [sflag:$0x9], $0x4000, $0x38;
	[tilespmem:$0x10400] =	vst v63  }
0x293: {  	_ =	swait.ge [sflag:s18], $0x4000  }
0x294: {  	[sflag:s18] =	ssyncset.done $0x0  }
0x295: {  	[sflag:s18] =	ssyncadd.s32 $0xFFFFC000  }
0x296: {  	v3 =	vld [tilespmem:$0x340];
	_ =	sdelay $0x4  }
0x297: {  	v52 =	vshll.u32 v3, $0x1  }
0x298: {  	v3 =	vand.u32 $0x7, v3;
	v4 =	vand.u32 $0xFFFFFFF0, v52  }
0x299: {  	v3 =	vor.u32 v3, v4  }
0x29a: {  	v4 =	vperm.xlane v3, v0;
	_ =	sdelay $0x1  }
0x29b: {  	v3 =	vperm.xlane v3, v2;
	v4 =	vadd.s32 v1, v4;
	_ =	sdelay $0x1  }
0x29c: {  	v3 =	vadd.s32 v1, v3;
	_ =	sdelay $0x2  }
0x29d: {  	[tilespmem:s15], [sflag:$0x3] =	stream.indirect_vreg.gather [hbm4b:s1+s3], $0x80, v4, vm0, $0xb8;
	[tilespmem:$0x10400] =	vst v63  }
0x29e: {  	s9 =	simm.s32 $0x4C00  }
0x29f: {  	[tilespmem:s9], [sflag:$0x3] =	stream.indirect_vreg.gather [hbm4b:s1+s3], $0x80, v3, vm0, $0xb8;
	[tilespmem:$0x10400] =	vst v63  }
0x2a0: {  	v3 =	vld [tilespmem:$0x350];
	_ =	sdelay $0x4  }
0x2a1: {  	v53 =	vshll.u32 v3, $0x1  }
0x2a2: {  	v3 =	vand.u32 $0x7, v3;
	v4 =	vand.u32 $0xFFFFFFF0, v53  }
0x2a3: {  	v3 =	vor.u32 v3, v4  }
0x2a4: {  	v4 =	vperm.xlane v3, v0;
	_ =	sdelay $0x1  }
0x2a5: {  	v3 =	vperm.xlane v3, v2;
	v4 =	vadd.s32 v1, v4;
	_ =	sdelay $0x1  }
0x2a6: {  	v3 =	vadd.s32 v1, v3;
	_ =	sdelay $0x1  }
0x2a7: {  	s12 =	simm.s32 $0x5400  }
0x2a8: {  	[tilespmem:s12], [sflag:$0x3] =	stream.indirect_vreg.gather [hbm4b:s1+s3], $0x80, v4, vm0, $0xb8;
	[tilespmem:$0x10400] =	vst v63  }
0x2a9: {  	s21 =	simm.s32 $0x5C00  }
0x2aa: {  	[tilespmem:s21], [sflag:$0x3] =	stream.indirect_vreg.gather [hbm4b:s1+s3], $0x80, v3, vm0, $0xb8;
	[tilespmem:$0x10400] =	vst v63  }
0x2ab: {  	v3 =	vld [tilespmem:$0x360];
	_ =	sdelay $0x4  }
0x2ac: {  	v54 =	vshll.u32 v3, $0x1  }
0x2ad: {  	v3 =	vand.u32 $0x7, v3;
	v4 =	vand.u32 $0xFFFFFFF0, v54  }
0x2ae: {  	v3 =	vor.u32 v3, v4  }
0x2af: {  	v4 =	vperm.xlane v3, v0;
	_ =	sdelay $0x1  }
0x2b0: {  	v3 =	vperm.xlane v3, v2;
	v4 =	vadd.s32 v1, v4;
	_ =	sdelay $0x1  }
0x2b1: {  	v3 =	vadd.s32 v1, v3;
	_ =	sdelay $0x1  }
0x2b2: {  	s13 =	simm.s32 $0x6400  }
0x2b3: {  	[tilespmem:s13], [sflag:$0x3] =	stream.indirect_vreg.gather [hbm4b:s1+s3], $0x80, v4, vm0, $0xb8;
	[tilespmem:$0x10400] =	vst v63  }
0x2b4: {  	s28 =	simm.s32 $0x6C00  }
0x2b5: {  	[tilespmem:s28], [sflag:$0x3] =	stream.indirect_vreg.gather [hbm4b:s1+s3], $0x80, v3, vm0, $0xb8;
	[tilespmem:$0x10400] =	vst v63  }
0x2b6: {  	v3 =	vld [tilespmem:$0x370];
	_ =	sdelay $0x4  }
0x2b7: {  	v55 =	vshll.u32 v3, $0x1  }
0x2b8: {  	v3 =	vand.u32 $0x7, v3;
	v4 =	vand.u32 $0xFFFFFFF0, v55  }
0x2b9: {  	v3 =	vor.u32 v3, v4  }
0x2ba: {  	v4 =	vperm.xlane v3, v0;
	_ =	sdelay $0x1  }
0x2bb: {  	v3 =	vperm.xlane v3, v2;
	v4 =	vadd.s32 v1, v4;
	_ =	sdelay $0x1  }
0x2bc: {  	v3 =	vadd.s32 v1, v3;
	_ =	sdelay $0x1  }
0x2bd: {  	s26 =	simm.s32 $0x7400  }
0x2be: {  	[tilespmem:s26], [sflag:$0x3] =	stream.indirect_vreg.gather [hbm4b:s1+s3], $0x80, v4, vm0, $0xb8;
	[tilespmem:$0x10400] =	vst v63  }
0x2bf: {  	s29 =	simm.s32 $0x7C00  }
0x2c0: {  	[tilespmem:s29], [sflag:$0x3] =	stream.indirect_vreg.gather [hbm4b:s1+s3], $0x80, v3, vm0, $0xb8;
	[tilespmem:$0x10400] =	vst v63  }
0x2c1: {  	_ =	swait.ge [sflag:s23], $0x4000  }
0x2c2: {  	[sflag:s23] =	ssyncset.done $0x0  }
0x2c3: {  	s28 =	rddreg [dreg:$0x10];
	[sflag:s23] =	ssyncadd.s32 $0xFFFFC000  }
0x2c4: {  	[hbm4b:s28+s3] =	stream.linear.scatter [tilespmem:s11], [sflag:$0x6], $0x4000, $0x38;
	[tilespmem:$0x10400] =	vst v63  }
0x2c5: {  	_ =	swait.ge [sflag:s19], $0x4000  }
0x2c6: {  	[sflag:s19] =	ssyncset.done $0x0  }
0x2c7: {  	[sflag:s19] =	ssyncadd.s32 $0xFFFFC000  }
0x2c8: {  	v3 =	vld [tilespmem:$0x380];
	_ =	sdelay $0x4  }
0x2c9: {  	v56 =	vshll.u32 v3, $0x1  }
0x2ca: {  	v3 =	vand.u32 $0x7, v3;
	v4 =	vand.u32 $0xFFFFFFF0, v56  }
0x2cb: {  	v3 =	vor.u32 v3, v4  }
0x2cc: {  	v4 =	vperm.xlane v3, v0;
	_ =	sdelay $0x1  }
0x2cd: {  	v3 =	vperm.xlane v3, v2;
	v4 =	vadd.s32 v1, v4;
	_ =	sdelay $0x1  }
0x2ce: {  	v3 =	vadd.s32 v1, v3;
	_ =	sdelay $0x2  }
0x2cf: {  	[tilespmem:s24], [sflag:$0x4] =	stream.indirect_vreg.gather [hbm4b:s1+s3], $0x80, v4, vm0, $0xb8;
	[tilespmem:$0x10400] =	vst v63  }
0x2d0: {  	s29 =	simm.s32 $0x8C00  }
0x2d1: {  	[tilespmem:s29], [sflag:$0x4] =	stream.indirect_vreg.gather [hbm4b:s1+s3], $0x80, v3, vm0, $0xb8;
	[tilespmem:$0x10400] =	vst v63  }
0x2d2: {  	v3 =	vld [tilespmem:$0x390];
	_ =	sdelay $0x4  }
0x2d3: {  	v57 =	vshll.u32 v3, $0x1  }
0x2d4: {  	v3 =	vand.u32 $0x7, v3;
	v4 =	vand.u32 $0xFFFFFFF0, v57  }
0x2d5: {  	v3 =	vor.u32 v3, v4  }
0x2d6: {  	v4 =	vperm.xlane v3, v0;
	_ =	sdelay $0x1  }
0x2d7: {  	v3 =	vperm.xlane v3, v2;
	v4 =	vadd.s32 v1, v4;
	_ =	sdelay $0x1  }
0x2d8: {  	v3 =	vadd.s32 v1, v3;
	_ =	sdelay $0x1  }
0x2d9: {  	s2 =	simm.s32 $0x9400  }
0x2da: {  	[tilespmem:s2], [sflag:$0x4] =	stream.indirect_vreg.gather [hbm4b:s1+s3], $0x80, v4, vm0, $0xb8;
	[tilespmem:$0x10400] =	vst v63  }
0x2db: {  	s9 =	simm.s32 $0x9C00  }
0x2dc: {  	[tilespmem:s9], [sflag:$0x4] =	stream.indirect_vreg.gather [hbm4b:s1+s3], $0x80, v3, vm0, $0xb8;
	[tilespmem:$0x10400] =	vst v63  }
0x2dd: {  	v3 =	vld [tilespmem:$0x3A0];
	_ =	sdelay $0x4  }
0x2de: {  	v58 =	vshll.u32 v3, $0x1  }
0x2df: {  	v3 =	vand.u32 $0x7, v3;
	v4 =	vand.u32 $0xFFFFFFF0, v58  }
0x2e0: {  	v3 =	vor.u32 v3, v4  }
0x2e1: {  	v4 =	vperm.xlane v3, v0;
	_ =	sdelay $0x1  }
0x2e2: {  	v3 =	vperm.xlane v3, v2;
	v4 =	vadd.s32 v1, v4;
	_ =	sdelay $0x1  }
0x2e3: {  	v3 =	vadd.s32 v1, v3;
	_ =	sdelay $0x1  }
0x2e4: {  	s7 =	simm.s32 $0xA400  }
0x2e5: {  	[tilespmem:s7], [sflag:$0x4] =	stream.indirect_vreg.gather [hbm4b:s1+s3], $0x80, v4, vm0, $0xb8;
	[tilespmem:$0x10400] =	vst v63  }
0x2e6: {  	s10 =	simm.s32 $0xAC00  }
0x2e7: {  	[tilespmem:s10], [sflag:$0x4] =	stream.indirect_vreg.gather [hbm4b:s1+s3], $0x80, v3, vm0, $0xb8;
	[tilespmem:$0x10400] =	vst v63  }
0x2e8: {  	v3 =	vld [tilespmem:$0x3B0];
	_ =	sdelay $0x4  }
0x2e9: {  	v59 =	vshll.u32 v3, $0x1  }
0x2ea: {  	v3 =	vand.u32 $0x7, v3;
	v4 =	vand.u32 $0xFFFFFFF0, v59  }
0x2eb: {  	v3 =	vor.u32 v3, v4  }
0x2ec: {  	v4 =	vperm.xlane v3, v0;
	_ =	sdelay $0x1  }
0x2ed: {  	v3 =	vperm.xlane v3, v2;
	v4 =	vadd.s32 v1, v4;
	_ =	sdelay $0x1  }
0x2ee: {  	v3 =	vadd.s32 v1, v3;
	_ =	sdelay $0x1  }
0x2ef: {  	s8 =	simm.s32 $0xB400  }
0x2f0: {  	[tilespmem:s8], [sflag:$0x4] =	stream.indirect_vreg.gather [hbm4b:s1+s3], $0x80, v4, vm0, $0xb8;
	[tilespmem:$0x10400] =	vst v63  }
0x2f1: {  	s12 =	simm.s32 $0xBC00  }
0x2f2: {  	[tilespmem:s12], [sflag:$0x4] =	stream.indirect_vreg.gather [hbm4b:s1+s3], $0x80, v3, vm0, $0xb8;
	[tilespmem:$0x10400] =	vst v63  }
0x2f3: {  	_ =	swait.ge [sflag:s0], $0x4000  }
0x2f4: {  	[sflag:s0] =	ssyncset.done $0x0  }
0x2f5: {  	s13 =	rddreg [dreg:$0x11];
	[sflag:s0] =	ssyncadd.s32 $0xFFFFC000  }
0x2f6: {  	[hbm4b:s13+s3] =	stream.linear.scatter [tilespmem:s15], [sflag:$0x7], $0x4000, $0x38;
	[tilespmem:$0x10400] =	vst v63  }
0x2f7: {  	_ =	swait.ge [sflag:s20], $0x4000  }
0x2f8: {  	[sflag:s20] =	ssyncset.done $0x0  }
0x2f9: {  	[sflag:s20] =	ssyncadd.s32 $0xFFFFC000  }
0x2fa: {  	v3 =	vld [tilespmem:$0x3C0];
	_ =	sdelay $0x4  }
0x2fb: {  	v60 =	vshll.u32 v3, $0x1  }
0x2fc: {  	v3 =	vand.u32 $0x7, v3;
	v4 =	vand.u32 $0xFFFFFFF0, v60  }
0x2fd: {  	v3 =	vor.u32 v3, v4  }
0x2fe: {  	v4 =	vperm.xlane v3, v0;
	_ =	sdelay $0x1  }
0x2ff: {  	v3 =	vperm.xlane v3, v2;
	v4 =	vadd.s32 v1, v4;
	_ =	sdelay $0x1  }
0x300: {  	v3 =	vadd.s32 v1, v3;
	_ =	sdelay $0x2  }
0x301: {  	[tilespmem:s4], [sflag:$0x5] =	stream.indirect_vreg.gather [hbm4b:s1+s3], $0x80, v4, vm0, $0xb8;
	[tilespmem:$0x10400] =	vst v63  }
0x302: {  	s31 =	simm.s32 $0xCC00  }
0x303: {  	[tilespmem:s31], [sflag:$0x5] =	stream.indirect_vreg.gather [hbm4b:s1+s3], $0x80, v3, vm0, $0xb8;
	[tilespmem:$0x10400] =	vst v63  }
0x304: {  	v3 =	vld [tilespmem:$0x3D0];
	_ =	sdelay $0x4  }
0x305: {  	v61 =	vshll.u32 v3, $0x1  }
0x306: {  	v3 =	vand.u32 $0x7, v3;
	v4 =	vand.u32 $0xFFFFFFF0, v61  }
0x307: {  	v3 =	vor.u32 v3, v4  }
0x308: {  	v4 =	vperm.xlane v3, v0;
	_ =	sdelay $0x1  }
0x309: {  	v3 =	vperm.xlane v3, v2;
	v4 =	vadd.s32 v1, v4;
	_ =	sdelay $0x1  }
0x30a: {  	v3 =	vadd.s32 v1, v3;
	_ =	sdelay $0x1  }
0x30b: {  	s22 =	simm.s32 $0xD400  }
0x30c: {  	[tilespmem:s22], [sflag:$0x5] =	stream.indirect_vreg.gather [hbm4b:s1+s3], $0x80, v4, vm0, $0xb8;
	[tilespmem:$0x10400] =	vst v63  }
0x30d: {  	s26 =	simm.s32 $0xDC00  }
0x30e: {  	[tilespmem:s26], [sflag:$0x5] =	stream.indirect_vreg.gather [hbm4b:s1+s3], $0x80, v3, vm0, $0xb8;
	[tilespmem:$0x10400] =	vst v63  }
0x30f: {  	v3 =	vld [tilespmem:$0x3E0];
	_ =	sdelay $0x4  }
0x310: {  	v62 =	vshll.u32 v3, $0x1  }
0x311: {  	v3 =	vand.u32 $0x7, v3;
	v4 =	vand.u32 $0xFFFFFFF0, v62  }
0x312: {  	v3 =	vor.u32 v3, v4  }
0x313: {  	v4 =	vperm.xlane v3, v0;
	_ =	sdelay $0x1  }
0x314: {  	v3 =	vperm.xlane v3, v2;
	v4 =	vadd.s32 v1, v4;
	_ =	sdelay $0x1  }
0x315: {  	v3 =	vadd.s32 v1, v3;
	_ =	sdelay $0x1  }
0x316: {  	s25 =	simm.s32 $0xE400  }
0x317: {  	[tilespmem:s25], [sflag:$0x5] =	stream.indirect_vreg.gather [hbm4b:s1+s3], $0x80, v4, vm0, $0xb8;
	[tilespmem:$0x10400] =	vst v63  }
0x318: {  	s28 =	simm.s32 $0xEC00  }
0x319: {  	[tilespmem:s28], [sflag:$0x5] =	stream.indirect_vreg.gather [hbm4b:s1+s3], $0x80, v3, vm0, $0xb8;
	[tilespmem:$0x10400] =	vst v63  }
0x31a: {  	v3 =	vld [tilespmem:$0x3F0];
	_ =	sdelay $0x4  }
0x31b: {  	v63 =	vshll.u32 v3, $0x1  }
0x31c: {  	v3 =	vand.u32 $0x7, v3;
	v4 =	vand.u32 $0xFFFFFFF0, v63  }
0x31d: {  	v3 =	vor.u32 v3, v4  }
0x31e: {  	v4 =	vperm.xlane v3, v0;
	_ =	sdelay $0x1  }
0x31f: {  	v3 =	vperm.xlane v3, v2;
	v4 =	vadd.s32 v1, v4;
	_ =	sdelay $0x1  }
0x320: {  	v3 =	vadd.s32 v1, v3;
	_ =	sdelay $0x1  }
0x321: {  	s30 =	simm.s32 $0xF400  }
0x322: {  	[tilespmem:s30], [sflag:$0x5] =	stream.indirect_vreg.gather [hbm4b:s1+s3], $0x80, v4, vm0, $0xb8;
	[tilespmem:$0x10400] =	vst v63  }
0x323: {  	s29 =	simm.s32 $0xFC00  }
0x324: {  	[tilespmem:s29], [sflag:$0x5] =	stream.indirect_vreg.gather [hbm4b:s1+s3], $0x80, v3, vm0, $0xb8;
	[tilespmem:$0x10400] =	vst v63  }
0x325: {  	_ =	swait.ge [sflag:s14], $0x4000  }
0x326: {  	[sflag:s14] =	ssyncset.done $0x0  }
0x327: {  	s30 =	rddreg [dreg:$0x12];
	[sflag:s14] =	ssyncadd.s32 $0xFFFFC000  }
0x328: {  	[hbm4b:s30+s3] =	stream.linear.scatter [tilespmem:s24], [sflag:$0x8], $0x4000, $0x38;
	[tilespmem:$0x10400] =	vst v63  }
0x329: {  	_ =	swait.ge [sflag:s17], $0x4000  }
0x32a: {  	[sflag:s17] =	ssyncset.done $0x0  }
0x32b: {  	s31 =	rddreg [dreg:$0x13];
	[sflag:s17] =	ssyncadd.s32 $0xFFFFC000  }
0x32c: {  	[hbm4b:s31+s3] =	stream.linear.scatter [tilespmem:s4], [sflag:$0x9], $0x4000, $0x38;
	[tilespmem:$0x10400] =	vst v63  }
0x32d: {  	_ =	swait.ge [sflag:s16], $0x4000  }
0x32e: {  	[sflag:s16] =	ssyncset.done $0x0  }
0x32f: {  	[sflag:s16] =	ssyncadd.s32 $0xFFFFC000  }
0x330: {  	_ =	swait.ge [sflag:s18], $0x4000  }
0x331: {  	[sflag:s18] =	ssyncset.done $0x0  }
0x332: {  	[sflag:s18] =	ssyncadd.s32 $0xFFFFC000  }
0x333: {  	p0 =	sne.s32 s5, $0x1;
	_ =	swait.ge [sflag:s19], $0x4000  }
.Ltmp0:
0x334: {  	[sflag:s19] =	ssyncset.done $0x0;
	(pc) =	sbr.rel @p0 .LBB2_1-.Ltmp0, $4  }
0x335: {  	[sflag:s19] =	ssyncadd.s32 $0xFFFFC000  }
0x336: {  	_ =	swait.ge [sflag:s20], $0x4000  }
0x337: {  	[sflag:s20] =	ssyncset.done $0x0  }
0x338: {  	s5 =	sadd.s32 $0xFFFFFFFF, s5;
	[sflag:s20] =	ssyncadd.s32 $0xFFFFC000  }
0x339: {  	_ =	sfence.sel $0x180000  }
0x33a: {  	[bflag:$0x0] =	sbarrier.arrive $0xFFFF  }
0x33b: {  	_ =	strace $0x90000047  }
0x33c: {  	s0 =	stileid.u32;
	[bflag:$0x2] =	sbarrier.arrive $0xFFFF  }
0x33d: {  	p0 =	sne.s32 s0, $0x0;
	s0 =	rddreg [dreg:$0x3]  }
0x33e: {  	s0 =	sadd.s32 @!p0 $0x100000, s0  }
0x33f: {  	[sflag:s0] =	ssyncadd.tile.s32 @!p0 $0x1;
	_ =	shalt  }
.Lfunc_end2:
_tile_overlayer_lowered:
.L_overlay_start_2:
0x340: {  	(tag) =	ssettag $0x2  }
0x341: {  	s0 =	rddreg [dreg:$0x0];
	s2 =	stileid.u32  }
0x342: {  	s1 =	rddreg [dreg:$0x1];
	p0 =	sne.s32 s2, $0x0  }
0x343: {  	s3 =	rddreg [dreg:$0x2];
	[bflag:$0x3] =	sbarrier.arrive $0xFFFF;
	s2 =	simm.s32 @!p0 $0x1C0A  }
0x344: {  	[timem:s3], [sflag:s2] =	dma.local @!p0 [hbm:s0], s1  }
0x345: {  	s0 =	simm.s32 @!p0 $0xA  }
0x346: {  	_ =	swait.ge @!p0 [sflag:s0], s1  }
0x347: {  	s1 =	ssub.s32 @!p0 $0x0, s1;
	[sflag:s0] =	ssyncset.done @!p0 $0x0  }
0x348: {  	[sflag:s0] =	ssyncadd.s32 @!p0 s1  }
0x349: {  	[bflag:$0x3] =	sbarrier.arrive $0xFFFF  }
0x34a: {  	_ =	shalt  }

</sc_bundles>
